<compile_context>
chip_gen: v7x
topology: tpu7x:2x2x1
jax: 0.10.2.dev20260603
libtpu: 0.0.44.dev20260713+nightly
codegen_flags: <defaults>
</compile_context>

<pallas_src>
import functools

import jax
import jax.numpy as jnp
from jax import lax
from jax.experimental import pallas as pl
from jax.experimental.pallas import tpu as pltpu
from jax.experimental.pallas import tpu_sc as plsc

NUM_CORES = 2
NUM_SUBCORES = 16
NUM_TILES = NUM_CORES * NUM_SUBCORES
ROW_BLOCK = 1000


def _row_partition(n_nodes):
  rpt = (n_nodes // NUM_SUBCORES) & ~7
  tail_off = rpt * NUM_SUBCORES
  tail = n_nodes - tail_off
  return rpt, tail_off, tail


def _copy_row_slices(src, dst, s, n_nodes):
  rpt, tail_off, tail = _row_partition(n_nodes)
  off = pl.multiple_of(s * rpt, 8)
  pltpu.sync_copy(src.at[pl.ds(off, rpt)], dst.at[pl.ds(off, rpt)])
  if tail:
    @pl.when(s == 0)
    def _():
      pltpu.sync_copy(src.at[pl.ds(tail_off, tail)],
                      dst.at[pl.ds(tail_off, tail)])


STEP_CHUNK = 104
NBUF = 3


def _sc_step_kernel(n_nodes, n_edges, d):
  ept = n_edges // NUM_TILES
  n_chunks = ept // STEP_CHUNK
  tail = ept - n_chunks * STEP_CHUNK
  n_rounds = n_chunks // NBUF
  assert n_chunks % NBUF == 0 and n_rounds % 2 == 0
  assert tail <= STEP_CHUNK and tail % 8 == 0
  mesh = plsc.VectorSubcoreMesh(core_axis_name="c", subcore_axis_name="s")

  scratch = ([pltpu.VMEM((2, STEP_CHUNK), jnp.int32)
              for _ in range(2 * NBUF)]
             + [pltpu.VMEM((STEP_CHUNK, d), jnp.float32) for _ in range(NBUF)]
             + [pltpu.VMEM((2, max(tail, 8)), jnp.int32),
                pltpu.VMEM_SHARED((n_nodes, d), jnp.float32)]
             + [pltpu.SemaphoreType.DMA for _ in range(3 * NBUF)])

  @functools.partial(
      pl.kernel,
      out_type=jax.ShapeDtypeStruct((NUM_CORES, n_nodes, d), jnp.float32),
      mesh=mesh,
      scratch_types=scratch,
  )
  def step_kernel(g_hbm, ei_hbm, eit_hbm, zeros_hbm, out_hbm, *sc):
    iset = (sc[0:NBUF], sc[NBUF:2 * NBUF])
    rows = sc[2 * NBUF:3 * NBUF]
    tidx = sc[3 * NBUF]
    acc_sh = sc[3 * NBUF + 1]
    gsem = sc[3 * NBUF + 2:3 * NBUF + 2 + NBUF]
    ssem = sc[3 * NBUF + 2 + NBUF:3 * NBUF + 2 + 2 * NBUF]
    isem = sc[3 * NBUF + 2 + 2 * NBUF:]
    c = lax.axis_index("c")
    s = lax.axis_index("s")
    w = c * NUM_SUBCORES + s

    def drain(sem, b):
      pltpu.make_async_copy(g_hbm.at[pl.ds(0, STEP_CHUNK)], rows[b], sem).wait()

    def drain_idx(b, p):
      pltpu.make_async_copy(ei_hbm.at[w, 0], iset[p][b], isem[b]).wait()

    _copy_row_slices(zeros_hbm, acc_sh, s, n_nodes)
    plsc.subcore_barrier()

    for b in range(NBUF):
      pltpu.sync_copy(ei_hbm.at[w, b], iset[0][b])
      pltpu.async_copy(g_hbm.at[iset[0][b].at[0]], rows[b], gsem[b])

    def round_pair(i, carry):
      for po in range(2):
        r = i * 2 + po
        p, q = po, 1 - po
        last = r + 1 >= n_rounds

        @pl.when(jnp.logical_not(last))
        def _():
          for b in range(NBUF):
            pltpu.async_copy(ei_hbm.at[w, (r + 1) * NBUF + b], iset[q][b],
                             isem[b])

        for b in range(NBUF):
          drain(gsem[b], b)
          pltpu.async_copy(rows[b], acc_sh.at[iset[p][b].at[1]], ssem[b],
                           add=True)

        for b in range(NBUF):
          drain(ssem[b], b)

          @pl.when(jnp.logical_not(last))
          def _():
            drain_idx(b, q)
            pltpu.async_copy(g_hbm.at[iset[q][b].at[0]], rows[b], gsem[b])

      return carry

    lax.fori_loop(0, n_rounds // 2, round_pair, 0)

    if tail:
      pltpu.sync_copy(eit_hbm.at[w], tidx)
      rows_t = rows[0].at[pl.ds(0, tail)]
      pltpu.async_copy(g_hbm.at[tidx.at[0, pl.ds(0, tail)]], rows_t,
                       gsem[0]).wait()
      pltpu.sync_copy(rows_t, acc_sh.at[tidx.at[1, pl.ds(0, tail)]], add=True)

    plsc.subcore_barrier()
    _copy_row_slices(acc_sh, out_hbm.at[c], s, n_nodes)

  return step_kernel


def _tc_init(x, w1, b1, w2, b2, deg_p, gamma0):
  n, d_in = x.shape
  d_out = w2.shape[1]
  grid = (n // ROW_BLOCK,)

  def body(x_ref, w1_ref, b1_ref, w2_ref, b2_ref, dp_ref, g0m_ref,
           out0_ref, g0_ref, dinv_ref):
    h = jnp.dot(x_ref[...], w1_ref[...], preferred_element_type=jnp.float32)
    h = jnp.maximum(h + b1_ref[...], 0.0)
    h = jnp.dot(h, w2_ref[...], preferred_element_type=jnp.float32)
    h = h + b2_ref[...]
    deg = dp_ref[0, :, 0:1] + dp_ref[1, :, 0:1]
    dinv = jnp.where(deg > 0.0, lax.rsqrt(deg), 0.0)
    out0_ref[...] = g0m_ref[0, 0] * h
    g0_ref[...] = dinv * h
    dinv_ref[...] = dinv

  return pl.pallas_call(
      body,
      grid=grid,
      in_specs=[
          pl.BlockSpec((ROW_BLOCK, d_in), lambda i: (i, 0)),
          pl.BlockSpec((d_in, w1.shape[1]), lambda i: (0, 0)),
          pl.BlockSpec((1, w1.shape[1]), lambda i: (0, 0)),
          pl.BlockSpec((w1.shape[1], d_out), lambda i: (0, 0)),
          pl.BlockSpec((1, d_out), lambda i: (0, 0)),
          pl.BlockSpec((NUM_CORES, ROW_BLOCK, d_out), lambda i: (0, i, 0)),
          pl.BlockSpec((1, 1), lambda i: (0, 0)),
      ],
      out_specs=[
          pl.BlockSpec((ROW_BLOCK, d_out), lambda i: (i, 0)),
          pl.BlockSpec((ROW_BLOCK, d_out), lambda i: (i, 0)),
          pl.BlockSpec((ROW_BLOCK, 1), lambda i: (i, 0)),
      ],
      out_shape=[
          jax.ShapeDtypeStruct((n, d_out), jnp.float32),
          jax.ShapeDtypeStruct((n, d_out), jnp.float32),
          jax.ShapeDtypeStruct((n, 1), jnp.float32),
      ],
  )(x, w1, b1, w2, b2, deg_p, gamma0)


def _tc_merge(s_p, dinv, out_prev, gamma_k):
  n, d = out_prev.shape
  grid = (n // ROW_BLOCK,)

  def body(sp_ref, dinv_ref, outp_ref, gk_ref, out_ref, g_ref):
    sblk = sp_ref[0] + sp_ref[1]
    dv = dinv_ref[...]
    h = dv * sblk
    out_ref[...] = outp_ref[...] + gk_ref[0, 0] * h
    g_ref[...] = dv * h

  return pl.pallas_call(
      body,
      grid=grid,
      in_specs=[
          pl.BlockSpec((NUM_CORES, ROW_BLOCK, d), lambda i: (0, i, 0)),
          pl.BlockSpec((ROW_BLOCK, 1), lambda i: (i, 0)),
          pl.BlockSpec((ROW_BLOCK, d), lambda i: (i, 0)),
          pl.BlockSpec((1, 1), lambda i: (0, 0)),
      ],
      out_specs=[
          pl.BlockSpec((ROW_BLOCK, d), lambda i: (i, 0)),
          pl.BlockSpec((ROW_BLOCK, d), lambda i: (i, 0)),
      ],
      out_shape=[
          jax.ShapeDtypeStruct((n, d), jnp.float32),
          jax.ShapeDtypeStruct((n, d), jnp.float32),
      ],
  )(s_p, dinv, out_prev, gamma_k)


def kernel(x, edge_index, W1, b1, W2, b2, gamma):
  n, _ = x.shape
  d = W2.shape[1]
  e = edge_index.shape[1]
  k_steps = gamma.shape[0] - 1
  row = edge_index[0]
  col = edge_index[1]

  zeros_nd = jnp.zeros((n, d), jnp.float32)
  ones_nd = jnp.ones((n, d), jnp.float32)

  ept = e // NUM_TILES
  n_chunks = ept // STEP_CHUNK
  main_e = n_chunks * STEP_CHUNK
  r2 = row.reshape(NUM_TILES, ept)
  c2 = col.reshape(NUM_TILES, ept)
  ei_main = jnp.stack([r2[:, :main_e].reshape(NUM_TILES, n_chunks, STEP_CHUNK),
                       c2[:, :main_e].reshape(NUM_TILES, n_chunks, STEP_CHUNK)],
                      axis=2)
  tail = ept - main_e
  if tail:
    ei_tail = jnp.stack([r2[:, main_e:], c2[:, main_e:]], axis=1)
  else:
    ei_tail = jnp.zeros((NUM_TILES, 2, 8), jnp.int32)

  step = _sc_step_kernel(n, e, d)
  deg_p = step(ones_nd, ei_main, ei_tail, zeros_nd)
  out, g, dinv = _tc_init(x, W1, b1.reshape(1, -1), W2, b2.reshape(1, -1),
                          deg_p, gamma[0].reshape(1, 1))
  def body(k, carry):
    out_c, g_c = carry
    s_p = step(g_c, ei_main, ei_tail, zeros_nd)
    gk = lax.dynamic_slice(gamma, (k,), (1,)).reshape(1, 1)
    return _tc_merge(s_p, dinv, out_c, gk)

  out, g = lax.fori_loop(1, k_steps + 1, body, (out, g))
  return out

# --- scband reference (transcript-rebuilt; emitter-appended) ---
"""Pipeline reference for scband-gprgnn-24481313587824 (READ-ONLY COPY).

The authoritative reference and input builder live on the scoring server;
editing this copy changes nothing except your own understanding.
"""

import jax, jax.numpy as jnp
import numpy as np

N = 10000
E = 320000
D_IN = 128
D_HID = 128
D_OUT = 128
K = 10


def setup_inputs(seed: int = 0) -> dict:
    key = jax.random.key(seed)
    ks = jax.random.split(key, 8)
    x = jax.random.normal(ks[0], (N, D_IN), dtype=jnp.float32)
    edge_index = jax.random.randint(ks[1], (2, E), 0, N, dtype=jnp.int32)
    # learned parameters (torch nn.Linear: y = x @ W.T + b; here store W already transposed)
    W1 = jax.random.normal(ks[2], (D_IN, D_HID), dtype=jnp.float32) * (1.0 / np.sqrt(D_IN))
    b1 = jnp.zeros((D_HID,), dtype=jnp.float32)
    W2 = jax.random.normal(ks[3], (D_HID, D_OUT), dtype=jnp.float32) * (1.0 / np.sqrt(D_HID))
    b2 = jnp.zeros((D_OUT,), dtype=jnp.float32)
    gamma = jnp.ones((K + 1,), dtype=jnp.float32) / (K + 1)
    return {"x": x, "edge_index": edge_index, "W1": W1, "b1": b1, "W2": W2, "b2": b2, "gamma": gamma}


def reference(x, edge_index, W1, b1, W2, b2, gamma):
    # eval mode: dropout is a no-op
    h = jax.nn.relu(x @ W1 + b1)
    h = h @ W2 + b2
    num_nodes = h.shape[0]
    row = edge_index[0]
    col = edge_index[1]
    deg = jax.ops.segment_sum(jnp.ones_like(col, dtype=h.dtype), col, num_segments=num_nodes)
    deg_inv_sqrt = jnp.where(deg > 0, deg ** -0.5, 0.0)
    norm = deg_inv_sqrt[row] * deg_inv_sqrt[col]  # [E]
    out = gamma[0] * h
    h_k = h
    k_steps = gamma.shape[0] - 1
    for k in range(1, k_steps + 1):
        msgs = norm[:, None] * h_k[row]  # gather over source nodes
        h_k = jnp.zeros_like(h_k).at[col].add(msgs)  # scatter-add to dst nodes
        out = out + gamma[k] * h_k
    return out

if __name__ == "__main__":
    import jax
    _d = setup_inputs()
    print(jax.jit(kernel)(*tuple(_d.values())))

</pallas_src>

<mosaic_0001>
#map = affine_map<(d0, d1) -> (0, 0)>
#map1 = affine_map<(d0, d1) -> (0, 0, 0, 0)>
#map2 = affine_map<(d0, d1) -> (0, 0, 0)>
module attributes {stable_mosaic.version = 14 : i64} {
  func.func @step_kernel(%arg0: i32, %arg1: i32, %arg2: memref<10000x128xf32, #tpu.memory_space<hbm>>, %arg3: memref<32x96x2x104xi32, #tpu.memory_space<hbm>>, %arg4: memref<32x2x16xi32, #tpu.memory_space<hbm>>, %arg5: memref<10000x128xf32, #tpu.memory_space<hbm>>, %arg6: memref<2x10000x128xf32, #tpu.memory_space<hbm>>, %arg7: memref<2x104xi32, #tpu.memory_space<vmem>>, %arg8: memref<2x104xi32, #tpu.memory_space<vmem>>, %arg9: memref<2x104xi32, #tpu.memory_space<vmem>>, %arg10: memref<2x104xi32, #tpu.memory_space<vmem>>, %arg11: memref<2x104xi32, #tpu.memory_space<vmem>>, %arg12: memref<2x104xi32, #tpu.memory_space<vmem>>, %arg13: memref<104x128xf32, #tpu.memory_space<vmem>>, %arg14: memref<104x128xf32, #tpu.memory_space<vmem>>, %arg15: memref<104x128xf32, #tpu.memory_space<vmem>>, %arg16: memref<2x16xi32, #tpu.memory_space<vmem>>, %arg17: memref<10000x128xf32, #tpu.memory_space<vmem_shared>>, %arg18: memref<!tpu.dma_semaphore, #tpu.memory_space<semaphore_mem>>, %arg19: memref<!tpu.dma_semaphore, #tpu.memory_space<semaphore_mem>>, %arg20: memref<!tpu.dma_semaphore, #tpu.memory_space<semaphore_mem>>, %arg21: memref<!tpu.dma_semaphore, #tpu.memory_space<semaphore_mem>>, %arg22: memref<!tpu.dma_semaphore, #tpu.memory_space<semaphore_mem>>, %arg23: memref<!tpu.dma_semaphore, #tpu.memory_space<semaphore_mem>>, %arg24: memref<!tpu.dma_semaphore, #tpu.memory_space<semaphore_mem>>, %arg25: memref<!tpu.dma_semaphore, #tpu.memory_space<semaphore_mem>>, %arg26: memref<!tpu.dma_semaphore, #tpu.memory_space<semaphore_mem>>) attributes {dimension_semantics = [#tpu.dimension_semantics<core_parallel>, #tpu.dimension_semantics<subcore_parallel>], iteration_bounds = array<i64: 2, 16>, scalar_prefetch = 0 : i64, scratch_operands = 20 : i64, tpu.core_type = #tpu.core_type<sc_vector_subcore>, window_params = [{transform_indices = #map}, {transform_indices = #map1}, {transform_indices = #map2}, {transform_indices = #map}, {transform_indices = #map2}]} {
    %mul3A = arith.constant 16 : i32
    %mul3A_0 = arith.muli %arg0, %mul3A : i32
    %add3A = arith.addi %mul3A_0, %arg1 : i32
    %mul3A_1 = arith.constant 624 : i32
    %mul3A_2 = arith.muli %arg1, %mul3A_1 : i32
    %multiple_of3A = tpu.assume_multiple %mul3A_2, 8 : i32
    "tpu.region"() ({
      %run_scoped3A_61 = tpu.sem_alloc : memref<!tpu.dma_semaphore, #tpu.memory_space<semaphore_mem>>
      %dma_start3A_62 = arith.constant 0 : i32
      %dma_start3A_63 = tpu.memref_slice %arg17[%multiple_of3A, %dma_start3A_62] : memref<10000x128xf32, #tpu.memory_space<vmem_shared>> -> memref<624x128xf32, #tpu.memory_space<vmem_shared>>
      %dma_start3A_64 = arith.constant 0 : i32
      %dma_start3A_65 = tpu.memref_slice %arg5[%multiple_of3A, %dma_start3A_64] : memref<10000x128xf32, #tpu.memory_space<hbm>> -> memref<624x128xf32, #tpu.memory_space<hbm>>
      tpu.enqueue_dma source(%dma_start3A_65 : memref<624x128xf32, #tpu.memory_space<hbm>>) target(%dma_start3A_63 : memref<624x128xf32, #tpu.memory_space<vmem_shared>>) target_semaphore(%run_scoped3A_61 : memref<!tpu.dma_semaphore, #tpu.memory_space<semaphore_mem>>)
      %dma_wait3A_66 = arith.constant 0 : i32
      %dma_wait3A_67 = tpu.memref_slice %arg17[%multiple_of3A, %dma_wait3A_66] : memref<10000x128xf32, #tpu.memory_space<vmem_shared>> -> memref<624x128xf32, #tpu.memory_space<vmem_shared>>
      %dma_wait3A_68 = arith.constant 0 : i32
      %dma_wait3A_69 = tpu.memref_slice %arg5[%multiple_of3A, %dma_wait3A_68] : memref<10000x128xf32, #tpu.memory_space<hbm>> -> memref<624x128xf32, #tpu.memory_space<hbm>>
      tpu.wait_dma2 semaphore(%run_scoped3A_61 : memref<!tpu.dma_semaphore, #tpu.memory_space<semaphore_mem>>) src(%dma_wait3A_69 : memref<624x128xf32, #tpu.memory_space<hbm>>) dst(%dma_wait3A_67 : memref<624x128xf32, #tpu.memory_space<vmem_shared>>)
      tpu.yield
    }) : () -> ()
    %eq3A = arith.constant 0 : i32
    %eq3A_3 = arith.cmpi eq, %arg1, %eq3A : i32
    %convert_element_type3A = arith.extui %eq3A_3 : i1 to i32
    %cond3A = arith.constant 0 : i32
    %cond3A_4 = arith.cmpi ne, %convert_element_type3A, %cond3A : i32
    scf.if %cond3A_4 {
      "tpu.region"() ({
        %run_scoped3A_61 = tpu.sem_alloc : memref<!tpu.dma_semaphore, #tpu.memory_space<semaphore_mem>>
        %dma_start3A_62 = arith.constant 9984 : i32
        %dma_start3A_63 = arith.constant 0 : i32
        %dma_start3A_64 = tpu.memref_slice %arg17[%dma_start3A_62, %dma_start3A_63] : memref<10000x128xf32, #tpu.memory_space<vmem_shared>> -> memref<16x128xf32, #tpu.memory_space<vmem_shared>>
        %dma_start3A_65 = arith.constant 9984 : i32
        %dma_start3A_66 = arith.constant 0 : i32
        %dma_start3A_67 = tpu.memref_slice %arg5[%dma_start3A_65, %dma_start3A_66] : memref<10000x128xf32, #tpu.memory_space<hbm>> -> memref<16x128xf32, #tpu.memory_space<hbm>>
        tpu.enqueue_dma source(%dma_start3A_67 : memref<16x128xf32, #tpu.memory_space<hbm>>) target(%dma_start3A_64 : memref<16x128xf32, #tpu.memory_space<vmem_shared>>) target_semaphore(%run_scoped3A_61 : memref<!tpu.dma_semaphore, #tpu.memory_space<semaphore_mem>>)
        %dma_wait3A_68 = arith.constant 9984 : i32
        %dma_wait3A_69 = arith.constant 0 : i32
        %dma_wait3A_70 = tpu.memref_slice %arg17[%dma_wait3A_68, %dma_wait3A_69] : memref<10000x128xf32, #tpu.memory_space<vmem_shared>> -> memref<16x128xf32, #tpu.memory_space<vmem_shared>>
        %dma_wait3A_71 = arith.constant 9984 : i32
        %dma_wait3A_72 = arith.constant 0 : i32
        %dma_wait3A_73 = tpu.memref_slice %arg5[%dma_wait3A_71, %dma_wait3A_72] : memref<10000x128xf32, #tpu.memory_space<hbm>> -> memref<16x128xf32, #tpu.memory_space<hbm>>
        tpu.wait_dma2 semaphore(%run_scoped3A_61 : memref<!tpu.dma_semaphore, #tpu.memory_space<semaphore_mem>>) src(%dma_wait3A_73 : memref<16x128xf32, #tpu.memory_space<hbm>>) dst(%dma_wait3A_70 : memref<16x128xf32, #tpu.memory_space<vmem_shared>>)
        tpu.yield
      }) : () -> ()
    } else {
    }
    %barrier3A = arith.constant 0 : index
    tpu.barrier barrier_id(%barrier3A)
    %run_scoped3A = arith.constant 0 : i32
    "tpu.region"() ({
      %run_scoped3A_61 = tpu.sem_alloc : memref<!tpu.dma_semaphore, #tpu.memory_space<semaphore_mem>>
      %dma_start3A_62 = arith.constant 0 : i32
      %dma_start3A_63 = arith.constant 0 : i32
      %dma_start3A_64 = tpu.memref_slice %arg3[%add3A, %run_scoped3A, %dma_start3A_62, %dma_start3A_63] : memref<32x96x2x104xi32, #tpu.memory_space<hbm>> -> memref<1x1x2x104xi32, #tpu.memory_space<hbm>>
      %dma_start3A_65 = tpu.memref_squeeze %dma_start3A_64 : memref<1x1x2x104xi32, #tpu.memory_space<hbm>> -> memref<2x104xi32, #tpu.memory_space<hbm>>
      %dma_start3A_66 = arith.constant 0 : i32
      %dma_start3A_67 = arith.constant 0 : i32
      %dma_start3A_68 = tpu.memref_slice %arg3[%add3A, %run_scoped3A, %dma_start3A_66, %dma_start3A_67] : memref<32x96x2x104xi32, #tpu.memory_space<hbm>> -> memref<1x1x2x104xi32, #tpu.memory_space<hbm>>
      %dma_start3A_69 = tpu.memref_squeeze %dma_start3A_68 : memref<1x1x2x104xi32, #tpu.memory_space<hbm>> -> memref<2x104xi32, #tpu.memory_space<hbm>>
      tpu.enqueue_dma source(%dma_start3A_69 : memref<2x104xi32, #tpu.memory_space<hbm>>) target(%arg7 : memref<2x104xi32, #tpu.memory_space<vmem>>) target_semaphore(%run_scoped3A_61 : memref<!tpu.dma_semaphore, #tpu.memory_space<semaphore_mem>>)
      %dma_wait3A_70 = arith.constant 0 : i32
      %dma_wait3A_71 = arith.constant 0 : i32
      %dma_wait3A_72 = tpu.memref_slice %arg3[%add3A, %run_scoped3A, %dma_wait3A_70, %dma_wait3A_71] : memref<32x96x2x104xi32, #tpu.memory_space<hbm>> -> memref<1x1x2x104xi32, #tpu.memory_space<hbm>>
      %dma_wait3A_73 = tpu.memref_squeeze %dma_wait3A_72 : memref<1x1x2x104xi32, #tpu.memory_space<hbm>> -> memref<2x104xi32, #tpu.memory_space<hbm>>
      %dma_wait3A_74 = arith.constant 0 : i32
      %dma_wait3A_75 = arith.constant 0 : i32
      %dma_wait3A_76 = tpu.memref_slice %arg3[%add3A, %run_scoped3A, %dma_wait3A_74, %dma_wait3A_75] : memref<32x96x2x104xi32, #tpu.memory_space<hbm>> -> memref<1x1x2x104xi32, #tpu.memory_space<hbm>>
      %dma_wait3A_77 = tpu.memref_squeeze %dma_wait3A_76 : memref<1x1x2x104xi32, #tpu.memory_space<hbm>> -> memref<2x104xi32, #tpu.memory_space<hbm>>
      tpu.wait_dma2 semaphore(%run_scoped3A_61 : memref<!tpu.dma_semaphore, #tpu.memory_space<semaphore_mem>>) src(%dma_wait3A_77 : memref<2x104xi32, #tpu.memory_space<hbm>>) dst(%arg7 : memref<2x104xi32, #tpu.memory_space<vmem>>)
      tpu.yield
    }) : () -> ()
    %dma_start3A = arith.constant 0 : i32
    %dma_start3A_5 = arith.constant 0 : i32
    %dma_start3A_6 = tpu.memref_slice %arg7[%dma_start3A, %dma_start3A_5] : memref<2x104xi32, #tpu.memory_space<vmem>> -> memref<1x104xi32, #tpu.memory_space<vmem>>
    %dma_start3A_7 = tpu.memref_squeeze %dma_start3A_6 : memref<1x104xi32, #tpu.memory_space<vmem>> -> memref<104xi32, #tpu.memory_space<vmem>>
    %dma_start3A_8 = arith.constant 0 : i32
    %dma_start3A_9 = arith.constant 0 : i32
    %dma_start3A_10 = tpu.memref_slice %arg2[%dma_start3A_8, %dma_start3A_9] : memref<10000x128xf32, #tpu.memory_space<hbm>> -> memref<10000x128xf32, #tpu.memory_space<hbm>>
    tpu.enqueue_indirect_dma source(%dma_start3A_10 : memref<10000x128xf32, #tpu.memory_space<hbm>>) target(%arg13 : memref<104x128xf32, #tpu.memory_space<vmem>>) offsets(%dma_start3A_7 : memref<104xi32, #tpu.memory_space<vmem>>) semaphore(%arg18 : memref<!tpu.dma_semaphore, #tpu.memory_space<semaphore_mem>>)
    %run_scoped3A_11 = arith.constant 1 : i32
    "tpu.region"() ({
      %run_scoped3A_61 = tpu.sem_alloc : memref<!tpu.dma_semaphore, #tpu.memory_space<semaphore_mem>>
      %dma_start3A_62 = arith.constant 0 : i32
      %dma_start3A_63 = arith.constant 0 : i32
      %dma_start3A_64 = tpu.memref_slice %arg3[%add3A, %run_scoped3A_11, %dma_start3A_62, %dma_start3A_63] : memref<32x96x2x104xi32, #tpu.memory_space<hbm>> -> memref<1x1x2x104xi32, #tpu.memory_space<hbm>>
      %dma_start3A_65 = tpu.memref_squeeze %dma_start3A_64 : memref<1x1x2x104xi32, #tpu.memory_space<hbm>> -> memref<2x104xi32, #tpu.memory_space<hbm>>
      %dma_start3A_66 = arith.constant 0 : i32
      %dma_start3A_67 = arith.constant 0 : i32
      %dma_start3A_68 = tpu.memref_slice %arg3[%add3A, %run_scoped3A_11, %dma_start3A_66, %dma_start3A_67] : memref<32x96x2x104xi32, #tpu.memory_space<hbm>> -> memref<1x1x2x104xi32, #tpu.memory_space<hbm>>
      %dma_start3A_69 = tpu.memref_squeeze %dma_start3A_68 : memref<1x1x2x104xi32, #tpu.memory_space<hbm>> -> memref<2x104xi32, #tpu.memory_space<hbm>>
      tpu.enqueue_dma source(%dma_start3A_69 : memref<2x104xi32, #tpu.memory_space<hbm>>) target(%arg8 : memref<2x104xi32, #tpu.memory_space<vmem>>) target_semaphore(%run_scoped3A_61 : memref<!tpu.dma_semaphore, #tpu.memory_space<semaphore_mem>>)
      %dma_wait3A_70 = arith.constant 0 : i32
      %dma_wait3A_71 = arith.constant 0 : i32
      %dma_wait3A_72 = tpu.memref_slice %arg3[%add3A, %run_scoped3A_11, %dma_wait3A_70, %dma_wait3A_71] : memref<32x96x2x104xi32, #tpu.memory_space<hbm>> -> memref<1x1x2x104xi32, #tpu.memory_space<hbm>>
      %dma_wait3A_73 = tpu.memref_squeeze %dma_wait3A_72 : memref<1x1x2x104xi32, #tpu.memory_space<hbm>> -> memref<2x104xi32, #tpu.memory_space<hbm>>
      %dma_wait3A_74 = arith.constant 0 : i32
      %dma_wait3A_75 = arith.constant 0 : i32
      %dma_wait3A_76 = tpu.memref_slice %arg3[%add3A, %run_scoped3A_11, %dma_wait3A_74, %dma_wait3A_75] : memref<32x96x2x104xi32, #tpu.memory_space<hbm>> -> memref<1x1x2x104xi32, #tpu.memory_space<hbm>>
      %dma_wait3A_77 = tpu.memref_squeeze %dma_wait3A_76 : memref<1x1x2x104xi32, #tpu.memory_space<hbm>> -> memref<2x104xi32, #tpu.memory_space<hbm>>
      tpu.wait_dma2 semaphore(%run_scoped3A_61 : memref<!tpu.dma_semaphore, #tpu.memory_space<semaphore_mem>>) src(%dma_wait3A_77 : memref<2x104xi32, #tpu.memory_space<hbm>>) dst(%arg8 : memref<2x104xi32, #tpu.memory_space<vmem>>)
      tpu.yield
    }) : () -> ()
    %dma_start3A_12 = arith.constant 0 : i32
    %dma_start3A_13 = arith.constant 0 : i32
    %dma_start3A_14 = tpu.memref_slice %arg8[%dma_start3A_12, %dma_start3A_13] : memref<2x104xi32, #tpu.memory_space<vmem>> -> memref<1x104xi32, #tpu.memory_space<vmem>>
    %dma_start3A_15 = tpu.memref_squeeze %dma_start3A_14 : memref<1x104xi32, #tpu.memory_space<vmem>> -> memref<104xi32, #tpu.memory_space<vmem>>
    %dma_start3A_16 = arith.constant 0 : i32
    %dma_start3A_17 = arith.constant 0 : i32
    %dma_start3A_18 = tpu.memref_slice %arg2[%dma_start3A_16, %dma_start3A_17] : memref<10000x128xf32, #tpu.memory_space<hbm>> -> memref<10000x128xf32, #tpu.memory_space<hbm>>
    tpu.enqueue_indirect_dma source(%dma_start3A_18 : memref<10000x128xf32, #tpu.memory_space<hbm>>) target(%arg14 : memref<104x128xf32, #tpu.memory_space<vmem>>) offsets(%dma_start3A_15 : memref<104xi32, #tpu.memory_space<vmem>>) semaphore(%arg19 : memref<!tpu.dma_semaphore, #tpu.memory_space<semaphore_mem>>)
    %run_scoped3A_19 = arith.constant 2 : i32
    "tpu.region"() ({
      %run_scoped3A_61 = tpu.sem_alloc : memref<!tpu.dma_semaphore, #tpu.memory_space<semaphore_mem>>
      %dma_start3A_62 = arith.constant 0 : i32
      %dma_start3A_63 = arith.constant 0 : i32
      %dma_start3A_64 = tpu.memref_slice %arg3[%add3A, %run_scoped3A_19, %dma_start3A_62, %dma_start3A_63] : memref<32x96x2x104xi32, #tpu.memory_space<hbm>> -> memref<1x1x2x104xi32, #tpu.memory_space<hbm>>
      %dma_start3A_65 = tpu.memref_squeeze %dma_start3A_64 : memref<1x1x2x104xi32, #tpu.memory_space<hbm>> -> memref<2x104xi32, #tpu.memory_space<hbm>>
      %dma_start3A_66 = arith.constant 0 : i32
      %dma_start3A_67 = arith.constant 0 : i32
      %dma_start3A_68 = tpu.memref_slice %arg3[%add3A, %run_scoped3A_19, %dma_start3A_66, %dma_start3A_67] : memref<32x96x2x104xi32, #tpu.memory_space<hbm>> -> memref<1x1x2x104xi32, #tpu.memory_space<hbm>>
      %dma_start3A_69 = tpu.memref_squeeze %dma_start3A_68 : memref<1x1x2x104xi32, #tpu.memory_space<hbm>> -> memref<2x104xi32, #tpu.memory_space<hbm>>
      tpu.enqueue_dma source(%dma_start3A_69 : memref<2x104xi32, #tpu.memory_space<hbm>>) target(%arg9 : memref<2x104xi32, #tpu.memory_space<vmem>>) target_semaphore(%run_scoped3A_61 : memref<!tpu.dma_semaphore, #tpu.memory_space<semaphore_mem>>)
      %dma_wait3A_70 = arith.constant 0 : i32
      %dma_wait3A_71 = arith.constant 0 : i32
      %dma_wait3A_72 = tpu.memref_slice %arg3[%add3A, %run_scoped3A_19, %dma_wait3A_70, %dma_wait3A_71] : memref<32x96x2x104xi32, #tpu.memory_space<hbm>> -> memref<1x1x2x104xi32, #tpu.memory_space<hbm>>
      %dma_wait3A_73 = tpu.memref_squeeze %dma_wait3A_72 : memref<1x1x2x104xi32, #tpu.memory_space<hbm>> -> memref<2x104xi32, #tpu.memory_space<hbm>>
      %dma_wait3A_74 = arith.constant 0 : i32
      %dma_wait3A_75 = arith.constant 0 : i32
      %dma_wait3A_76 = tpu.memref_slice %arg3[%add3A, %run_scoped3A_19, %dma_wait3A_74, %dma_wait3A_75] : memref<32x96x2x104xi32, #tpu.memory_space<hbm>> -> memref<1x1x2x104xi32, #tpu.memory_space<hbm>>
      %dma_wait3A_77 = tpu.memref_squeeze %dma_wait3A_76 : memref<1x1x2x104xi32, #tpu.memory_space<hbm>> -> memref<2x104xi32, #tpu.memory_space<hbm>>
      tpu.wait_dma2 semaphore(%run_scoped3A_61 : memref<!tpu.dma_semaphore, #tpu.memory_space<semaphore_mem>>) src(%dma_wait3A_77 : memref<2x104xi32, #tpu.memory_space<hbm>>) dst(%arg9 : memref<2x104xi32, #tpu.memory_space<vmem>>)
      tpu.yield
    }) : () -> ()
    %dma_start3A_20 = arith.constant 0 : i32
    %dma_start3A_21 = arith.constant 0 : i32
    %dma_start3A_22 = tpu.memref_slice %arg9[%dma_start3A_20, %dma_start3A_21] : memref<2x104xi32, #tpu.memory_space<vmem>> -> memref<1x104xi32, #tpu.memory_space<vmem>>
    %dma_start3A_23 = tpu.memref_squeeze %dma_start3A_22 : memref<1x104xi32, #tpu.memory_space<vmem>> -> memref<104xi32, #tpu.memory_space<vmem>>
    %dma_start3A_24 = arith.constant 0 : i32
    %dma_start3A_25 = arith.constant 0 : i32
    %dma_start3A_26 = tpu.memref_slice %arg2[%dma_start3A_24, %dma_start3A_25] : memref<10000x128xf32, #tpu.memory_space<hbm>> -> memref<10000x128xf32, #tpu.memory_space<hbm>>
    tpu.enqueue_indirect_dma source(%dma_start3A_26 : memref<10000x128xf32, #tpu.memory_space<hbm>>) target(%arg15 : memref<104x128xf32, #tpu.memory_space<vmem>>) offsets(%dma_start3A_23 : memref<104xi32, #tpu.memory_space<vmem>>) semaphore(%arg20 : memref<!tpu.dma_semaphore, #tpu.memory_space<semaphore_mem>>)
    %scan3A = arith.constant 0 : i32
    %scan3A_27 = arith.constant 0 : i32
    %scan3A_28 = arith.constant 16 : i32
    %scan3A_29 = arith.addi %scan3A_27, %scan3A_28 : i32
    %scan3A_30 = arith.constant 1 : i32
    scf.for %scan3A_61 = %scan3A_27 to %scan3A_29 step %scan3A_30  : i32 {
      %mul3A_62 = arith.constant 2 : i32
      %mul3A_63 = arith.muli %scan3A_61, %mul3A_62 : i32
      %add3A_64 = arith.constant 0 : i32
      %add3A_65 = arith.addi %mul3A_63, %add3A_64 : i32
      %add3A_66 = arith.constant 1 : i32
      %add3A_67 = arith.addi %add3A_65, %add3A_66 : i32
      %ge3A = arith.constant 32 : i32
      %ge3A_68 = arith.cmpi sge, %add3A_67, %ge3A : i32
      %not3A = arith.constant true
      %not3A_69 = arith.xori %ge3A_68, %not3A : i1
      %convert_element_type3A_70 = arith.extui %not3A_69 : i1 to i32
      %cond3A_71 = arith.constant 0 : i32
      %cond3A_72 = arith.cmpi ne, %convert_element_type3A_70, %cond3A_71 : i32
      scf.if %cond3A_72 {
        %add3A_230 = arith.constant 1 : i32
        %add3A_231 = arith.addi %add3A_65, %add3A_230 : i32
        %mul3A_232 = arith.constant 3 : i32
        %mul3A_233 = arith.muli %add3A_231, %mul3A_232 : i32
        %add3A_234 = arith.constant 0 : i32
        %add3A_235 = arith.addi %mul3A_233, %add3A_234 : i32
        %dma_start3A_236 = arith.constant 0 : i32
        %dma_start3A_237 = arith.constant 0 : i32
        %dma_start3A_238 = tpu.memref_slice %arg3[%add3A, %add3A_235, %dma_start3A_236, %dma_start3A_237] : memref<32x96x2x104xi32, #tpu.memory_space<hbm>> -> memref<1x1x2x104xi32, #tpu.memory_space<hbm>>
        %dma_start3A_239 = tpu.memref_squeeze %dma_start3A_238 : memref<1x1x2x104xi32, #tpu.memory_space<hbm>> -> memref<2x104xi32, #tpu.memory_space<hbm>>
        %dma_start3A_240 = arith.constant 0 : i32
        %dma_start3A_241 = arith.constant 0 : i32
        %dma_start3A_242 = tpu.memref_slice %arg3[%add3A, %add3A_235, %dma_start3A_240, %dma_start3A_241] : memref<32x96x2x104xi32, #tpu.memory_space<hbm>> -> memref<1x1x2x104xi32, #tpu.memory_space<hbm>>
        %dma_start3A_243 = tpu.memref_squeeze %dma_start3A_242 : memref<1x1x2x104xi32, #tpu.memory_space<hbm>> -> memref<2x104xi32, #tpu.memory_space<hbm>>
        tpu.enqueue_dma source(%dma_start3A_243 : memref<2x104xi32, #tpu.memory_space<hbm>>) target(%arg10 : memref<2x104xi32, #tpu.memory_space<vmem>>) target_semaphore(%arg24 : memref<!tpu.dma_semaphore, #tpu.memory_space<semaphore_mem>>)
        %add3A_244 = arith.constant 1 : i32
        %add3A_245 = arith.addi %add3A_65, %add3A_244 : i32
        %mul3A_246 = arith.constant 3 : i32
        %mul3A_247 = arith.muli %add3A_245, %mul3A_246 : i32
        %add3A_248 = arith.constant 1 : i32
        %add3A_249 = arith.addi %mul3A_247, %add3A_248 : i32
        %dma_start3A_250 = arith.constant 0 : i32
        %dma_start3A_251 = arith.constant 0 : i32
        %dma_start3A_252 = tpu.memref_slice %arg3[%add3A, %add3A_249, %dma_start3A_250, %dma_start3A_251] : memref<32x96x2x104xi32, #tpu.memory_space<hbm>> -> memref<1x1x2x104xi32, #tpu.memory_space<hbm>>
        %dma_start3A_253 = tpu.memref_squeeze %dma_start3A_252 : memref<1x1x2x104xi32, #tpu.memory_space<hbm>> -> memref<2x104xi32, #tpu.memory_space<hbm>>
        %dma_start3A_254 = arith.constant 0 : i32
        %dma_start3A_255 = arith.constant 0 : i32
        %dma_start3A_256 = tpu.memref_slice %arg3[%add3A, %add3A_249, %dma_start3A_254, %dma_start3A_255] : memref<32x96x2x104xi32, #tpu.memory_space<hbm>> -> memref<1x1x2x104xi32, #tpu.memory_space<hbm>>
        %dma_start3A_257 = tpu.memref_squeeze %dma_start3A_256 : memref<1x1x2x104xi32, #tpu.memory_space<hbm>> -> memref<2x104xi32, #tpu.memory_space<hbm>>
        tpu.enqueue_dma source(%dma_start3A_257 : memref<2x104xi32, #tpu.memory_space<hbm>>) target(%arg11 : memref<2x104xi32, #tpu.memory_space<vmem>>) target_semaphore(%arg25 : memref<!tpu.dma_semaphore, #tpu.memory_space<semaphore_mem>>)
        %add3A_258 = arith.constant 1 : i32
        %add3A_259 = arith.addi %add3A_65, %add3A_258 : i32
        %mul3A_260 = arith.constant 3 : i32
        %mul3A_261 = arith.muli %add3A_259, %mul3A_260 : i32
        %add3A_262 = arith.constant 2 : i32
        %add3A_263 = arith.addi %mul3A_261, %add3A_262 : i32
        %dma_start3A_264 = arith.constant 0 : i32
        %dma_start3A_265 = arith.constant 0 : i32
        %dma_start3A_266 = tpu.memref_slice %arg3[%add3A, %add3A_263, %dma_start3A_264, %dma_start3A_265] : memref<32x96x2x104xi32, #tpu.memory_space<hbm>> -> memref<1x1x2x104xi32, #tpu.memory_space<hbm>>
        %dma_start3A_267 = tpu.memref_squeeze %dma_start3A_266 : memref<1x1x2x104xi32, #tpu.memory_space<hbm>> -> memref<2x104xi32, #tpu.memory_space<hbm>>
        %dma_start3A_268 = arith.constant 0 : i32
        %dma_start3A_269 = arith.constant 0 : i32
        %dma_start3A_270 = tpu.memref_slice %arg3[%add3A, %add3A_263, %dma_start3A_268, %dma_start3A_269] : memref<32x96x2x104xi32, #tpu.memory_space<hbm>> -> memref<1x1x2x104xi32, #tpu.memory_space<hbm>>
        %dma_start3A_271 = tpu.memref_squeeze %dma_start3A_270 : memref<1x1x2x104xi32, #tpu.memory_space<hbm>> -> memref<2x104xi32, #tpu.memory_space<hbm>>
        tpu.enqueue_dma source(%dma_start3A_271 : memref<2x104xi32, #tpu.memory_space<hbm>>) target(%arg12 : memref<2x104xi32, #tpu.memory_space<vmem>>) target_semaphore(%arg26 : memref<!tpu.dma_semaphore, #tpu.memory_space<semaphore_mem>>)
      } else {
      }
      %dma_wait3A_73 = arith.constant 0 : i32
      %dma_wait3A_74 = arith.constant 0 : i32
      %dma_wait3A_75 = tpu.memref_slice %arg2[%dma_wait3A_73, %dma_wait3A_74] : memref<10000x128xf32, #tpu.memory_space<hbm>> -> memref<104x128xf32, #tpu.memory_space<hbm>>
      %dma_wait3A_76 = arith.constant 0 : i32
      %dma_wait3A_77 = arith.constant 0 : i32
      %dma_wait3A_78 = tpu.memref_slice %arg2[%dma_wait3A_76, %dma_wait3A_77] : memref<10000x128xf32, #tpu.memory_space<hbm>> -> memref<104x128xf32, #tpu.memory_space<hbm>>
      tpu.wait_dma2 semaphore(%arg18 : memref<!tpu.dma_semaphore, #tpu.memory_space<semaphore_mem>>) src(%dma_wait3A_78 : memref<104x128xf32, #tpu.memory_space<hbm>>) dst(%arg13 : memref<104x128xf32, #tpu.memory_space<vmem>>)
      %dma_start3A_79 = arith.constant 1 : i32
      %dma_start3A_80 = arith.constant 0 : i32
      %dma_start3A_81 = tpu.memref_slice %arg7[%dma_start3A_79, %dma_start3A_80] : memref<2x104xi32, #tpu.memory_space<vmem>> -> memref<1x104xi32, #tpu.memory_space<vmem>>
      %dma_start3A_82 = tpu.memref_squeeze %dma_start3A_81 : memref<1x104xi32, #tpu.memory_space<vmem>> -> memref<104xi32, #tpu.memory_space<vmem>>
      %dma_start3A_83 = arith.constant 0 : i32
      %dma_start3A_84 = arith.constant 0 : i32
      %dma_start3A_85 = tpu.memref_slice %arg17[%dma_start3A_83, %dma_start3A_84] : memref<10000x128xf32, #tpu.memory_space<vmem_shared>> -> memref<10000x128xf32, #tpu.memory_space<vmem_shared>>
      tpu.enqueue_indirect_dma source(%arg13 : memref<104x128xf32, #tpu.memory_space<vmem>>) target(%dma_start3A_85 : memref<10000x128xf32, #tpu.memory_space<vmem_shared>>) offsets(%dma_start3A_82 : memref<104xi32, #tpu.memory_space<vmem>>) semaphore(%arg21 : memref<!tpu.dma_semaphore, #tpu.memory_space<semaphore_mem>>) {add = true}
      %dma_wait3A_86 = arith.constant 0 : i32
      %dma_wait3A_87 = arith.constant 0 : i32
      %dma_wait3A_88 = tpu.memref_slice %arg2[%dma_wait3A_86, %dma_wait3A_87] : memref<10000x128xf32, #tpu.memory_space<hbm>> -> memref<104x128xf32, #tpu.memory_space<hbm>>
      %dma_wait3A_89 = arith.constant 0 : i32
      %dma_wait3A_90 = arith.constant 0 : i32
      %dma_wait3A_91 = tpu.memref_slice %arg2[%dma_wait3A_89, %dma_wait3A_90] : memref<10000x128xf32, #tpu.memory_space<hbm>> -> memref<104x128xf32, #tpu.memory_space<hbm>>
      tpu.wait_dma2 semaphore(%arg19 : memref<!tpu.dma_semaphore, #tpu.memory_space<semaphore_mem>>) src(%dma_wait3A_91 : memref<104x128xf32, #tpu.memory_space<hbm>>) dst(%arg14 : memref<104x128xf32, #tpu.memory_space<vmem>>)
      %dma_start3A_92 = arith.constant 1 : i32
      %dma_start3A_93 = arith.constant 0 : i32
      %dma_start3A_94 = tpu.memref_slice %arg8[%dma_start3A_92, %dma_start3A_93] : memref<2x104xi32, #tpu.memory_space<vmem>> -> memref<1x104xi32, #tpu.memory_space<vmem>>
      %dma_start3A_95 = tpu.memref_squeeze %dma_start3A_94 : memref<1x104xi32, #tpu.memory_space<vmem>> -> memref<104xi32, #tpu.memory_space<vmem>>
      %dma_start3A_96 = arith.constant 0 : i32
      %dma_start3A_97 = arith.constant 0 : i32
      %dma_start3A_98 = tpu.memref_slice %arg17[%dma_start3A_96, %dma_start3A_97] : memref<10000x128xf32, #tpu.memory_space<vmem_shared>> -> memref<10000x128xf32, #tpu.memory_space<vmem_shared>>
      tpu.enqueue_indirect_dma source(%arg14 : memref<104x128xf32, #tpu.memory_space<vmem>>) target(%dma_start3A_98 : memref<10000x128xf32, #tpu.memory_space<vmem_shared>>) offsets(%dma_start3A_95 : memref<104xi32, #tpu.memory_space<vmem>>) semaphore(%arg22 : memref<!tpu.dma_semaphore, #tpu.memory_space<semaphore_mem>>) {add = true}
      %dma_wait3A_99 = arith.constant 0 : i32
      %dma_wait3A_100 = arith.constant 0 : i32
      %dma_wait3A_101 = tpu.memref_slice %arg2[%dma_wait3A_99, %dma_wait3A_100] : memref<10000x128xf32, #tpu.memory_space<hbm>> -> memref<104x128xf32, #tpu.memory_space<hbm>>
      %dma_wait3A_102 = arith.constant 0 : i32
      %dma_wait3A_103 = arith.constant 0 : i32
      %dma_wait3A_104 = tpu.memref_slice %arg2[%dma_wait3A_102, %dma_wait3A_103] : memref<10000x128xf32, #tpu.memory_space<hbm>> -> memref<104x128xf32, #tpu.memory_space<hbm>>
      tpu.wait_dma2 semaphore(%arg20 : memref<!tpu.dma_semaphore, #tpu.memory_space<semaphore_mem>>) src(%dma_wait3A_104 : memref<104x128xf32, #tpu.memory_space<hbm>>) dst(%arg15 : memref<104x128xf32, #tpu.memory_space<vmem>>)
      %dma_start3A_105 = arith.constant 1 : i32
      %dma_start3A_106 = arith.constant 0 : i32
      %dma_start3A_107 = tpu.memref_slice %arg9[%dma_start3A_105, %dma_start3A_106] : memref<2x104xi32, #tpu.memory_space<vmem>> -> memref<1x104xi32, #tpu.memory_space<vmem>>
      %dma_start3A_108 = tpu.memref_squeeze %dma_start3A_107 : memref<1x104xi32, #tpu.memory_space<vmem>> -> memref<104xi32, #tpu.memory_space<vmem>>
      %dma_start3A_109 = arith.constant 0 : i32
      %dma_start3A_110 = arith.constant 0 : i32
      %dma_start3A_111 = tpu.memref_slice %arg17[%dma_start3A_109, %dma_start3A_110] : memref<10000x128xf32, #tpu.memory_space<vmem_shared>> -> memref<10000x128xf32, #tpu.memory_space<vmem_shared>>
      tpu.enqueue_indirect_dma source(%arg15 : memref<104x128xf32, #tpu.memory_space<vmem>>) target(%dma_start3A_111 : memref<10000x128xf32, #tpu.memory_space<vmem_shared>>) offsets(%dma_start3A_108 : memref<104xi32, #tpu.memory_space<vmem>>) semaphore(%arg23 : memref<!tpu.dma_semaphore, #tpu.memory_space<semaphore_mem>>) {add = true}
      %dma_wait3A_112 = arith.constant 0 : i32
      %dma_wait3A_113 = arith.constant 0 : i32
      %dma_wait3A_114 = tpu.memref_slice %arg2[%dma_wait3A_112, %dma_wait3A_113] : memref<10000x128xf32, #tpu.memory_space<hbm>> -> memref<104x128xf32, #tpu.memory_space<hbm>>
      %dma_wait3A_115 = arith.constant 0 : i32
      %dma_wait3A_116 = arith.constant 0 : i32
      %dma_wait3A_117 = tpu.memref_slice %arg2[%dma_wait3A_115, %dma_wait3A_116] : memref<10000x128xf32, #tpu.memory_space<hbm>> -> memref<104x128xf32, #tpu.memory_space<hbm>>
      tpu.wait_dma2 semaphore(%arg21 : memref<!tpu.dma_semaphore, #tpu.memory_space<semaphore_mem>>) src(%dma_wait3A_117 : memref<104x128xf32, #tpu.memory_space<hbm>>) dst(%arg13 : memref<104x128xf32, #tpu.memory_space<vmem>>)
      %not3A_118 = arith.constant true
      %not3A_119 = arith.xori %ge3A_68, %not3A_118 : i1
      %convert_element_type3A_120 = arith.extui %not3A_119 : i1 to i32
      %cond3A_121 = arith.constant 0 : i32
      %cond3A_122 = arith.cmpi ne, %convert_element_type3A_120, %cond3A_121 : i32
      scf.if %cond3A_122 {
        %dma_wait3A_230 = arith.constant 0 : i32
        %dma_wait3A_231 = arith.constant 0 : i32
        %dma_wait3A_232 = arith.constant 0 : i32
        %dma_wait3A_233 = tpu.memref_slice %arg3[%add3A, %dma_wait3A_230, %dma_wait3A_231, %dma_wait3A_232] : memref<32x96x2x104xi32, #tpu.memory_space<hbm>> -> memref<1x1x2x104xi32, #tpu.memory_space<hbm>>
        %dma_wait3A_234 = tpu.memref_squeeze %dma_wait3A_233 : memref<1x1x2x104xi32, #tpu.memory_space<hbm>> -> memref<2x104xi32, #tpu.memory_space<hbm>>
        %dma_wait3A_235 = arith.constant 0 : i32
        %dma_wait3A_236 = arith.constant 0 : i32
        %dma_wait3A_237 = tpu.memref_slice %arg3[%add3A, %dma_wait3A_230, %dma_wait3A_235, %dma_wait3A_236] : memref<32x96x2x104xi32, #tpu.memory_space<hbm>> -> memref<1x1x2x104xi32, #tpu.memory_space<hbm>>
        %dma_wait3A_238 = tpu.memref_squeeze %dma_wait3A_237 : memref<1x1x2x104xi32, #tpu.memory_space<hbm>> -> memref<2x104xi32, #tpu.memory_space<hbm>>
        tpu.wait_dma2 semaphore(%arg24 : memref<!tpu.dma_semaphore, #tpu.memory_space<semaphore_mem>>) src(%dma_wait3A_238 : memref<2x104xi32, #tpu.memory_space<hbm>>) dst(%arg10 : memref<2x104xi32, #tpu.memory_space<vmem>>)
        %dma_start3A_239 = arith.constant 0 : i32
        %dma_start3A_240 = arith.constant 0 : i32
        %dma_start3A_241 = tpu.memref_slice %arg10[%dma_start3A_239, %dma_start3A_240] : memref<2x104xi32, #tpu.memory_space<vmem>> -> memref<1x104xi32, #tpu.memory_space<vmem>>
        %dma_start3A_242 = tpu.memref_squeeze %dma_start3A_241 : memref<1x104xi32, #tpu.memory_space<vmem>> -> memref<104xi32, #tpu.memory_space<vmem>>
        %dma_start3A_243 = arith.constant 0 : i32
        %dma_start3A_244 = arith.constant 0 : i32
        %dma_start3A_245 = tpu.memref_slice %arg2[%dma_start3A_243, %dma_start3A_244] : memref<10000x128xf32, #tpu.memory_space<hbm>> -> memref<10000x128xf32, #tpu.memory_space<hbm>>
        tpu.enqueue_indirect_dma source(%dma_start3A_245 : memref<10000x128xf32, #tpu.memory_space<hbm>>) target(%arg13 : memref<104x128xf32, #tpu.memory_space<vmem>>) offsets(%dma_start3A_242 : memref<104xi32, #tpu.memory_space<vmem>>) semaphore(%arg18 : memref<!tpu.dma_semaphore, #tpu.memory_space<semaphore_mem>>)
      } else {
      }
      %dma_wait3A_123 = arith.constant 0 : i32
      %dma_wait3A_124 = arith.constant 0 : i32
      %dma_wait3A_125 = tpu.memref_slice %arg2[%dma_wait3A_123, %dma_wait3A_124] : memref<10000x128xf32, #tpu.memory_space<hbm>> -> memref<104x128xf32, #tpu.memory_space<hbm>>
      %dma_wait3A_126 = arith.constant 0 : i32
      %dma_wait3A_127 = arith.constant 0 : i32
      %dma_wait3A_128 = tpu.memref_slice %arg2[%dma_wait3A_126, %dma_wait3A_127] : memref<10000x128xf32, #tpu.memory_space<hbm>> -> memref<104x128xf32, #tpu.memory_space<hbm>>
      tpu.wait_dma2 semaphore(%arg22 : memref<!tpu.dma_semaphore, #tpu.memory_space<semaphore_mem>>) src(%dma_wait3A_128 : memref<104x128xf32, #tpu.memory_space<hbm>>) dst(%arg14 : memref<104x128xf32, #tpu.memory_space<vmem>>)
      %not3A_129 = arith.constant true
      %not3A_130 = arith.xori %ge3A_68, %not3A_129 : i1
      %convert_element_type3A_131 = arith.extui %not3A_130 : i1 to i32
      %cond3A_132 = arith.constant 0 : i32
      %cond3A_133 = arith.cmpi ne, %convert_element_type3A_131, %cond3A_132 : i32
      scf.if %cond3A_133 {
        %dma_wait3A_230 = arith.constant 0 : i32
        %dma_wait3A_231 = arith.constant 0 : i32
        %dma_wait3A_232 = arith.constant 0 : i32
        %dma_wait3A_233 = tpu.memref_slice %arg3[%add3A, %dma_wait3A_230, %dma_wait3A_231, %dma_wait3A_232] : memref<32x96x2x104xi32, #tpu.memory_space<hbm>> -> memref<1x1x2x104xi32, #tpu.memory_space<hbm>>
        %dma_wait3A_234 = tpu.memref_squeeze %dma_wait3A_233 : memref<1x1x2x104xi32, #tpu.memory_space<hbm>> -> memref<2x104xi32, #tpu.memory_space<hbm>>
        %dma_wait3A_235 = arith.constant 0 : i32
        %dma_wait3A_236 = arith.constant 0 : i32
        %dma_wait3A_237 = tpu.memref_slice %arg3[%add3A, %dma_wait3A_230, %dma_wait3A_235, %dma_wait3A_236] : memref<32x96x2x104xi32, #tpu.memory_space<hbm>> -> memref<1x1x2x104xi32, #tpu.memory_space<hbm>>
        %dma_wait3A_238 = tpu.memref_squeeze %dma_wait3A_237 : memref<1x1x2x104xi32, #tpu.memory_space<hbm>> -> memref<2x104xi32, #tpu.memory_space<hbm>>
        tpu.wait_dma2 semaphore(%arg25 : memref<!tpu.dma_semaphore, #tpu.memory_space<semaphore_mem>>) src(%dma_wait3A_238 : memref<2x104xi32, #tpu.memory_space<hbm>>) dst(%arg11 : memref<2x104xi32, #tpu.memory_space<vmem>>)
        %dma_start3A_239 = arith.constant 0 : i32
        %dma_start3A_240 = arith.constant 0 : i32
        %dma_start3A_241 = tpu.memref_slice %arg11[%dma_start3A_239, %dma_start3A_240] : memref<2x104xi32, #tpu.memory_space<vmem>> -> memref<1x104xi32, #tpu.memory_space<vmem>>
        %dma_start3A_242 = tpu.memref_squeeze %dma_start3A_241 : memref<1x104xi32, #tpu.memory_space<vmem>> -> memref<104xi32, #tpu.memory_space<vmem>>
        %dma_start3A_243 = arith.constant 0 : i32
        %dma_start3A_244 = arith.constant 0 : i32
        %dma_start3A_245 = tpu.memref_slice %arg2[%dma_start3A_243, %dma_start3A_244] : memref<10000x128xf32, #tpu.memory_space<hbm>> -> memref<10000x128xf32, #tpu.memory_space<hbm>>
        tpu.enqueue_indirect_dma source(%dma_start3A_245 : memref<10000x128xf32, #tpu.memory_space<hbm>>) target(%arg14 : memref<104x128xf32, #tpu.memory_space<vmem>>) offsets(%dma_start3A_242 : memref<104xi32, #tpu.memory_space<vmem>>) semaphore(%arg19 : memref<!tpu.dma_semaphore, #tpu.memory_space<semaphore_mem>>)
      } else {
      }
      %dma_wait3A_134 = arith.constant 0 : i32
      %dma_wait3A_135 = arith.constant 0 : i32
      %dma_wait3A_136 = tpu.memref_slice %arg2[%dma_wait3A_134, %dma_wait3A_135] : memref<10000x128xf32, #tpu.memory_space<hbm>> -> memref<104x128xf32, #tpu.memory_space<hbm>>
      %dma_wait3A_137 = arith.constant 0 : i32
      %dma_wait3A_138 = arith.constant 0 : i32
      %dma_wait3A_139 = tpu.memref_slice %arg2[%dma_wait3A_137, %dma_wait3A_138] : memref<10000x128xf32, #tpu.memory_space<hbm>> -> memref<104x128xf32, #tpu.memory_space<hbm>>
      tpu.wait_dma2 semaphore(%arg23 : memref<!tpu.dma_semaphore, #tpu.memory_space<semaphore_mem>>) src(%dma_wait3A_139 : memref<104x128xf32, #tpu.memory_space<hbm>>) dst(%arg15 : memref<104x128xf32, #tpu.memory_space<vmem>>)
      %not3A_140 = arith.constant true
      %not3A_141 = arith.xori %ge3A_68, %not3A_140 : i1
      %convert_element_type3A_142 = arith.extui %not3A_141 : i1 to i32
      %cond3A_143 = arith.constant 0 : i32
      %cond3A_144 = arith.cmpi ne, %convert_element_type3A_142, %cond3A_143 : i32
      scf.if %cond3A_144 {
        %dma_wait3A_230 = arith.constant 0 : i32
        %dma_wait3A_231 = arith.constant 0 : i32
        %dma_wait3A_232 = arith.constant 0 : i32
        %dma_wait3A_233 = tpu.memref_slice %arg3[%add3A, %dma_wait3A_230, %dma_wait3A_231, %dma_wait3A_232] : memref<32x96x2x104xi32, #tpu.memory_space<hbm>> -> memref<1x1x2x104xi32, #tpu.memory_space<hbm>>
        %dma_wait3A_234 = tpu.memref_squeeze %dma_wait3A_233 : memref<1x1x2x104xi32, #tpu.memory_space<hbm>> -> memref<2x104xi32, #tpu.memory_space<hbm>>
        %dma_wait3A_235 = arith.constant 0 : i32
        %dma_wait3A_236 = arith.constant 0 : i32
        %dma_wait3A_237 = tpu.memref_slice %arg3[%add3A, %dma_wait3A_230, %dma_wait3A_235, %dma_wait3A_236] : memref<32x96x2x104xi32, #tpu.memory_space<hbm>> -> memref<1x1x2x104xi32, #tpu.memory_space<hbm>>
        %dma_wait3A_238 = tpu.memref_squeeze %dma_wait3A_237 : memref<1x1x2x104xi32, #tpu.memory_space<hbm>> -> memref<2x104xi32, #tpu.memory_space<hbm>>
        tpu.wait_dma2 semaphore(%arg26 : memref<!tpu.dma_semaphore, #tpu.memory_space<semaphore_mem>>) src(%dma_wait3A_238 : memref<2x104xi32, #tpu.memory_space<hbm>>) dst(%arg12 : memref<2x104xi32, #tpu.memory_space<vmem>>)
        %dma_start3A_239 = arith.constant 0 : i32
        %dma_start3A_240 = arith.constant 0 : i32
        %dma_start3A_241 = tpu.memref_slice %arg12[%dma_start3A_239, %dma_start3A_240] : memref<2x104xi32, #tpu.memory_space<vmem>> -> memref<1x104xi32, #tpu.memory_space<vmem>>
        %dma_start3A_242 = tpu.memref_squeeze %dma_start3A_241 : memref<1x104xi32, #tpu.memory_space<vmem>> -> memref<104xi32, #tpu.memory_space<vmem>>
        %dma_start3A_243 = arith.constant 0 : i32
        %dma_start3A_244 = arith.constant 0 : i32
        %dma_start3A_245 = tpu.memref_slice %arg2[%dma_start3A_243, %dma_start3A_244] : memref<10000x128xf32, #tpu.memory_space<hbm>> -> memref<10000x128xf32, #tpu.memory_space<hbm>>
        tpu.enqueue_indirect_dma source(%dma_start3A_245 : memref<10000x128xf32, #tpu.memory_space<hbm>>) target(%arg15 : memref<104x128xf32, #tpu.memory_space<vmem>>) offsets(%dma_start3A_242 : memref<104xi32, #tpu.memory_space<vmem>>) semaphore(%arg20 : memref<!tpu.dma_semaphore, #tpu.memory_space<semaphore_mem>>)
      } else {
      }
      %mul3A_145 = arith.constant 2 : i32
      %mul3A_146 = arith.muli %scan3A_61, %mul3A_145 : i32
      %add3A_147 = arith.constant 1 : i32
      %add3A_148 = arith.addi %mul3A_146, %add3A_147 : i32
      %add3A_149 = arith.constant 1 : i32
      %add3A_150 = arith.addi %add3A_148, %add3A_149 : i32
      %ge3A_151 = arith.constant 32 : i32
      %ge3A_152 = arith.cmpi sge, %add3A_150, %ge3A_151 : i32
      %not3A_153 = arith.constant true
      %not3A_154 = arith.xori %ge3A_152, %not3A_153 : i1
      %convert_element_type3A_155 = arith.extui %not3A_154 : i1 to i32
      %cond3A_156 = arith.constant 0 : i32
      %cond3A_157 = arith.cmpi ne, %convert_element_type3A_155, %cond3A_156 : i32
      scf.if %cond3A_157 {
        %add3A_230 = arith.constant 1 : i32
        %add3A_231 = arith.addi %add3A_148, %add3A_230 : i32
        %mul3A_232 = arith.constant 3 : i32
        %mul3A_233 = arith.muli %add3A_231, %mul3A_232 : i32
        %add3A_234 = arith.constant 0 : i32
        %add3A_235 = arith.addi %mul3A_233, %add3A_234 : i32
        %dma_start3A_236 = arith.constant 0 : i32
        %dma_start3A_237 = arith.constant 0 : i32
        %dma_start3A_238 = tpu.memref_slice %arg3[%add3A, %add3A_235, %dma_start3A_236, %dma_start3A_237] : memref<32x96x2x104xi32, #tpu.memory_space<hbm>> -> memref<1x1x2x104xi32, #tpu.memory_space<hbm>>
        %dma_start3A_239 = tpu.memref_squeeze %dma_start3A_238 : memref<1x1x2x104xi32, #tpu.memory_space<hbm>> -> memref<2x104xi32, #tpu.memory_space<hbm>>
        %dma_start3A_240 = arith.constant 0 : i32
        %dma_start3A_241 = arith.constant 0 : i32
        %dma_start3A_242 = tpu.memref_slice %arg3[%add3A, %add3A_235, %dma_start3A_240, %dma_start3A_241] : memref<32x96x2x104xi32, #tpu.memory_space<hbm>> -> memref<1x1x2x104xi32, #tpu.memory_space<hbm>>
        %dma_start3A_243 = tpu.memref_squeeze %dma_start3A_242 : memref<1x1x2x104xi32, #tpu.memory_space<hbm>> -> memref<2x104xi32, #tpu.memory_space<hbm>>
        tpu.enqueue_dma source(%dma_start3A_243 : memref<2x104xi32, #tpu.memory_space<hbm>>) target(%arg7 : memref<2x104xi32, #tpu.memory_space<vmem>>) target_semaphore(%arg24 : memref<!tpu.dma_semaphore, #tpu.memory_space<semaphore_mem>>)
        %add3A_244 = arith.constant 1 : i32
        %add3A_245 = arith.addi %add3A_148, %add3A_244 : i32
        %mul3A_246 = arith.constant 3 : i32
        %mul3A_247 = arith.muli %add3A_245, %mul3A_246 : i32
        %add3A_248 = arith.constant 1 : i32
        %add3A_249 = arith.addi %mul3A_247, %add3A_248 : i32
        %dma_start3A_250 = arith.constant 0 : i32
        %dma_start3A_251 = arith.constant 0 : i32
        %dma_start3A_252 = tpu.memref_slice %arg3[%add3A, %add3A_249, %dma_start3A_250, %dma_start3A_251] : memref<32x96x2x104xi32, #tpu.memory_space<hbm>> -> memref<1x1x2x104xi32, #tpu.memory_space<hbm>>
        %dma_start3A_253 = tpu.memref_squeeze %dma_start3A_252 : memref<1x1x2x104xi32, #tpu.memory_space<hbm>> -> memref<2x104xi32, #tpu.memory_space<hbm>>
        %dma_start3A_254 = arith.constant 0 : i32
        %dma_start3A_255 = arith.constant 0 : i32
        %dma_start3A_256 = tpu.memref_slice %arg3[%add3A, %add3A_249, %dma_start3A_254, %dma_start3A_255] : memref<32x96x2x104xi32, #tpu.memory_space<hbm>> -> memref<1x1x2x104xi32, #tpu.memory_space<hbm>>
        %dma_start3A_257 = tpu.memref_squeeze %dma_start3A_256 : memref<1x1x2x104xi32, #tpu.memory_space<hbm>> -> memref<2x104xi32, #tpu.memory_space<hbm>>
        tpu.enqueue_dma source(%dma_start3A_257 : memref<2x104xi32, #tpu.memory_space<hbm>>) target(%arg8 : memref<2x104xi32, #tpu.memory_space<vmem>>) target_semaphore(%arg25 : memref<!tpu.dma_semaphore, #tpu.memory_space<semaphore_mem>>)
        %add3A_258 = arith.constant 1 : i32
        %add3A_259 = arith.addi %add3A_148, %add3A_258 : i32
        %mul3A_260 = arith.constant 3 : i32
        %mul3A_261 = arith.muli %add3A_259, %mul3A_260 : i32
        %add3A_262 = arith.constant 2 : i32
        %add3A_263 = arith.addi %mul3A_261, %add3A_262 : i32
        %dma_start3A_264 = arith.constant 0 : i32
        %dma_start3A_265 = arith.constant 0 : i32
        %dma_start3A_266 = tpu.memref_slice %arg3[%add3A, %add3A_263, %dma_start3A_264, %dma_start3A_265] : memref<32x96x2x104xi32, #tpu.memory_space<hbm>> -> memref<1x1x2x104xi32, #tpu.memory_space<hbm>>
        %dma_start3A_267 = tpu.memref_squeeze %dma_start3A_266 : memref<1x1x2x104xi32, #tpu.memory_space<hbm>> -> memref<2x104xi32, #tpu.memory_space<hbm>>
        %dma_start3A_268 = arith.constant 0 : i32
        %dma_start3A_269 = arith.constant 0 : i32
        %dma_start3A_270 = tpu.memref_slice %arg3[%add3A, %add3A_263, %dma_start3A_268, %dma_start3A_269] : memref<32x96x2x104xi32, #tpu.memory_space<hbm>> -> memref<1x1x2x104xi32, #tpu.memory_space<hbm>>
        %dma_start3A_271 = tpu.memref_squeeze %dma_start3A_270 : memref<1x1x2x104xi32, #tpu.memory_space<hbm>> -> memref<2x104xi32, #tpu.memory_space<hbm>>
        tpu.enqueue_dma source(%dma_start3A_271 : memref<2x104xi32, #tpu.memory_space<hbm>>) target(%arg9 : memref<2x104xi32, #tpu.memory_space<vmem>>) target_semaphore(%arg26 : memref<!tpu.dma_semaphore, #tpu.memory_space<semaphore_mem>>)
      } else {
      }
      %dma_wait3A_158 = arith.constant 0 : i32
      %dma_wait3A_159 = arith.constant 0 : i32
      %dma_wait3A_160 = tpu.memref_slice %arg2[%dma_wait3A_158, %dma_wait3A_159] : memref<10000x128xf32, #tpu.memory_space<hbm>> -> memref<104x128xf32, #tpu.memory_space<hbm>>
      %dma_wait3A_161 = arith.constant 0 : i32
      %dma_wait3A_162 = arith.constant 0 : i32
      %dma_wait3A_163 = tpu.memref_slice %arg2[%dma_wait3A_161, %dma_wait3A_162] : memref<10000x128xf32, #tpu.memory_space<hbm>> -> memref<104x128xf32, #tpu.memory_space<hbm>>
      tpu.wait_dma2 semaphore(%arg18 : memref<!tpu.dma_semaphore, #tpu.memory_space<semaphore_mem>>) src(%dma_wait3A_163 : memref<104x128xf32, #tpu.memory_space<hbm>>) dst(%arg13 : memref<104x128xf32, #tpu.memory_space<vmem>>)
      %dma_start3A_164 = arith.constant 1 : i32
      %dma_start3A_165 = arith.constant 0 : i32
      %dma_start3A_166 = tpu.memref_slice %arg10[%dma_start3A_164, %dma_start3A_165] : memref<2x104xi32, #tpu.memory_space<vmem>> -> memref<1x104xi32, #tpu.memory_space<vmem>>
      %dma_start3A_167 = tpu.memref_squeeze %dma_start3A_166 : memref<1x104xi32, #tpu.memory_space<vmem>> -> memref<104xi32, #tpu.memory_space<vmem>>
      %dma_start3A_168 = arith.constant 0 : i32
      %dma_start3A_169 = arith.constant 0 : i32
      %dma_start3A_170 = tpu.memref_slice %arg17[%dma_start3A_168, %dma_start3A_169] : memref<10000x128xf32, #tpu.memory_space<vmem_shared>> -> memref<10000x128xf32, #tpu.memory_space<vmem_shared>>
      tpu.enqueue_indirect_dma source(%arg13 : memref<104x128xf32, #tpu.memory_space<vmem>>) target(%dma_start3A_170 : memref<10000x128xf32, #tpu.memory_space<vmem_shared>>) offsets(%dma_start3A_167 : memref<104xi32, #tpu.memory_space<vmem>>) semaphore(%arg21 : memref<!tpu.dma_semaphore, #tpu.memory_space<semaphore_mem>>) {add = true}
      %dma_wait3A_171 = arith.constant 0 : i32
      %dma_wait3A_172 = arith.constant 0 : i32
      %dma_wait3A_173 = tpu.memref_slice %arg2[%dma_wait3A_171, %dma_wait3A_172] : memref<10000x128xf32, #tpu.memory_space<hbm>> -> memref<104x128xf32, #tpu.memory_space<hbm>>
      %dma_wait3A_174 = arith.constant 0 : i32
      %dma_wait3A_175 = arith.constant 0 : i32
      %dma_wait3A_176 = tpu.memref_slice %arg2[%dma_wait3A_174, %dma_wait3A_175] : memref<10000x128xf32, #tpu.memory_space<hbm>> -> memref<104x128xf32, #tpu.memory_space<hbm>>
      tpu.wait_dma2 semaphore(%arg19 : memref<!tpu.dma_semaphore, #tpu.memory_space<semaphore_mem>>) src(%dma_wait3A_176 : memref<104x128xf32, #tpu.memory_space<hbm>>) dst(%arg14 : memref<104x128xf32, #tpu.memory_space<vmem>>)
      %dma_start3A_177 = arith.constant 1 : i32
      %dma_start3A_178 = arith.constant 0 : i32
      %dma_start3A_179 = tpu.memref_slice %arg11[%dma_start3A_177, %dma_start3A_178] : memref<2x104xi32, #tpu.memory_space<vmem>> -> memref<1x104xi32, #tpu.memory_space<vmem>>
      %dma_start3A_180 = tpu.memref_squeeze %dma_start3A_179 : memref<1x104xi32, #tpu.memory_space<vmem>> -> memref<104xi32, #tpu.memory_space<vmem>>
      %dma_start3A_181 = arith.constant 0 : i32
      %dma_start3A_182 = arith.constant 0 : i32
      %dma_start3A_183 = tpu.memref_slice %arg17[%dma_start3A_181, %dma_start3A_182] : memref<10000x128xf32, #tpu.memory_space<vmem_shared>> -> memref<10000x128xf32, #tpu.memory_space<vmem_shared>>
      tpu.enqueue_indirect_dma source(%arg14 : memref<104x128xf32, #tpu.memory_space<vmem>>) target(%dma_start3A_183 : memref<10000x128xf32, #tpu.memory_space<vmem_shared>>) offsets(%dma_start3A_180 : memref<104xi32, #tpu.memory_space<vmem>>) semaphore(%arg22 : memref<!tpu.dma_semaphore, #tpu.memory_space<semaphore_mem>>) {add = true}
      %dma_wait3A_184 = arith.constant 0 : i32
      %dma_wait3A_185 = arith.constant 0 : i32
      %dma_wait3A_186 = tpu.memref_slice %arg2[%dma_wait3A_184, %dma_wait3A_185] : memref<10000x128xf32, #tpu.memory_space<hbm>> -> memref<104x128xf32, #tpu.memory_space<hbm>>
      %dma_wait3A_187 = arith.constant 0 : i32
      %dma_wait3A_188 = arith.constant 0 : i32
      %dma_wait3A_189 = tpu.memref_slice %arg2[%dma_wait3A_187, %dma_wait3A_188] : memref<10000x128xf32, #tpu.memory_space<hbm>> -> memref<104x128xf32, #tpu.memory_space<hbm>>
      tpu.wait_dma2 semaphore(%arg20 : memref<!tpu.dma_semaphore, #tpu.memory_space<semaphore_mem>>) src(%dma_wait3A_189 : memref<104x128xf32, #tpu.memory_space<hbm>>) dst(%arg15 : memref<104x128xf32, #tpu.memory_space<vmem>>)
      %dma_start3A_190 = arith.constant 1 : i32
      %dma_start3A_191 = arith.constant 0 : i32
      %dma_start3A_192 = tpu.memref_slice %arg12[%dma_start3A_190, %dma_start3A_191] : memref<2x104xi32, #tpu.memory_space<vmem>> -> memref<1x104xi32, #tpu.memory_space<vmem>>
      %dma_start3A_193 = tpu.memref_squeeze %dma_start3A_192 : memref<1x104xi32, #tpu.memory_space<vmem>> -> memref<104xi32, #tpu.memory_space<vmem>>
      %dma_start3A_194 = arith.constant 0 : i32
      %dma_start3A_195 = arith.constant 0 : i32
      %dma_start3A_196 = tpu.memref_slice %arg17[%dma_start3A_194, %dma_start3A_195] : memref<10000x128xf32, #tpu.memory_space<vmem_shared>> -> memref<10000x128xf32, #tpu.memory_space<vmem_shared>>
      tpu.enqueue_indirect_dma source(%arg15 : memref<104x128xf32, #tpu.memory_space<vmem>>) target(%dma_start3A_196 : memref<10000x128xf32, #tpu.memory_space<vmem_shared>>) offsets(%dma_start3A_193 : memref<104xi32, #tpu.memory_space<vmem>>) semaphore(%arg23 : memref<!tpu.dma_semaphore, #tpu.memory_space<semaphore_mem>>) {add = true}
      %dma_wait3A_197 = arith.constant 0 : i32
      %dma_wait3A_198 = arith.constant 0 : i32
      %dma_wait3A_199 = tpu.memref_slice %arg2[%dma_wait3A_197, %dma_wait3A_198] : memref<10000x128xf32, #tpu.memory_space<hbm>> -> memref<104x128xf32, #tpu.memory_space<hbm>>
      %dma_wait3A_200 = arith.constant 0 : i32
      %dma_wait3A_201 = arith.constant 0 : i32
      %dma_wait3A_202 = tpu.memref_slice %arg2[%dma_wait3A_200, %dma_wait3A_201] : memref<10000x128xf32, #tpu.memory_space<hbm>> -> memref<104x128xf32, #tpu.memory_space<hbm>>
      tpu.wait_dma2 semaphore(%arg21 : memref<!tpu.dma_semaphore, #tpu.memory_space<semaphore_mem>>) src(%dma_wait3A_202 : memref<104x128xf32, #tpu.memory_space<hbm>>) dst(%arg13 : memref<104x128xf32, #tpu.memory_space<vmem>>)
      %not3A_203 = arith.constant true
      %not3A_204 = arith.xori %ge3A_152, %not3A_203 : i1
      %convert_element_type3A_205 = arith.extui %not3A_204 : i1 to i32
      %cond3A_206 = arith.constant 0 : i32
      %cond3A_207 = arith.cmpi ne, %convert_element_type3A_205, %cond3A_206 : i32
      scf.if %cond3A_207 {
        %dma_wait3A_230 = arith.constant 0 : i32
        %dma_wait3A_231 = arith.constant 0 : i32
        %dma_wait3A_232 = arith.constant 0 : i32
        %dma_wait3A_233 = tpu.memref_slice %arg3[%add3A, %dma_wait3A_230, %dma_wait3A_231, %dma_wait3A_232] : memref<32x96x2x104xi32, #tpu.memory_space<hbm>> -> memref<1x1x2x104xi32, #tpu.memory_space<hbm>>
        %dma_wait3A_234 = tpu.memref_squeeze %dma_wait3A_233 : memref<1x1x2x104xi32, #tpu.memory_space<hbm>> -> memref<2x104xi32, #tpu.memory_space<hbm>>
        %dma_wait3A_235 = arith.constant 0 : i32
        %dma_wait3A_236 = arith.constant 0 : i32
        %dma_wait3A_237 = tpu.memref_slice %arg3[%add3A, %dma_wait3A_230, %dma_wait3A_235, %dma_wait3A_236] : memref<32x96x2x104xi32, #tpu.memory_space<hbm>> -> memref<1x1x2x104xi32, #tpu.memory_space<hbm>>
        %dma_wait3A_238 = tpu.memref_squeeze %dma_wait3A_237 : memref<1x1x2x104xi32, #tpu.memory_space<hbm>> -> memref<2x104xi32, #tpu.memory_space<hbm>>
        tpu.wait_dma2 semaphore(%arg24 : memref<!tpu.dma_semaphore, #tpu.memory_space<semaphore_mem>>) src(%dma_wait3A_238 : memref<2x104xi32, #tpu.memory_space<hbm>>) dst(%arg7 : memref<2x104xi32, #tpu.memory_space<vmem>>)
        %dma_start3A_239 = arith.constant 0 : i32
        %dma_start3A_240 = arith.constant 0 : i32
        %dma_start3A_241 = tpu.memref_slice %arg7[%dma_start3A_239, %dma_start3A_240] : memref<2x104xi32, #tpu.memory_space<vmem>> -> memref<1x104xi32, #tpu.memory_space<vmem>>
        %dma_start3A_242 = tpu.memref_squeeze %dma_start3A_241 : memref<1x104xi32, #tpu.memory_space<vmem>> -> memref<104xi32, #tpu.memory_space<vmem>>
        %dma_start3A_243 = arith.constant 0 : i32
        %dma_start3A_244 = arith.constant 0 : i32
        %dma_start3A_245 = tpu.memref_slice %arg2[%dma_start3A_243, %dma_start3A_244] : memref<10000x128xf32, #tpu.memory_space<hbm>> -> memref<10000x128xf32, #tpu.memory_space<hbm>>
        tpu.enqueue_indirect_dma source(%dma_start3A_245 : memref<10000x128xf32, #tpu.memory_space<hbm>>) target(%arg13 : memref<104x128xf32, #tpu.memory_space<vmem>>) offsets(%dma_start3A_242 : memref<104xi32, #tpu.memory_space<vmem>>) semaphore(%arg18 : memref<!tpu.dma_semaphore, #tpu.memory_space<semaphore_mem>>)
      } else {
      }
      %dma_wait3A_208 = arith.constant 0 : i32
      %dma_wait3A_209 = arith.constant 0 : i32
      %dma_wait3A_210 = tpu.memref_slice %arg2[%dma_wait3A_208, %dma_wait3A_209] : memref<10000x128xf32, #tpu.memory_space<hbm>> -> memref<104x128xf32, #tpu.memory_space<hbm>>
      %dma_wait3A_211 = arith.constant 0 : i32
      %dma_wait3A_212 = arith.constant 0 : i32
      %dma_wait3A_213 = tpu.memref_slice %arg2[%dma_wait3A_211, %dma_wait3A_212] : memref<10000x128xf32, #tpu.memory_space<hbm>> -> memref<104x128xf32, #tpu.memory_space<hbm>>
      tpu.wait_dma2 semaphore(%arg22 : memref<!tpu.dma_semaphore, #tpu.memory_space<semaphore_mem>>) src(%dma_wait3A_213 : memref<104x128xf32, #tpu.memory_space<hbm>>) dst(%arg14 : memref<104x128xf32, #tpu.memory_space<vmem>>)
      %not3A_214 = arith.constant true
      %not3A_215 = arith.xori %ge3A_152, %not3A_214 : i1
      %convert_element_type3A_216 = arith.extui %not3A_215 : i1 to i32
      %cond3A_217 = arith.constant 0 : i32
      %cond3A_218 = arith.cmpi ne, %convert_element_type3A_216, %cond3A_217 : i32
      scf.if %cond3A_218 {
        %dma_wait3A_230 = arith.constant 0 : i32
        %dma_wait3A_231 = arith.constant 0 : i32
        %dma_wait3A_232 = arith.constant 0 : i32
        %dma_wait3A_233 = tpu.memref_slice %arg3[%add3A, %dma_wait3A_230, %dma_wait3A_231, %dma_wait3A_232] : memref<32x96x2x104xi32, #tpu.memory_space<hbm>> -> memref<1x1x2x104xi32, #tpu.memory_space<hbm>>
        %dma_wait3A_234 = tpu.memref_squeeze %dma_wait3A_233 : memref<1x1x2x104xi32, #tpu.memory_space<hbm>> -> memref<2x104xi32, #tpu.memory_space<hbm>>
        %dma_wait3A_235 = arith.constant 0 : i32
        %dma_wait3A_236 = arith.constant 0 : i32
        %dma_wait3A_237 = tpu.memref_slice %arg3[%add3A, %dma_wait3A_230, %dma_wait3A_235, %dma_wait3A_236] : memref<32x96x2x104xi32, #tpu.memory_space<hbm>> -> memref<1x1x2x104xi32, #tpu.memory_space<hbm>>
        %dma_wait3A_238 = tpu.memref_squeeze %dma_wait3A_237 : memref<1x1x2x104xi32, #tpu.memory_space<hbm>> -> memref<2x104xi32, #tpu.memory_space<hbm>>
        tpu.wait_dma2 semaphore(%arg25 : memref<!tpu.dma_semaphore, #tpu.memory_space<semaphore_mem>>) src(%dma_wait3A_238 : memref<2x104xi32, #tpu.memory_space<hbm>>) dst(%arg8 : memref<2x104xi32, #tpu.memory_space<vmem>>)
        %dma_start3A_239 = arith.constant 0 : i32
        %dma_start3A_240 = arith.constant 0 : i32
        %dma_start3A_241 = tpu.memref_slice %arg8[%dma_start3A_239, %dma_start3A_240] : memref<2x104xi32, #tpu.memory_space<vmem>> -> memref<1x104xi32, #tpu.memory_space<vmem>>
        %dma_start3A_242 = tpu.memref_squeeze %dma_start3A_241 : memref<1x104xi32, #tpu.memory_space<vmem>> -> memref<104xi32, #tpu.memory_space<vmem>>
        %dma_start3A_243 = arith.constant 0 : i32
        %dma_start3A_244 = arith.constant 0 : i32
        %dma_start3A_245 = tpu.memref_slice %arg2[%dma_start3A_243, %dma_start3A_244] : memref<10000x128xf32, #tpu.memory_space<hbm>> -> memref<10000x128xf32, #tpu.memory_space<hbm>>
        tpu.enqueue_indirect_dma source(%dma_start3A_245 : memref<10000x128xf32, #tpu.memory_space<hbm>>) target(%arg14 : memref<104x128xf32, #tpu.memory_space<vmem>>) offsets(%dma_start3A_242 : memref<104xi32, #tpu.memory_space<vmem>>) semaphore(%arg19 : memref<!tpu.dma_semaphore, #tpu.memory_space<semaphore_mem>>)
      } else {
      }
      %dma_wait3A_219 = arith.constant 0 : i32
      %dma_wait3A_220 = arith.constant 0 : i32
      %dma_wait3A_221 = tpu.memref_slice %arg2[%dma_wait3A_219, %dma_wait3A_220] : memref<10000x128xf32, #tpu.memory_space<hbm>> -> memref<104x128xf32, #tpu.memory_space<hbm>>
      %dma_wait3A_222 = arith.constant 0 : i32
      %dma_wait3A_223 = arith.constant 0 : i32
      %dma_wait3A_224 = tpu.memref_slice %arg2[%dma_wait3A_222, %dma_wait3A_223] : memref<10000x128xf32, #tpu.memory_space<hbm>> -> memref<104x128xf32, #tpu.memory_space<hbm>>
      tpu.wait_dma2 semaphore(%arg23 : memref<!tpu.dma_semaphore, #tpu.memory_space<semaphore_mem>>) src(%dma_wait3A_224 : memref<104x128xf32, #tpu.memory_space<hbm>>) dst(%arg15 : memref<104x128xf32, #tpu.memory_space<vmem>>)
      %not3A_225 = arith.constant true
      %not3A_226 = arith.xori %ge3A_152, %not3A_225 : i1
      %convert_element_type3A_227 = arith.extui %not3A_226 : i1 to i32
      %cond3A_228 = arith.constant 0 : i32
      %cond3A_229 = arith.cmpi ne, %convert_element_type3A_227, %cond3A_228 : i32
      scf.if %cond3A_229 {
        %dma_wait3A_230 = arith.constant 0 : i32
        %dma_wait3A_231 = arith.constant 0 : i32
        %dma_wait3A_232 = arith.constant 0 : i32
        %dma_wait3A_233 = tpu.memref_slice %arg3[%add3A, %dma_wait3A_230, %dma_wait3A_231, %dma_wait3A_232] : memref<32x96x2x104xi32, #tpu.memory_space<hbm>> -> memref<1x1x2x104xi32, #tpu.memory_space<hbm>>
        %dma_wait3A_234 = tpu.memref_squeeze %dma_wait3A_233 : memref<1x1x2x104xi32, #tpu.memory_space<hbm>> -> memref<2x104xi32, #tpu.memory_space<hbm>>
        %dma_wait3A_235 = arith.constant 0 : i32
        %dma_wait3A_236 = arith.constant 0 : i32
        %dma_wait3A_237 = tpu.memref_slice %arg3[%add3A, %dma_wait3A_230, %dma_wait3A_235, %dma_wait3A_236] : memref<32x96x2x104xi32, #tpu.memory_space<hbm>> -> memref<1x1x2x104xi32, #tpu.memory_space<hbm>>
        %dma_wait3A_238 = tpu.memref_squeeze %dma_wait3A_237 : memref<1x1x2x104xi32, #tpu.memory_space<hbm>> -> memref<2x104xi32, #tpu.memory_space<hbm>>
        tpu.wait_dma2 semaphore(%arg26 : memref<!tpu.dma_semaphore, #tpu.memory_space<semaphore_mem>>) src(%dma_wait3A_238 : memref<2x104xi32, #tpu.memory_space<hbm>>) dst(%arg9 : memref<2x104xi32, #tpu.memory_space<vmem>>)
        %dma_start3A_239 = arith.constant 0 : i32
        %dma_start3A_240 = arith.constant 0 : i32
        %dma_start3A_241 = tpu.memref_slice %arg9[%dma_start3A_239, %dma_start3A_240] : memref<2x104xi32, #tpu.memory_space<vmem>> -> memref<1x104xi32, #tpu.memory_space<vmem>>
        %dma_start3A_242 = tpu.memref_squeeze %dma_start3A_241 : memref<1x104xi32, #tpu.memory_space<vmem>> -> memref<104xi32, #tpu.memory_space<vmem>>
        %dma_start3A_243 = arith.constant 0 : i32
        %dma_start3A_244 = arith.constant 0 : i32
        %dma_start3A_245 = tpu.memref_slice %arg2[%dma_start3A_243, %dma_start3A_244] : memref<10000x128xf32, #tpu.memory_space<hbm>> -> memref<10000x128xf32, #tpu.memory_space<hbm>>
        tpu.enqueue_indirect_dma source(%dma_start3A_245 : memref<10000x128xf32, #tpu.memory_space<hbm>>) target(%arg15 : memref<104x128xf32, #tpu.memory_space<vmem>>) offsets(%dma_start3A_242 : memref<104xi32, #tpu.memory_space<vmem>>) semaphore(%arg20 : memref<!tpu.dma_semaphore, #tpu.memory_space<semaphore_mem>>)
      } else {
      }
    }
    %scan3A_31 = arith.constant 16 : i32
    "tpu.region"() ({
      %run_scoped3A_61 = tpu.sem_alloc : memref<!tpu.dma_semaphore, #tpu.memory_space<semaphore_mem>>
      %dma_start3A_62 = arith.constant 0 : i32
      %dma_start3A_63 = arith.constant 0 : i32
      %dma_start3A_64 = tpu.memref_slice %arg4[%add3A, %dma_start3A_62, %dma_start3A_63] : memref<32x2x16xi32, #tpu.memory_space<hbm>> -> memref<1x2x16xi32, #tpu.memory_space<hbm>>
      %dma_start3A_65 = tpu.memref_squeeze %dma_start3A_64 : memref<1x2x16xi32, #tpu.memory_space<hbm>> -> memref<2x16xi32, #tpu.memory_space<hbm>>
      %dma_start3A_66 = arith.constant 0 : i32
      %dma_start3A_67 = arith.constant 0 : i32
      %dma_start3A_68 = tpu.memref_slice %arg4[%add3A, %dma_start3A_66, %dma_start3A_67] : memref<32x2x16xi32, #tpu.memory_space<hbm>> -> memref<1x2x16xi32, #tpu.memory_space<hbm>>
      %dma_start3A_69 = tpu.memref_squeeze %dma_start3A_68 : memref<1x2x16xi32, #tpu.memory_space<hbm>> -> memref<2x16xi32, #tpu.memory_space<hbm>>
      tpu.enqueue_dma source(%dma_start3A_69 : memref<2x16xi32, #tpu.memory_space<hbm>>) target(%arg16 : memref<2x16xi32, #tpu.memory_space<vmem>>) target_semaphore(%run_scoped3A_61 : memref<!tpu.dma_semaphore, #tpu.memory_space<semaphore_mem>>)
      %dma_wait3A_70 = arith.constant 0 : i32
      %dma_wait3A_71 = arith.constant 0 : i32
      %dma_wait3A_72 = tpu.memref_slice %arg4[%add3A, %dma_wait3A_70, %dma_wait3A_71] : memref<32x2x16xi32, #tpu.memory_space<hbm>> -> memref<1x2x16xi32, #tpu.memory_space<hbm>>
      %dma_wait3A_73 = tpu.memref_squeeze %dma_wait3A_72 : memref<1x2x16xi32, #tpu.memory_space<hbm>> -> memref<2x16xi32, #tpu.memory_space<hbm>>
      %dma_wait3A_74 = arith.constant 0 : i32
      %dma_wait3A_75 = arith.constant 0 : i32
      %dma_wait3A_76 = tpu.memref_slice %arg4[%add3A, %dma_wait3A_74, %dma_wait3A_75] : memref<32x2x16xi32, #tpu.memory_space<hbm>> -> memref<1x2x16xi32, #tpu.memory_space<hbm>>
      %dma_wait3A_77 = tpu.memref_squeeze %dma_wait3A_76 : memref<1x2x16xi32, #tpu.memory_space<hbm>> -> memref<2x16xi32, #tpu.memory_space<hbm>>
      tpu.wait_dma2 semaphore(%run_scoped3A_61 : memref<!tpu.dma_semaphore, #tpu.memory_space<semaphore_mem>>) src(%dma_wait3A_77 : memref<2x16xi32, #tpu.memory_space<hbm>>) dst(%arg16 : memref<2x16xi32, #tpu.memory_space<vmem>>)
      tpu.yield
    }) : () -> ()
    %dma_start3A_32 = arith.constant 0 : i32
    %dma_start3A_33 = arith.constant 0 : i32
    %dma_start3A_34 = arith.constant 0 : i32
    %dma_start3A_35 = tpu.memref_slice %arg13[%dma_start3A_33, %dma_start3A_34] : memref<104x128xf32, #tpu.memory_space<vmem>> -> memref<16x128xf32, #tpu.memory_space<vmem>>
    %dma_start3A_36 = arith.constant 0 : i32
    %dma_start3A_37 = tpu.memref_slice %arg16[%dma_start3A_32, %dma_start3A_36] : memref<2x16xi32, #tpu.memory_space<vmem>> -> memref<1x16xi32, #tpu.memory_space<vmem>>
    %dma_start3A_38 = tpu.memref_squeeze %dma_start3A_37 : memref<1x16xi32, #tpu.memory_space<vmem>> -> memref<16xi32, #tpu.memory_space<vmem>>
    %dma_start3A_39 = arith.constant 0 : i32
    %dma_start3A_40 = arith.constant 0 : i32
    %dma_start3A_41 = tpu.memref_slice %arg2[%dma_start3A_39, %dma_start3A_40] : memref<10000x128xf32, #tpu.memory_space<hbm>> -> memref<10000x128xf32, #tpu.memory_space<hbm>>
    tpu.enqueue_indirect_dma source(%dma_start3A_41 : memref<10000x128xf32, #tpu.memory_space<hbm>>) target(%dma_start3A_35 : memref<16x128xf32, #tpu.memory_space<vmem>>) offsets(%dma_start3A_38 : memref<16xi32, #tpu.memory_space<vmem>>) semaphore(%arg18 : memref<!tpu.dma_semaphore, #tpu.memory_space<semaphore_mem>>)
    %dma_wait3A = arith.constant 0 : i32
    %dma_wait3A_42 = arith.constant 0 : i32
    %dma_wait3A_43 = arith.constant 0 : i32
    %dma_wait3A_44 = tpu.memref_slice %arg13[%dma_wait3A_42, %dma_wait3A_43] : memref<104x128xf32, #tpu.memory_space<vmem>> -> memref<16x128xf32, #tpu.memory_space<vmem>>
    %dma_wait3A_45 = arith.constant 0 : i32
    %dma_wait3A_46 = tpu.memref_slice %arg16[%dma_wait3A, %dma_wait3A_45] : memref<2x16xi32, #tpu.memory_space<vmem>> -> memref<1x16xi32, #tpu.memory_space<vmem>>
    %dma_wait3A_47 = tpu.memref_squeeze %dma_wait3A_46 : memref<1x16xi32, #tpu.memory_space<vmem>> -> memref<16xi32, #tpu.memory_space<vmem>>
    %dma_wait3A_48 = arith.constant 0 : i32
    %dma_wait3A_49 = arith.constant 0 : i32
    %dma_wait3A_50 = tpu.memref_slice %arg2[%dma_wait3A_48, %dma_wait3A_49] : memref<10000x128xf32, #tpu.memory_space<hbm>> -> memref<10000x128xf32, #tpu.memory_space<hbm>>
    tpu.wait_indirect_dma semaphore(%arg18 : memref<!tpu.dma_semaphore, #tpu.memory_space<semaphore_mem>>) src(%dma_wait3A_50 : memref<10000x128xf32, #tpu.memory_space<hbm>>) dst(%dma_wait3A_44 : memref<16x128xf32, #tpu.memory_space<vmem>>)
    %run_scoped3A_51 = arith.constant 1 : i32
    "tpu.region"() ({
      %run_scoped3A_61 = tpu.sem_alloc : memref<!tpu.dma_semaphore, #tpu.memory_space<semaphore_mem>>
      %dma_start3A_62 = arith.constant 0 : i32
      %dma_start3A_63 = arith.constant 0 : i32
      %dma_start3A_64 = tpu.memref_slice %arg13[%dma_start3A_62, %dma_start3A_63] : memref<104x128xf32, #tpu.memory_space<vmem>> -> memref<16x128xf32, #tpu.memory_space<vmem>>
      %dma_start3A_65 = arith.constant 0 : i32
      %dma_start3A_66 = tpu.memref_slice %arg16[%run_scoped3A_51, %dma_start3A_65] : memref<2x16xi32, #tpu.memory_space<vmem>> -> memref<1x16xi32, #tpu.memory_space<vmem>>
      %dma_start3A_67 = tpu.memref_squeeze %dma_start3A_66 : memref<1x16xi32, #tpu.memory_space<vmem>> -> memref<16xi32, #tpu.memory_space<vmem>>
      %dma_start3A_68 = arith.constant 0 : i32
      %dma_start3A_69 = arith.constant 0 : i32
      %dma_start3A_70 = tpu.memref_slice %arg17[%dma_start3A_68, %dma_start3A_69] : memref<10000x128xf32, #tpu.memory_space<vmem_shared>> -> memref<10000x128xf32, #tpu.memory_space<vmem_shared>>
      tpu.enqueue_indirect_dma source(%dma_start3A_64 : memref<16x128xf32, #tpu.memory_space<vmem>>) target(%dma_start3A_70 : memref<10000x128xf32, #tpu.memory_space<vmem_shared>>) offsets(%dma_start3A_67 : memref<16xi32, #tpu.memory_space<vmem>>) semaphore(%run_scoped3A_61 : memref<!tpu.dma_semaphore, #tpu.memory_space<semaphore_mem>>) {add = true}
      %dma_wait3A_71 = arith.constant 0 : i32
      %dma_wait3A_72 = arith.constant 0 : i32
      %dma_wait3A_73 = tpu.memref_slice %arg13[%dma_wait3A_71, %dma_wait3A_72] : memref<104x128xf32, #tpu.memory_space<vmem>> -> memref<16x128xf32, #tpu.memory_space<vmem>>
      %dma_wait3A_74 = arith.constant 0 : i32
      %dma_wait3A_75 = tpu.memref_slice %arg16[%run_scoped3A_51, %dma_wait3A_74] : memref<2x16xi32, #tpu.memory_space<vmem>> -> memref<1x16xi32, #tpu.memory_space<vmem>>
      %dma_wait3A_76 = tpu.memref_squeeze %dma_wait3A_75 : memref<1x16xi32, #tpu.memory_space<vmem>> -> memref<16xi32, #tpu.memory_space<vmem>>
      %dma_wait3A_77 = arith.constant 0 : i32
      %dma_wait3A_78 = arith.constant 0 : i32
      %dma_wait3A_79 = tpu.memref_slice %arg17[%dma_wait3A_77, %dma_wait3A_78] : memref<10000x128xf32, #tpu.memory_space<vmem_shared>> -> memref<10000x128xf32, #tpu.memory_space<vmem_shared>>
      tpu.wait_indirect_dma semaphore(%run_scoped3A_61 : memref<!tpu.dma_semaphore, #tpu.memory_space<semaphore_mem>>) src(%dma_wait3A_73 : memref<16x128xf32, #tpu.memory_space<vmem>>) dst(%dma_wait3A_79 : memref<10000x128xf32, #tpu.memory_space<vmem_shared>>)
      tpu.yield
    }) : () -> ()
    %barrier3A_52 = arith.constant 0 : index
    tpu.barrier barrier_id(%barrier3A_52)
    %mul3A_53 = arith.constant 624 : i32
    %mul3A_54 = arith.muli %arg1, %mul3A_53 : i32
    %multiple_of3A_55 = tpu.assume_multiple %mul3A_54, 8 : i32
    "tpu.region"() ({
      %run_scoped3A_61 = tpu.sem_alloc : memref<!tpu.dma_semaphore, #tpu.memory_space<semaphore_mem>>
      %dma_start3A_62 = arith.constant 0 : i32
      %dma_start3A_63 = arith.constant 0 : i32
      %dma_start3A_64 = tpu.memref_slice %arg6[%arg0, %dma_start3A_62, %dma_start3A_63] : memref<2x10000x128xf32, #tpu.memory_space<hbm>> -> memref<1x10000x128xf32, #tpu.memory_space<hbm>>
      %dma_start3A_65 = tpu.memref_squeeze %dma_start3A_64 : memref<1x10000x128xf32, #tpu.memory_space<hbm>> -> memref<10000x128xf32, #tpu.memory_space<hbm>>
      %dma_start3A_66 = arith.constant 0 : i32
      %dma_start3A_67 = tpu.memref_slice %dma_start3A_65[%multiple_of3A_55, %dma_start3A_66] : memref<10000x128xf32, #tpu.memory_space<hbm>> -> memref<624x128xf32, #tpu.memory_space<hbm>>
      %dma_start3A_68 = arith.constant 0 : i32
      %dma_start3A_69 = tpu.memref_slice %arg17[%multiple_of3A_55, %dma_start3A_68] : memref<10000x128xf32, #tpu.memory_space<vmem_shared>> -> memref<624x128xf32, #tpu.memory_space<vmem_shared>>
      tpu.enqueue_dma source(%dma_start3A_69 : memref<624x128xf32, #tpu.memory_space<vmem_shared>>) target(%dma_start3A_67 : memref<624x128xf32, #tpu.memory_space<hbm>>) target_semaphore(%run_scoped3A_61 : memref<!tpu.dma_semaphore, #tpu.memory_space<semaphore_mem>>)
      %dma_wait3A_70 = arith.constant 0 : i32
      %dma_wait3A_71 = arith.constant 0 : i32
      %dma_wait3A_72 = tpu.memref_slice %arg6[%arg0, %dma_wait3A_70, %dma_wait3A_71] : memref<2x10000x128xf32, #tpu.memory_space<hbm>> -> memref<1x10000x128xf32, #tpu.memory_space<hbm>>
      %dma_wait3A_73 = tpu.memref_squeeze %dma_wait3A_72 : memref<1x10000x128xf32, #tpu.memory_space<hbm>> -> memref<10000x128xf32, #tpu.memory_space<hbm>>
      %dma_wait3A_74 = arith.constant 0 : i32
      %dma_wait3A_75 = tpu.memref_slice %dma_wait3A_73[%multiple_of3A_55, %dma_wait3A_74] : memref<10000x128xf32, #tpu.memory_space<hbm>> -> memref<624x128xf32, #tpu.memory_space<hbm>>
      %dma_wait3A_76 = arith.constant 0 : i32
      %dma_wait3A_77 = tpu.memref_slice %arg17[%multiple_of3A_55, %dma_wait3A_76] : memref<10000x128xf32, #tpu.memory_space<vmem_shared>> -> memref<624x128xf32, #tpu.memory_space<vmem_shared>>
      tpu.wait_dma2 semaphore(%run_scoped3A_61 : memref<!tpu.dma_semaphore, #tpu.memory_space<semaphore_mem>>) src(%dma_wait3A_77 : memref<624x128xf32, #tpu.memory_space<vmem_shared>>) dst(%dma_wait3A_75 : memref<624x128xf32, #tpu.memory_space<hbm>>)
      tpu.yield
    }) : () -> ()
    %eq3A_56 = arith.constant 0 : i32
    %eq3A_57 = arith.cmpi eq, %arg1, %eq3A_56 : i32
    %convert_element_type3A_58 = arith.extui %eq3A_57 : i1 to i32
    %cond3A_59 = arith.constant 0 : i32
    %cond3A_60 = arith.cmpi ne, %convert_element_type3A_58, %cond3A_59 : i32
    scf.if %cond3A_60 {
      "tpu.region"() ({
        %run_scoped3A_61 = tpu.sem_alloc : memref<!tpu.dma_semaphore, #tpu.memory_space<semaphore_mem>>
        %dma_start3A_62 = arith.constant 0 : i32
        %dma_start3A_63 = arith.constant 0 : i32
        %dma_start3A_64 = tpu.memref_slice %arg6[%arg0, %dma_start3A_62, %dma_start3A_63] : memref<2x10000x128xf32, #tpu.memory_space<hbm>> -> memref<1x10000x128xf32, #tpu.memory_space<hbm>>
        %dma_start3A_65 = tpu.memref_squeeze %dma_start3A_64 : memref<1x10000x128xf32, #tpu.memory_space<hbm>> -> memref<10000x128xf32, #tpu.memory_space<hbm>>
        %dma_start3A_66 = arith.constant 9984 : i32
        %dma_start3A_67 = arith.constant 0 : i32
        %dma_start3A_68 = tpu.memref_slice %dma_start3A_65[%dma_start3A_66, %dma_start3A_67] : memref<10000x128xf32, #tpu.memory_space<hbm>> -> memref<16x128xf32, #tpu.memory_space<hbm>>
        %dma_start3A_69 = arith.constant 9984 : i32
        %dma_start3A_70 = arith.constant 0 : i32
        %dma_start3A_71 = tpu.memref_slice %arg17[%dma_start3A_69, %dma_start3A_70] : memref<10000x128xf32, #tpu.memory_space<vmem_shared>> -> memref<16x128xf32, #tpu.memory_space<vmem_shared>>
        tpu.enqueue_dma source(%dma_start3A_71 : memref<16x128xf32, #tpu.memory_space<vmem_shared>>) target(%dma_start3A_68 : memref<16x128xf32, #tpu.memory_space<hbm>>) target_semaphore(%run_scoped3A_61 : memref<!tpu.dma_semaphore, #tpu.memory_space<semaphore_mem>>)
        %dma_wait3A_72 = arith.constant 0 : i32
        %dma_wait3A_73 = arith.constant 0 : i32
        %dma_wait3A_74 = tpu.memref_slice %arg6[%arg0, %dma_wait3A_72, %dma_wait3A_73] : memref<2x10000x128xf32, #tpu.memory_space<hbm>> -> memref<1x10000x128xf32, #tpu.memory_space<hbm>>
        %dma_wait3A_75 = tpu.memref_squeeze %dma_wait3A_74 : memref<1x10000x128xf32, #tpu.memory_space<hbm>> -> memref<10000x128xf32, #tpu.memory_space<hbm>>
        %dma_wait3A_76 = arith.constant 9984 : i32
        %dma_wait3A_77 = arith.constant 0 : i32
        %dma_wait3A_78 = tpu.memref_slice %dma_wait3A_75[%dma_wait3A_76, %dma_wait3A_77] : memref<10000x128xf32, #tpu.memory_space<hbm>> -> memref<16x128xf32, #tpu.memory_space<hbm>>
        %dma_wait3A_79 = arith.constant 9984 : i32
        %dma_wait3A_80 = arith.constant 0 : i32
        %dma_wait3A_81 = tpu.memref_slice %arg17[%dma_wait3A_79, %dma_wait3A_80] : memref<10000x128xf32, #tpu.memory_space<vmem_shared>> -> memref<16x128xf32, #tpu.memory_space<vmem_shared>>
        tpu.wait_dma2 semaphore(%run_scoped3A_61 : memref<!tpu.dma_semaphore, #tpu.memory_space<semaphore_mem>>) src(%dma_wait3A_81 : memref<16x128xf32, #tpu.memory_space<vmem_shared>>) dst(%dma_wait3A_78 : memref<16x128xf32, #tpu.memory_space<hbm>>)
        tpu.yield
      }) : () -> ()
    } else {
    }
    return
  }
}

#map = affine_map<(d0, d1) -> (0, 0)>
#map1 = affine_map<(d0, d1) -> (0, 0, 0, 0)>
#map2 = affine_map<(d0, d1) -> (0, 0, 0)>
module attributes {stable_mosaic.version = 14 : i64} {
  func.func @step_kernel(%arg0: i32, %arg1: i32, %arg2: memref<10000x128xf32, #tpu.memory_space<hbm>>, %arg3: memref<32x96x2x104xi32, #tpu.memory_space<hbm>>, %arg4: memref<32x2x16xi32, #tpu.memory_space<hbm>>, %arg5: memref<10000x128xf32, #tpu.memory_space<hbm>>, %arg6: memref<2x10000x128xf32, #tpu.memory_space<hbm>>, %arg7: memref<2x104xi32, #tpu.memory_space<vmem>>, %arg8: memref<2x104xi32, #tpu.memory_space<vmem>>, %arg9: memref<2x104xi32, #tpu.memory_space<vmem>>, %arg10: memref<2x104xi32, #tpu.memory_space<vmem>>, %arg11: memref<2x104xi32, #tpu.memory_space<vmem>>, %arg12: memref<2x104xi32, #tpu.memory_space<vmem>>, %arg13: memref<104x128xf32, #tpu.memory_space<vmem>>, %arg14: memref<104x128xf32, #tpu.memory_space<vmem>>, %arg15: memref<104x128xf32, #tpu.memory_space<vmem>>, %arg16: memref<2x16xi32, #tpu.memory_space<vmem>>, %arg17: memref<10000x128xf32, #tpu.memory_space<vmem_shared>>, %arg18: memref<!tpu.dma_semaphore, #tpu.memory_space<semaphore_mem>>, %arg19: memref<!tpu.dma_semaphore, #tpu.memory_space<semaphore_mem>>, %arg20: memref<!tpu.dma_semaphore, #tpu.memory_space<semaphore_mem>>, %arg21: memref<!tpu.dma_semaphore, #tpu.memory_space<semaphore_mem>>, %arg22: memref<!tpu.dma_semaphore, #tpu.memory_space<semaphore_mem>>, %arg23: memref<!tpu.dma_semaphore, #tpu.memory_space<semaphore_mem>>, %arg24: memref<!tpu.dma_semaphore, #tpu.memory_space<semaphore_mem>>, %arg25: memref<!tpu.dma_semaphore, #tpu.memory_space<semaphore_mem>>, %arg26: memref<!tpu.dma_semaphore, #tpu.memory_space<semaphore_mem>>) attributes {dimension_semantics = [#tpu.dimension_semantics<core_parallel>, #tpu.dimension_semantics<subcore_parallel>], iteration_bounds = array<i64: 2, 16>, scalar_prefetch = 0 : i64, scratch_operands = 20 : i64, tpu.core_type = #tpu.core_type<sc_vector_subcore>, window_params = [{transform_indices = #map}, {transform_indices = #map1}, {transform_indices = #map2}, {transform_indices = #map}, {transform_indices = #map2}]} {
    %mul3A = arith.constant 16 : i32
    %mul3A_0 = arith.muli %arg0, %mul3A : i32
    %add3A = arith.addi %mul3A_0, %arg1 : i32
    %mul3A_1 = arith.constant 624 : i32
    %mul3A_2 = arith.muli %arg1, %mul3A_1 : i32
    %multiple_of3A = tpu.assume_multiple %mul3A_2, 8 : i32
    "tpu.region"() ({
      %run_scoped3A_61 = tpu.sem_alloc : memref<!tpu.dma_semaphore, #tpu.memory_space<semaphore_mem>>
      %dma_start3A_62 = arith.constant 0 : i32
      %dma_start3A_63 = tpu.memref_slice %arg17[%multiple_of3A, %dma_start3A_62] : memref<10000x128xf32, #tpu.memory_space<vmem_shared>> -> memref<624x128xf32, #tpu.memory_space<vmem_shared>>
      %dma_start3A_64 = arith.constant 0 : i32
      %dma_start3A_65 = tpu.memref_slice %arg5[%multiple_of3A, %dma_start3A_64] : memref<10000x128xf32, #tpu.memory_space<hbm>> -> memref<624x128xf32, #tpu.memory_space<hbm>>
      tpu.enqueue_dma source(%dma_start3A_65 : memref<624x128xf32, #tpu.memory_space<hbm>>) target(%dma_start3A_63 : memref<624x128xf32, #tpu.memory_space<vmem_shared>>) target_semaphore(%run_scoped3A_61 : memref<!tpu.dma_semaphore, #tpu.memory_space<semaphore_mem>>)
      %dma_wait3A_66 = arith.constant 0 : i32
      %dma_wait3A_67 = tpu.memref_slice %arg17[%multiple_of3A, %dma_wait3A_66] : memref<10000x128xf32, #tpu.memory_space<vmem_shared>> -> memref<624x128xf32, #tpu.memory_space<vmem_shared>>
      %dma_wait3A_68 = arith.constant 0 : i32
      %dma_wait3A_69 = tpu.memref_slice %arg5[%multiple_of3A, %dma_wait3A_68] : memref<10000x128xf32, #tpu.memory_space<hbm>> -> memref<624x128xf32, #tpu.memory_space<hbm>>
      tpu.wait_dma2 semaphore(%run_scoped3A_61 : memref<!tpu.dma_semaphore, #tpu.memory_space<semaphore_mem>>) src(%dma_wait3A_69 : memref<624x128xf32, #tpu.memory_space<hbm>>) dst(%dma_wait3A_67 : memref<624x128xf32, #tpu.memory_space<vmem_shared>>)
      tpu.yield
    }) : () -> ()
    %eq3A = arith.constant 0 : i32
    %eq3A_3 = arith.cmpi eq, %arg1, %eq3A : i32
    %convert_element_type3A = arith.extui %eq3A_3 : i1 to i32
    %cond3A = arith.constant 0 : i32
    %cond3A_4 = arith.cmpi ne, %convert_element_type3A, %cond3A : i32
    scf.if %cond3A_4 {
      "tpu.region"() ({
        %run_scoped3A_61 = tpu.sem_alloc : memref<!tpu.dma_semaphore, #tpu.memory_space<semaphore_mem>>
        %dma_start3A_62 = arith.constant 9984 : i32
        %dma_start3A_63 = arith.constant 0 : i32
        %dma_start3A_64 = tpu.memref_slice %arg17[%dma_start3A_62, %dma_start3A_63] : memref<10000x128xf32, #tpu.memory_space<vmem_shared>> -> memref<16x128xf32, #tpu.memory_space<vmem_shared>>
        %dma_start3A_65 = arith.constant 9984 : i32
        %dma_start3A_66 = arith.constant 0 : i32
        %dma_start3A_67 = tpu.memref_slice %arg5[%dma_start3A_65, %dma_start3A_66] : memref<10000x128xf32, #tpu.memory_space<hbm>> -> memref<16x128xf32, #tpu.memory_space<hbm>>
        tpu.enqueue_dma source(%dma_start3A_67 : memref<16x128xf32, #tpu.memory_space<hbm>>) target(%dma_start3A_64 : memref<16x128xf32, #tpu.memory_space<vmem_shared>>) target_semaphore(%run_scoped3A_61 : memref<!tpu.dma_semaphore, #tpu.memory_space<semaphore_mem>>)
        %dma_wait3A_68 = arith.constant 9984 : i32
        %dma_wait3A_69 = arith.constant 0 : i32
        %dma_wait3A_70 = tpu.memref_slice %arg17[%dma_wait3A_68, %dma_wait3A_69] : memref<10000x128xf32, #tpu.memory_space<vmem_shared>> -> memref<16x128xf32, #tpu.memory_space<vmem_shared>>
        %dma_wait3A_71 = arith.constant 9984 : i32
        %dma_wait3A_72 = arith.constant 0 : i32
        %dma_wait3A_73 = tpu.memref_slice %arg5[%dma_wait3A_71, %dma_wait3A_72] : memref<10000x128xf32, #tpu.memory_space<hbm>> -> memref<16x128xf32, #tpu.memory_space<hbm>>
        tpu.wait_dma2 semaphore(%run_scoped3A_61 : memref<!tpu.dma_semaphore, #tpu.memory_space<semaphore_mem>>) src(%dma_wait3A_73 : memref<16x128xf32, #tpu.memory_space<hbm>>) dst(%dma_wait3A_70 : memref<16x128xf32, #tpu.memory_space<vmem_shared>>)
        tpu.yield
      }) : () -> ()
    } else {
    }
    %barrier3A = arith.constant 0 : index
    tpu.barrier barrier_id(%barrier3A)
    %run_scoped3A = arith.constant 0 : i32
    "tpu.region"() ({
      %run_scoped3A_61 = tpu.sem_alloc : memref<!tpu.dma_semaphore, #tpu.memory_space<semaphore_mem>>
      %dma_start3A_62 = arith.constant 0 : i32
      %dma_start3A_63 = arith.constant 0 : i32
      %dma_start3A_64 = tpu.memref_slice %arg3[%add3A, %run_scoped3A, %dma_start3A_62, %dma_start3A_63] : memref<32x96x2x104xi32, #tpu.memory_space<hbm>> -> memref<1x1x2x104xi32, #tpu.memory_space<hbm>>
      %dma_start3A_65 = tpu.memref_squeeze %dma_start3A_64 : memref<1x1x2x104xi32, #tpu.memory_space<hbm>> -> memref<2x104xi32, #tpu.memory_space<hbm>>
      %dma_start3A_66 = arith.constant 0 : i32
      %dma_start3A_67 = arith.constant 0 : i32
      %dma_start3A_68 = tpu.memref_slice %arg3[%add3A, %run_scoped3A, %dma_start3A_66, %dma_start3A_67] : memref<32x96x2x104xi32, #tpu.memory_space<hbm>> -> memref<1x1x2x104xi32, #tpu.memory_space<hbm>>
      %dma_start3A_69 = tpu.memref_squeeze %dma_start3A_68 : memref<1x1x2x104xi32, #tpu.memory_space<hbm>> -> memref<2x104xi32, #tpu.memory_space<hbm>>
      tpu.enqueue_dma source(%dma_start3A_69 : memref<2x104xi32, #tpu.memory_space<hbm>>) target(%arg7 : memref<2x104xi32, #tpu.memory_space<vmem>>) target_semaphore(%run_scoped3A_61 : memref<!tpu.dma_semaphore, #tpu.memory_space<semaphore_mem>>)
      %dma_wait3A_70 = arith.constant 0 : i32
      %dma_wait3A_71 = arith.constant 0 : i32
      %dma_wait3A_72 = tpu.memref_slice %arg3[%add3A, %run_scoped3A, %dma_wait3A_70, %dma_wait3A_71] : memref<32x96x2x104xi32, #tpu.memory_space<hbm>> -> memref<1x1x2x104xi32, #tpu.memory_space<hbm>>
      %dma_wait3A_73 = tpu.memref_squeeze %dma_wait3A_72 : memref<1x1x2x104xi32, #tpu.memory_space<hbm>> -> memref<2x104xi32, #tpu.memory_space<hbm>>
      %dma_wait3A_74 = arith.constant 0 : i32
      %dma_wait3A_75 = arith.constant 0 : i32
      %dma_wait3A_76 = tpu.memref_slice %arg3[%add3A, %run_scoped3A, %dma_wait3A_74, %dma_wait3A_75] : memref<32x96x2x104xi32, #tpu.memory_space<hbm>> -> memref<1x1x2x104xi32, #tpu.memory_space<hbm>>
      %dma_wait3A_77 = tpu.memref_squeeze %dma_wait3A_76 : memref<1x1x2x104xi32, #tpu.memory_space<hbm>> -> memref<2x104xi32, #tpu.memory_space<hbm>>
      tpu.wait_dma2 semaphore(%run_scoped3A_61 : memref<!tpu.dma_semaphore, #tpu.memory_space<semaphore_mem>>) src(%dma_wait3A_77 : memref<2x104xi32, #tpu.memory_space<hbm>>) dst(%arg7 : memref<2x104xi32, #tpu.memory_space<vmem>>)
      tpu.yield
    }) : () -> ()
    %dma_start3A = arith.constant 0 : i32
    %dma_start3A_5 = arith.constant 0 : i32
    %dma_start3A_6 = tpu.memref_slice %arg7[%dma_start3A, %dma_start3A_5] : memref<2x104xi32, #tpu.memory_space<vmem>> -> memref<1x104xi32, #tpu.memory_space<vmem>>
    %dma_start3A_7 = tpu.memref_squeeze %dma_start3A_6 : memref<1x104xi32, #tpu.memory_space<vmem>> -> memref<104xi32, #tpu.memory_space<vmem>>
    %dma_start3A_8 = arith.constant 0 : i32
    %dma_start3A_9 = arith.constant 0 : i32
    %dma_start3A_10 = tpu.memref_slice %arg2[%dma_start3A_8, %dma_start3A_9] : memref<10000x128xf32, #tpu.memory_space<hbm>> -> memref<10000x128xf32, #tpu.memory_space<hbm>>
    tpu.enqueue_indirect_dma source(%dma_start3A_10 : memref<10000x128xf32, #tpu.memory_space<hbm>>) target(%arg13 : memref<104x128xf32, #tpu.memory_space<vmem>>) offsets(%dma_start3A_7 : memref<104xi32, #tpu.memory_space<vmem>>) semaphore(%arg18 : memref<!tpu.dma_semaphore, #tpu.memory_space<semaphore_mem>>)
    %run_scoped3A_11 = arith.constant 1 : i32
    "tpu.region"() ({
      %run_scoped3A_61 = tpu.sem_alloc : memref<!tpu.dma_semaphore, #tpu.memory_space<semaphore_mem>>
      %dma_start3A_62 = arith.constant 0 : i32
      %dma_start3A_63 = arith.constant 0 : i32
      %dma_start3A_64 = tpu.memref_slice %arg3[%add3A, %run_scoped3A_11, %dma_start3A_62, %dma_start3A_63] : memref<32x96x2x104xi32, #tpu.memory_space<hbm>> -> memref<1x1x2x104xi32, #tpu.memory_space<hbm>>
      %dma_start3A_65 = tpu.memref_squeeze %dma_start3A_64 : memref<1x1x2x104xi32, #tpu.memory_space<hbm>> -> memref<2x104xi32, #tpu.memory_space<hbm>>
      %dma_start3A_66 = arith.constant 0 : i32
      %dma_start3A_67 = arith.constant 0 : i32
      %dma_start3A_68 = tpu.memref_slice %arg3[%add3A, %run_scoped3A_11, %dma_start3A_66, %dma_start3A_67] : memref<32x96x2x104xi32, #tpu.memory_space<hbm>> -> memref<1x1x2x104xi32, #tpu.memory_space<hbm>>
      %dma_start3A_69 = tpu.memref_squeeze %dma_start3A_68 : memref<1x1x2x104xi32, #tpu.memory_space<hbm>> -> memref<2x104xi32, #tpu.memory_space<hbm>>
      tpu.enqueue_dma source(%dma_start3A_69 : memref<2x104xi32, #tpu.memory_space<hbm>>) target(%arg8 : memref<2x104xi32, #tpu.memory_space<vmem>>) target_semaphore(%run_scoped3A_61 : memref<!tpu.dma_semaphore, #tpu.memory_space<semaphore_mem>>)
      %dma_wait3A_70 = arith.constant 0 : i32
      %dma_wait3A_71 = arith.constant 0 : i32
      %dma_wait3A_72 = tpu.memref_slice %arg3[%add3A, %run_scoped3A_11, %dma_wait3A_70, %dma_wait3A_71] : memref<32x96x2x104xi32, #tpu.memory_space<hbm>> -> memref<1x1x2x104xi32, #tpu.memory_space<hbm>>
      %dma_wait3A_73 = tpu.memref_squeeze %dma_wait3A_72 : memref<1x1x2x104xi32, #tpu.memory_space<hbm>> -> memref<2x104xi32, #tpu.memory_space<hbm>>
      %dma_wait3A_74 = arith.constant 0 : i32
      %dma_wait3A_75 = arith.constant 0 : i32
      %dma_wait3A_76 = tpu.memref_slice %arg3[%add3A, %run_scoped3A_11, %dma_wait3A_74, %dma_wait3A_75] : memref<32x96x2x104xi32, #tpu.memory_space<hbm>> -> memref<1x1x2x104xi32, #tpu.memory_space<hbm>>
      %dma_wait3A_77 = tpu.memref_squeeze %dma_wait3A_76 : memref<1x1x2x104xi32, #tpu.memory_space<hbm>> -> memref<2x104xi32, #tpu.memory_space<hbm>>
      tpu.wait_dma2 semaphore(%run_scoped3A_61 : memref<!tpu.dma_semaphore, #tpu.memory_space<semaphore_mem>>) src(%dma_wait3A_77 : memref<2x104xi32, #tpu.memory_space<hbm>>) dst(%arg8 : memref<2x104xi32, #tpu.memory_space<vmem>>)
      tpu.yield
    }) : () -> ()
    %dma_start3A_12 = arith.constant 0 : i32
    %dma_start3A_13 = arith.constant 0 : i32
    %dma_start3A_14 = tpu.memref_slice %arg8[%dma_start3A_12, %dma_start3A_13] : memref<2x104xi32, #tpu.memory_space<vmem>> -> memref<1x104xi32, #tpu.memory_space<vmem>>
    %dma_start3A_15 = tpu.memref_squeeze %dma_start3A_14 : memref<1x104xi32, #tpu.memory_space<vmem>> -> memref<104xi32, #tpu.memory_space<vmem>>
    %dma_start3A_16 = arith.constant 0 : i32
    %dma_start3A_17 = arith.constant 0 : i32
    %dma_start3A_18 = tpu.memref_slice %arg2[%dma_start3A_16, %dma_start3A_17] : memref<10000x128xf32, #tpu.memory_space<hbm>> -> memref<10000x128xf32, #tpu.memory_space<hbm>>
    tpu.enqueue_indirect_dma source(%dma_start3A_18 : memref<10000x128xf32, #tpu.memory_space<hbm>>) target(%arg14 : memref<104x128xf32, #tpu.memory_space<vmem>>) offsets(%dma_start3A_15 : memref<104xi32, #tpu.memory_space<vmem>>) semaphore(%arg19 : memref<!tpu.dma_semaphore, #tpu.memory_space<semaphore_mem>>)
    %run_scoped3A_19 = arith.constant 2 : i32
    "tpu.region"() ({
      %run_scoped3A_61 = tpu.sem_alloc : memref<!tpu.dma_semaphore, #tpu.memory_space<semaphore_mem>>
      %dma_start3A_62 = arith.constant 0 : i32
      %dma_start3A_63 = arith.constant 0 : i32
      %dma_start3A_64 = tpu.memref_slice %arg3[%add3A, %run_scoped3A_19, %dma_start3A_62, %dma_start3A_63] : memref<32x96x2x104xi32, #tpu.memory_space<hbm>> -> memref<1x1x2x104xi32, #tpu.memory_space<hbm>>
      %dma_start3A_65 = tpu.memref_squeeze %dma_start3A_64 : memref<1x1x2x104xi32, #tpu.memory_space<hbm>> -> memref<2x104xi32, #tpu.memory_space<hbm>>
      %dma_start3A_66 = arith.constant 0 : i32
      %dma_start3A_67 = arith.constant 0 : i32
      %dma_start3A_68 = tpu.memref_slice %arg3[%add3A, %run_scoped3A_19, %dma_start3A_66, %dma_start3A_67] : memref<32x96x2x104xi32, #tpu.memory_space<hbm>> -> memref<1x1x2x104xi32, #tpu.memory_space<hbm>>
      %dma_start3A_69 = tpu.memref_squeeze %dma_start3A_68 : memref<1x1x2x104xi32, #tpu.memory_space<hbm>> -> memref<2x104xi32, #tpu.memory_space<hbm>>
      tpu.enqueue_dma source(%dma_start3A_69 : memref<2x104xi32, #tpu.memory_space<hbm>>) target(%arg9 : memref<2x104xi32, #tpu.memory_space<vmem>>) target_semaphore(%run_scoped3A_61 : memref<!tpu.dma_semaphore, #tpu.memory_space<semaphore_mem>>)
      %dma_wait3A_70 = arith.constant 0 : i32
      %dma_wait3A_71 = arith.constant 0 : i32
      %dma_wait3A_72 = tpu.memref_slice %arg3[%add3A, %run_scoped3A_19, %dma_wait3A_70, %dma_wait3A_71] : memref<32x96x2x104xi32, #tpu.memory_space<hbm>> -> memref<1x1x2x104xi32, #tpu.memory_space<hbm>>
      %dma_wait3A_73 = tpu.memref_squeeze %dma_wait3A_72 : memref<1x1x2x104xi32, #tpu.memory_space<hbm>> -> memref<2x104xi32, #tpu.memory_space<hbm>>
      %dma_wait3A_74 = arith.constant 0 : i32
      %dma_wait3A_75 = arith.constant 0 : i32
      %dma_wait3A_76 = tpu.memref_slice %arg3[%add3A, %run_scoped3A_19, %dma_wait3A_74, %dma_wait3A_75] : memref<32x96x2x104xi32, #tpu.memory_space<hbm>> -> memref<1x1x2x104xi32, #tpu.memory_space<hbm>>
      %dma_wait3A_77 = tpu.memref_squeeze %dma_wait3A_76 : memref<1x1x2x104xi32, #tpu.memory_space<hbm>> -> memref<2x104xi32, #tpu.memory_space<hbm>>
      tpu.wait_dma2 semaphore(%run_scoped3A_61 : memref<!tpu.dma_semaphore, #tpu.memory_space<semaphore_mem>>) src(%dma_wait3A_77 : memref<2x104xi32, #tpu.memory_space<hbm>>) dst(%arg9 : memref<2x104xi32, #tpu.memory_space<vmem>>)
      tpu.yield
    }) : () -> ()
    %dma_start3A_20 = arith.constant 0 : i32
    %dma_start3A_21 = arith.constant 0 : i32
    %dma_start3A_22 = tpu.memref_slice %arg9[%dma_start3A_20, %dma_start3A_21] : memref<2x104xi32, #tpu.memory_space<vmem>> -> memref<1x104xi32, #tpu.memory_space<vmem>>
    %dma_start3A_23 = tpu.memref_squeeze %dma_start3A_22 : memref<1x104xi32, #tpu.memory_space<vmem>> -> memref<104xi32, #tpu.memory_space<vmem>>
    %dma_start3A_24 = arith.constant 0 : i32
    %dma_start3A_25 = arith.constant 0 : i32
    %dma_start3A_26 = tpu.memref_slice %arg2[%dma_start3A_24, %dma_start3A_25] : memref<10000x128xf32, #tpu.memory_space<hbm>> -> memref<10000x128xf32, #tpu.memory_space<hbm>>
    tpu.enqueue_indirect_dma source(%dma_start3A_26 : memref<10000x128xf32, #tpu.memory_space<hbm>>) target(%arg15 : memref<104x128xf32, #tpu.memory_space<vmem>>) offsets(%dma_start3A_23 : memref<104xi32, #tpu.memory_space<vmem>>) semaphore(%arg20 : memref<!tpu.dma_semaphore, #tpu.memory_space<semaphore_mem>>)
    %scan3A = arith.constant 0 : i32
    %scan3A_27 = arith.constant 0 : i32
    %scan3A_28 = arith.constant 16 : i32
    %scan3A_29 = arith.addi %scan3A_27, %scan3A_28 : i32
    %scan3A_30 = arith.constant 1 : i32
    scf.for %scan3A_61 = %scan3A_27 to %scan3A_29 step %scan3A_30  : i32 {
      %mul3A_62 = arith.constant 2 : i32
      %mul3A_63 = arith.muli %scan3A_61, %mul3A_62 : i32
      %add3A_64 = arith.constant 0 : i32
      %add3A_65 = arith.addi %mul3A_63, %add3A_64 : i32
      %add3A_66 = arith.constant 1 : i32
      %add3A_67 = arith.addi %add3A_65, %add3A_66 : i32
      %ge3A = arith.constant 32 : i32
      %ge3A_68 = arith.cmpi sge, %add3A_67, %ge3A : i32
      %not3A = arith.constant true
      %not3A_69 = arith.xori %ge3A_68, %not3A : i1
      %convert_element_type3A_70 = arith.extui %not3A_69 : i1 to i32
      %cond3A_71 = arith.constant 0 : i32
      %cond3A_72 = arith.cmpi ne, %convert_element_type3A_70, %cond3A_71 : i32
      scf.if %cond3A_72 {
        %add3A_230 = arith.constant 1 : i32
        %add3A_231 = arith.addi %add3A_65, %add3A_230 : i32
        %mul3A_232 = arith.constant 3 : i32
        %mul3A_233 = arith.muli %add3A_231, %mul3A_232 : i32
        %add3A_234 = arith.constant 0 : i32
        %add3A_235 = arith.addi %mul3A_233, %add3A_234 : i32
        %dma_start3A_236 = arith.constant 0 : i32
        %dma_start3A_237 = arith.constant 0 : i32
        %dma_start3A_238 = tpu.memref_slice %arg3[%add3A, %add3A_235, %dma_start3A_236, %dma_start3A_237] : memref<32x96x2x104xi32, #tpu.memory_space<hbm>> -> memref<1x1x2x104xi32, #tpu.memory_space<hbm>>
        %dma_start3A_239 = tpu.memref_squeeze %dma_start3A_238 : memref<1x1x2x104xi32, #tpu.memory_space<hbm>> -> memref<2x104xi32, #tpu.memory_space<hbm>>
        %dma_start3A_240 = arith.constant 0 : i32
        %dma_start3A_241 = arith.constant 0 : i32
        %dma_start3A_242 = tpu.memref_slice %arg3[%add3A, %add3A_235, %dma_start3A_240, %dma_start3A_241] : memref<32x96x2x104xi32, #tpu.memory_space<hbm>> -> memref<1x1x2x104xi32, #tpu.memory_space<hbm>>
        %dma_start3A_243 = tpu.memref_squeeze %dma_start3A_242 : memref<1x1x2x104xi32, #tpu.memory_space<hbm>> -> memref<2x104xi32, #tpu.memory_space<hbm>>
        tpu.enqueue_dma source(%dma_start3A_243 : memref<2x104xi32, #tpu.memory_space<hbm>>) target(%arg10 : memref<2x104xi32, #tpu.memory_space<vmem>>) target_semaphore(%arg24 : memref<!tpu.dma_semaphore, #tpu.memory_space<semaphore_mem>>)
        %add3A_244 = arith.constant 1 : i32
        %add3A_245 = arith.addi %add3A_65, %add3A_244 : i32
        %mul3A_246 = arith.constant 3 : i32
        %mul3A_247 = arith.muli %add3A_245, %mul3A_246 : i32
        %add3A_248 = arith.constant 1 : i32
        %add3A_249 = arith.addi %mul3A_247, %add3A_248 : i32
        %dma_start3A_250 = arith.constant 0 : i32
        %dma_start3A_251 = arith.constant 0 : i32
        %dma_start3A_252 = tpu.memref_slice %arg3[%add3A, %add3A_249, %dma_start3A_250, %dma_start3A_251] : memref<32x96x2x104xi32, #tpu.memory_space<hbm>> -> memref<1x1x2x104xi32, #tpu.memory_space<hbm>>
        %dma_start3A_253 = tpu.memref_squeeze %dma_start3A_252 : memref<1x1x2x104xi32, #tpu.memory_space<hbm>> -> memref<2x104xi32, #tpu.memory_space<hbm>>
        %dma_start3A_254 = arith.constant 0 : i32
        %dma_start3A_255 = arith.constant 0 : i32
        %dma_start3A_256 = tpu.memref_slice %arg3[%add3A, %add3A_249, %dma_start3A_254, %dma_start3A_255] : memref<32x96x2x104xi32, #tpu.memory_space<hbm>> -> memref<1x1x2x104xi32, #tpu.memory_space<hbm>>
        %dma_start3A_257 = tpu.memref_squeeze %dma_start3A_256 : memref<1x1x2x104xi32, #tpu.memory_space<hbm>> -> memref<2x104xi32, #tpu.memory_space<hbm>>
        tpu.enqueue_dma source(%dma_start3A_257 : memref<2x104xi32, #tpu.memory_space<hbm>>) target(%arg11 : memref<2x104xi32, #tpu.memory_space<vmem>>) target_semaphore(%arg25 : memref<!tpu.dma_semaphore, #tpu.memory_space<semaphore_mem>>)
        %add3A_258 = arith.constant 1 : i32
        %add3A_259 = arith.addi %add3A_65, %add3A_258 : i32
        %mul3A_260 = arith.constant 3 : i32
        %mul3A_261 = arith.muli %add3A_259, %mul3A_260 : i32
        %add3A_262 = arith.constant 2 : i32
        %add3A_263 = arith.addi %mul3A_261, %add3A_262 : i32
        %dma_start3A_264 = arith.constant 0 : i32
        %dma_start3A_265 = arith.constant 0 : i32
        %dma_start3A_266 = tpu.memref_slice %arg3[%add3A, %add3A_263, %dma_start3A_264, %dma_start3A_265] : memref<32x96x2x104xi32, #tpu.memory_space<hbm>> -> memref<1x1x2x104xi32, #tpu.memory_space<hbm>>
        %dma_start3A_267 = tpu.memref_squeeze %dma_start3A_266 : memref<1x1x2x104xi32, #tpu.memory_space<hbm>> -> memref<2x104xi32, #tpu.memory_space<hbm>>
        %dma_start3A_268 = arith.constant 0 : i32
        %dma_start3A_269 = arith.constant 0 : i32
        %dma_start3A_270 = tpu.memref_slice %arg3[%add3A, %add3A_263, %dma_start3A_268, %dma_start3A_269] : memref<32x96x2x104xi32, #tpu.memory_space<hbm>> -> memref<1x1x2x104xi32, #tpu.memory_space<hbm>>
        %dma_start3A_271 = tpu.memref_squeeze %dma_start3A_270 : memref<1x1x2x104xi32, #tpu.memory_space<hbm>> -> memref<2x104xi32, #tpu.memory_space<hbm>>
        tpu.enqueue_dma source(%dma_start3A_271 : memref<2x104xi32, #tpu.memory_space<hbm>>) target(%arg12 : memref<2x104xi32, #tpu.memory_space<vmem>>) target_semaphore(%arg26 : memref<!tpu.dma_semaphore, #tpu.memory_space<semaphore_mem>>)
      } else {
      }
      %dma_wait3A_73 = arith.constant 0 : i32
      %dma_wait3A_74 = arith.constant 0 : i32
      %dma_wait3A_75 = tpu.memref_slice %arg2[%dma_wait3A_73, %dma_wait3A_74] : memref<10000x128xf32, #tpu.memory_space<hbm>> -> memref<104x128xf32, #tpu.memory_space<hbm>>
      %dma_wait3A_76 = arith.constant 0 : i32
      %dma_wait3A_77 = arith.constant 0 : i32
      %dma_wait3A_78 = tpu.memref_slice %arg2[%dma_wait3A_76, %dma_wait3A_77] : memref<10000x128xf32, #tpu.memory_space<hbm>> -> memref<104x128xf32, #tpu.memory_space<hbm>>
      tpu.wait_dma2 semaphore(%arg18 : memref<!tpu.dma_semaphore, #tpu.memory_space<semaphore_mem>>) src(%dma_wait3A_78 : memref<104x128xf32, #tpu.memory_space<hbm>>) dst(%arg13 : memref<104x128xf32, #tpu.memory_space<vmem>>)
      %dma_start3A_79 = arith.constant 1 : i32
      %dma_start3A_80 = arith.constant 0 : i32
      %dma_start3A_81 = tpu.memref_slice %arg7[%dma_start3A_79, %dma_start3A_80] : memref<2x104xi32, #tpu.memory_space<vmem>> -> memref<1x104xi32, #tpu.memory_space<vmem>>
      %dma_start3A_82 = tpu.memref_squeeze %dma_start3A_81 : memref<1x104xi32, #tpu.memory_space<vmem>> -> memref<104xi32, #tpu.memory_space<vmem>>
      %dma_start3A_83 = arith.constant 0 : i32
      %dma_start3A_84 = arith.constant 0 : i32
      %dma_start3A_85 = tpu.memref_slice %arg17[%dma_start3A_83, %dma_start3A_84] : memref<10000x128xf32, #tpu.memory_space<vmem_shared>> -> memref<10000x128xf32, #tpu.memory_space<vmem_shared>>
      tpu.enqueue_indirect_dma source(%arg13 : memref<104x128xf32, #tpu.memory_space<vmem>>) target(%dma_start3A_85 : memref<10000x128xf32, #tpu.memory_space<vmem_shared>>) offsets(%dma_start3A_82 : memref<104xi32, #tpu.memory_space<vmem>>) semaphore(%arg21 : memref<!tpu.dma_semaphore, #tpu.memory_space<semaphore_mem>>) {add = true}
      %dma_wait3A_86 = arith.constant 0 : i32
      %dma_wait3A_87 = arith.constant 0 : i32
      %dma_wait3A_88 = tpu.memref_slice %arg2[%dma_wait3A_86, %dma_wait3A_87] : memref<10000x128xf32, #tpu.memory_space<hbm>> -> memref<104x128xf32, #tpu.memory_space<hbm>>
      %dma_wait3A_89 = arith.constant 0 : i32
      %dma_wait3A_90 = arith.constant 0 : i32
      %dma_wait3A_91 = tpu.memref_slice %arg2[%dma_wait3A_89, %dma_wait3A_90] : memref<10000x128xf32, #tpu.memory_space<hbm>> -> memref<104x128xf32, #tpu.memory_space<hbm>>
      tpu.wait_dma2 semaphore(%arg19 : memref<!tpu.dma_semaphore, #tpu.memory_space<semaphore_mem>>) src(%dma_wait3A_91 : memref<104x128xf32, #tpu.memory_space<hbm>>) dst(%arg14 : memref<104x128xf32, #tpu.memory_space<vmem>>)
      %dma_start3A_92 = arith.constant 1 : i32
      %dma_start3A_93 = arith.constant 0 : i32
      %dma_start3A_94 = tpu.memref_slice %arg8[%dma_start3A_92, %dma_start3A_93] : memref<2x104xi32, #tpu.memory_space<vmem>> -> memref<1x104xi32, #tpu.memory_space<vmem>>
      %dma_start3A_95 = tpu.memref_squeeze %dma_start3A_94 : memref<1x104xi32, #tpu.memory_space<vmem>> -> memref<104xi32, #tpu.memory_space<vmem>>
      %dma_start3A_96 = arith.constant 0 : i32
      %dma_start3A_97 = arith.constant 0 : i32
      %dma_start3A_98 = tpu.memref_slice %arg17[%dma_start3A_96, %dma_start3A_97] : memref<10000x128xf32, #tpu.memory_space<vmem_shared>> -> memref<10000x128xf32, #tpu.memory_space<vmem_shared>>
      tpu.enqueue_indirect_dma source(%arg14 : memref<104x128xf32, #tpu.memory_space<vmem>>) target(%dma_start3A_98 : memref<10000x128xf32, #tpu.memory_space<vmem_shared>>) offsets(%dma_start3A_95 : memref<104xi32, #tpu.memory_space<vmem>>) semaphore(%arg22 : memref<!tpu.dma_semaphore, #tpu.memory_space<semaphore_mem>>) {add = true}
      %dma_wait3A_99 = arith.constant 0 : i32
      %dma_wait3A_100 = arith.constant 0 : i32
      %dma_wait3A_101 = tpu.memref_slice %arg2[%dma_wait3A_99, %dma_wait3A_100] : memref<10000x128xf32, #tpu.memory_space<hbm>> -> memref<104x128xf32, #tpu.memory_space<hbm>>
      %dma_wait3A_102 = arith.constant 0 : i32
      %dma_wait3A_103 = arith.constant 0 : i32
      %dma_wait3A_104 = tpu.memref_slice %arg2[%dma_wait3A_102, %dma_wait3A_103] : memref<10000x128xf32, #tpu.memory_space<hbm>> -> memref<104x128xf32, #tpu.memory_space<hbm>>
      tpu.wait_dma2 semaphore(%arg20 : memref<!tpu.dma_semaphore, #tpu.memory_space<semaphore_mem>>) src(%dma_wait3A_104 : memref<104x128xf32, #tpu.memory_space<hbm>>) dst(%arg15 : memref<104x128xf32, #tpu.memory_space<vmem>>)
      %dma_start3A_105 = arith.constant 1 : i32
      %dma_start3A_106 = arith.constant 0 : i32
      %dma_start3A_107 = tpu.memref_slice %arg9[%dma_start3A_105, %dma_start3A_106] : memref<2x104xi32, #tpu.memory_space<vmem>> -> memref<1x104xi32, #tpu.memory_space<vmem>>
      %dma_start3A_108 = tpu.memref_squeeze %dma_start3A_107 : memref<1x104xi32, #tpu.memory_space<vmem>> -> memref<104xi32, #tpu.memory_space<vmem>>
      %dma_start3A_109 = arith.constant 0 : i32
      %dma_start3A_110 = arith.constant 0 : i32
      %dma_start3A_111 = tpu.memref_slice %arg17[%dma_start3A_109, %dma_start3A_110] : memref<10000x128xf32, #tpu.memory_space<vmem_shared>> -> memref<10000x128xf32, #tpu.memory_space<vmem_shared>>
      tpu.enqueue_indirect_dma source(%arg15 : memref<104x128xf32, #tpu.memory_space<vmem>>) target(%dma_start3A_111 : memref<10000x128xf32, #tpu.memory_space<vmem_shared>>) offsets(%dma_start3A_108 : memref<104xi32, #tpu.memory_space<vmem>>) semaphore(%arg23 : memref<!tpu.dma_semaphore, #tpu.memory_space<semaphore_mem>>) {add = true}
      %dma_wait3A_112 = arith.constant 0 : i32
      %dma_wait3A_113 = arith.constant 0 : i32
      %dma_wait3A_114 = tpu.memref_slice %arg2[%dma_wait3A_112, %dma_wait3A_113] : memref<10000x128xf32, #tpu.memory_space<hbm>> -> memref<104x128xf32, #tpu.memory_space<hbm>>
      %dma_wait3A_115 = arith.constant 0 : i32
      %dma_wait3A_116 = arith.constant 0 : i32
      %dma_wait3A_117 = tpu.memref_slice %arg2[%dma_wait3A_115, %dma_wait3A_116] : memref<10000x128xf32, #tpu.memory_space<hbm>> -> memref<104x128xf32, #tpu.memory_space<hbm>>
      tpu.wait_dma2 semaphore(%arg21 : memref<!tpu.dma_semaphore, #tpu.memory_space<semaphore_mem>>) src(%dma_wait3A_117 : memref<104x128xf32, #tpu.memory_space<hbm>>) dst(%arg13 : memref<104x128xf32, #tpu.memory_space<vmem>>)
      %not3A_118 = arith.constant true
      %not3A_119 = arith.xori %ge3A_68, %not3A_118 : i1
      %convert_element_type3A_120 = arith.extui %not3A_119 : i1 to i32
      %cond3A_121 = arith.constant 0 : i32
      %cond3A_122 = arith.cmpi ne, %convert_element_type3A_120, %cond3A_121 : i32
      scf.if %cond3A_122 {
        %dma_wait3A_230 = arith.constant 0 : i32
        %dma_wait3A_231 = arith.constant 0 : i32
        %dma_wait3A_232 = arith.constant 0 : i32
        %dma_wait3A_233 = tpu.memref_slice %arg3[%add3A, %dma_wait3A_230, %dma_wait3A_231, %dma_wait3A_232] : memref<32x96x2x104xi32, #tpu.memory_space<hbm>> -> memref<1x1x2x104xi32, #tpu.memory_space<hbm>>
        %dma_wait3A_234 = tpu.memref_squeeze %dma_wait3A_233 : memref<1x1x2x104xi32, #tpu.memory_space<hbm>> -> memref<2x104xi32, #tpu.memory_space<hbm>>
        %dma_wait3A_235 = arith.constant 0 : i32
        %dma_wait3A_236 = arith.constant 0 : i32
        %dma_wait3A_237 = tpu.memref_slice %arg3[%add3A, %dma_wait3A_230, %dma_wait3A_235, %dma_wait3A_236] : memref<32x96x2x104xi32, #tpu.memory_space<hbm>> -> memref<1x1x2x104xi32, #tpu.memory_space<hbm>>
        %dma_wait3A_238 = tpu.memref_squeeze %dma_wait3A_237 : memref<1x1x2x104xi32, #tpu.memory_space<hbm>> -> memref<2x104xi32, #tpu.memory_space<hbm>>
        tpu.wait_dma2 semaphore(%arg24 : memref<!tpu.dma_semaphore, #tpu.memory_space<semaphore_mem>>) src(%dma_wait3A_238 : memref<2x104xi32, #tpu.memory_space<hbm>>) dst(%arg10 : memref<2x104xi32, #tpu.memory_space<vmem>>)
        %dma_start3A_239 = arith.constant 0 : i32
        %dma_start3A_240 = arith.constant 0 : i32
        %dma_start3A_241 = tpu.memref_slice %arg10[%dma_start3A_239, %dma_start3A_240] : memref<2x104xi32, #tpu.memory_space<vmem>> -> memref<1x104xi32, #tpu.memory_space<vmem>>
        %dma_start3A_242 = tpu.memref_squeeze %dma_start3A_241 : memref<1x104xi32, #tpu.memory_space<vmem>> -> memref<104xi32, #tpu.memory_space<vmem>>
        %dma_start3A_243 = arith.constant 0 : i32
        %dma_start3A_244 = arith.constant 0 : i32
        %dma_start3A_245 = tpu.memref_slice %arg2[%dma_start3A_243, %dma_start3A_244] : memref<10000x128xf32, #tpu.memory_space<hbm>> -> memref<10000x128xf32, #tpu.memory_space<hbm>>
        tpu.enqueue_indirect_dma source(%dma_start3A_245 : memref<10000x128xf32, #tpu.memory_space<hbm>>) target(%arg13 : memref<104x128xf32, #tpu.memory_space<vmem>>) offsets(%dma_start3A_242 : memref<104xi32, #tpu.memory_space<vmem>>) semaphore(%arg18 : memref<!tpu.dma_semaphore, #tpu.memory_space<semaphore_mem>>)
      } else {
      }
      %dma_wait3A_123 = arith.constant 0 : i32
      %dma_wait3A_124 = arith.constant 0 : i32
      %dma_wait3A_125 = tpu.memref_slice %arg2[%dma_wait3A_123, %dma_wait3A_124] : memref<10000x128xf32, #tpu.memory_space<hbm>> -> memref<104x128xf32, #tpu.memory_space<hbm>>
      %dma_wait3A_126 = arith.constant 0 : i32
      %dma_wait3A_127 = arith.constant 0 : i32
      %dma_wait3A_128 = tpu.memref_slice %arg2[%dma_wait3A_126, %dma_wait3A_127] : memref<10000x128xf32, #tpu.memory_space<hbm>> -> memref<104x128xf32, #tpu.memory_space<hbm>>
      tpu.wait_dma2 semaphore(%arg22 : memref<!tpu.dma_semaphore, #tpu.memory_space<semaphore_mem>>) src(%dma_wait3A_128 : memref<104x128xf32, #tpu.memory_space<hbm>>) dst(%arg14 : memref<104x128xf32, #tpu.memory_space<vmem>>)
      %not3A_129 = arith.constant true
      %not3A_130 = arith.xori %ge3A_68, %not3A_129 : i1
      %convert_element_type3A_131 = arith.extui %not3A_130 : i1 to i32
      %cond3A_132 = arith.constant 0 : i32
      %cond3A_133 = arith.cmpi ne, %convert_element_type3A_131, %cond3A_132 : i32
      scf.if %cond3A_133 {
        %dma_wait3A_230 = arith.constant 0 : i32
        %dma_wait3A_231 = arith.constant 0 : i32
        %dma_wait3A_232 = arith.constant 0 : i32
        %dma_wait3A_233 = tpu.memref_slice %arg3[%add3A, %dma_wait3A_230, %dma_wait3A_231, %dma_wait3A_232] : memref<32x96x2x104xi32, #tpu.memory_space<hbm>> -> memref<1x1x2x104xi32, #tpu.memory_space<hbm>>
        %dma_wait3A_234 = tpu.memref_squeeze %dma_wait3A_233 : memref<1x1x2x104xi32, #tpu.memory_space<hbm>> -> memref<2x104xi32, #tpu.memory_space<hbm>>
        %dma_wait3A_235 = arith.constant 0 : i32
        %dma_wait3A_236 = arith.constant 0 : i32
        %dma_wait3A_237 = tpu.memref_slice %arg3[%add3A, %dma_wait3A_230, %dma_wait3A_235, %dma_wait3A_236] : memref<32x96x2x104xi32, #tpu.memory_space<hbm>> -> memref<1x1x2x104xi32, #tpu.memory_space<hbm>>
        %dma_wait3A_238 = tpu.memref_squeeze %dma_wait3A_237 : memref<1x1x2x104xi32, #tpu.memory_space<hbm>> -> memref<2x104xi32, #tpu.memory_space<hbm>>
        tpu.wait_dma2 semaphore(%arg25 : memref<!tpu.dma_semaphore, #tpu.memory_space<semaphore_mem>>) src(%dma_wait3A_238 : memref<2x104xi32, #tpu.memory_space<hbm>>) dst(%arg11 : memref<2x104xi32, #tpu.memory_space<vmem>>)
        %dma_start3A_239 = arith.constant 0 : i32
        %dma_start3A_240 = arith.constant 0 : i32
        %dma_start3A_241 = tpu.memref_slice %arg11[%dma_start3A_239, %dma_start3A_240] : memref<2x104xi32, #tpu.memory_space<vmem>> -> memref<1x104xi32, #tpu.memory_space<vmem>>
        %dma_start3A_242 = tpu.memref_squeeze %dma_start3A_241 : memref<1x104xi32, #tpu.memory_space<vmem>> -> memref<104xi32, #tpu.memory_space<vmem>>
        %dma_start3A_243 = arith.constant 0 : i32
        %dma_start3A_244 = arith.constant 0 : i32
        %dma_start3A_245 = tpu.memref_slice %arg2[%dma_start3A_243, %dma_start3A_244] : memref<10000x128xf32, #tpu.memory_space<hbm>> -> memref<10000x128xf32, #tpu.memory_space<hbm>>
        tpu.enqueue_indirect_dma source(%dma_start3A_245 : memref<10000x128xf32, #tpu.memory_space<hbm>>) target(%arg14 : memref<104x128xf32, #tpu.memory_space<vmem>>) offsets(%dma_start3A_242 : memref<104xi32, #tpu.memory_space<vmem>>) semaphore(%arg19 : memref<!tpu.dma_semaphore, #tpu.memory_space<semaphore_mem>>)
      } else {
      }
      %dma_wait3A_134 = arith.constant 0 : i32
      %dma_wait3A_135 = arith.constant 0 : i32
      %dma_wait3A_136 = tpu.memref_slice %arg2[%dma_wait3A_134, %dma_wait3A_135] : memref<10000x128xf32, #tpu.memory_space<hbm>> -> memref<104x128xf32, #tpu.memory_space<hbm>>
      %dma_wait3A_137 = arith.constant 0 : i32
      %dma_wait3A_138 = arith.constant 0 : i32
      %dma_wait3A_139 = tpu.memref_slice %arg2[%dma_wait3A_137, %dma_wait3A_138] : memref<10000x128xf32, #tpu.memory_space<hbm>> -> memref<104x128xf32, #tpu.memory_space<hbm>>
      tpu.wait_dma2 semaphore(%arg23 : memref<!tpu.dma_semaphore, #tpu.memory_space<semaphore_mem>>) src(%dma_wait3A_139 : memref<104x128xf32, #tpu.memory_space<hbm>>) dst(%arg15 : memref<104x128xf32, #tpu.memory_space<vmem>>)
      %not3A_140 = arith.constant true
      %not3A_141 = arith.xori %ge3A_68, %not3A_140 : i1
      %convert_element_type3A_142 = arith.extui %not3A_141 : i1 to i32
      %cond3A_143 = arith.constant 0 : i32
      %cond3A_144 = arith.cmpi ne, %convert_element_type3A_142, %cond3A_143 : i32
      scf.if %cond3A_144 {
        %dma_wait3A_230 = arith.constant 0 : i32
        %dma_wait3A_231 = arith.constant 0 : i32
        %dma_wait3A_232 = arith.constant 0 : i32
        %dma_wait3A_233 = tpu.memref_slice %arg3[%add3A, %dma_wait3A_230, %dma_wait3A_231, %dma_wait3A_232] : memref<32x96x2x104xi32, #tpu.memory_space<hbm>> -> memref<1x1x2x104xi32, #tpu.memory_space<hbm>>
        %dma_wait3A_234 = tpu.memref_squeeze %dma_wait3A_233 : memref<1x1x2x104xi32, #tpu.memory_space<hbm>> -> memref<2x104xi32, #tpu.memory_space<hbm>>
        %dma_wait3A_235 = arith.constant 0 : i32
        %dma_wait3A_236 = arith.constant 0 : i32
        %dma_wait3A_237 = tpu.memref_slice %arg3[%add3A, %dma_wait3A_230, %dma_wait3A_235, %dma_wait3A_236] : memref<32x96x2x104xi32, #tpu.memory_space<hbm>> -> memref<1x1x2x104xi32, #tpu.memory_space<hbm>>
        %dma_wait3A_238 = tpu.memref_squeeze %dma_wait3A_237 : memref<1x1x2x104xi32, #tpu.memory_space<hbm>> -> memref<2x104xi32, #tpu.memory_space<hbm>>
        tpu.wait_dma2 semaphore(%arg26 : memref<!tpu.dma_semaphore, #tpu.memory_space<semaphore_mem>>) src(%dma_wait3A_238 : memref<2x104xi32, #tpu.memory_space<hbm>>) dst(%arg12 : memref<2x104xi32, #tpu.memory_space<vmem>>)
        %dma_start3A_239 = arith.constant 0 : i32
        %dma_start3A_240 = arith.constant 0 : i32
        %dma_start3A_241 = tpu.memref_slice %arg12[%dma_start3A_239, %dma_start3A_240] : memref<2x104xi32, #tpu.memory_space<vmem>> -> memref<1x104xi32, #tpu.memory_space<vmem>>
        %dma_start3A_242 = tpu.memref_squeeze %dma_start3A_241 : memref<1x104xi32, #tpu.memory_space<vmem>> -> memref<104xi32, #tpu.memory_space<vmem>>
        %dma_start3A_243 = arith.constant 0 : i32
        %dma_start3A_244 = arith.constant 0 : i32
        %dma_start3A_245 = tpu.memref_slice %arg2[%dma_start3A_243, %dma_start3A_244] : memref<10000x128xf32, #tpu.memory_space<hbm>> -> memref<10000x128xf32, #tpu.memory_space<hbm>>
        tpu.enqueue_indirect_dma source(%dma_start3A_245 : memref<10000x128xf32, #tpu.memory_space<hbm>>) target(%arg15 : memref<104x128xf32, #tpu.memory_space<vmem>>) offsets(%dma_start3A_242 : memref<104xi32, #tpu.memory_space<vmem>>) semaphore(%arg20 : memref<!tpu.dma_semaphore, #tpu.memory_space<semaphore_mem>>)
      } else {
      }
      %mul3A_145 = arith.constant 2 : i32
      %mul3A_146 = arith.muli %scan3A_61, %mul3A_145 : i32
      %add3A_147 = arith.constant 1 : i32
      %add3A_148 = arith.addi %mul3A_146, %add3A_147 : i32
      %add3A_149 = arith.constant 1 : i32
      %add3A_150 = arith.addi %add3A_148, %add3A_149 : i32
      %ge3A_151 = arith.constant 32 : i32
      %ge3A_152 = arith.cmpi sge, %add3A_150, %ge3A_151 : i32
      %not3A_153 = arith.constant true
      %not3A_154 = arith.xori %ge3A_152, %not3A_153 : i1
      %convert_element_type3A_155 = arith.extui %not3A_154 : i1 to i32
      %cond3A_156 = arith.constant 0 : i32
      %cond3A_157 = arith.cmpi ne, %convert_element_type3A_155, %cond3A_156 : i32
      scf.if %cond3A_157 {
        %add3A_230 = arith.constant 1 : i32
        %add3A_231 = arith.addi %add3A_148, %add3A_230 : i32
        %mul3A_232 = arith.constant 3 : i32
        %mul3A_233 = arith.muli %add3A_231, %mul3A_232 : i32
        %add3A_234 = arith.constant 0 : i32
        %add3A_235 = arith.addi %mul3A_233, %add3A_234 : i32
        %dma_start3A_236 = arith.constant 0 : i32
        %dma_start3A_237 = arith.constant 0 : i32
        %dma_start3A_238 = tpu.memref_slice %arg3[%add3A, %add3A_235, %dma_start3A_236, %dma_start3A_237] : memref<32x96x2x104xi32, #tpu.memory_space<hbm>> -> memref<1x1x2x104xi32, #tpu.memory_space<hbm>>
        %dma_start3A_239 = tpu.memref_squeeze %dma_start3A_238 : memref<1x1x2x104xi32, #tpu.memory_space<hbm>> -> memref<2x104xi32, #tpu.memory_space<hbm>>
        %dma_start3A_240 = arith.constant 0 : i32
        %dma_start3A_241 = arith.constant 0 : i32
        %dma_start3A_242 = tpu.memref_slice %arg3[%add3A, %add3A_235, %dma_start3A_240, %dma_start3A_241] : memref<32x96x2x104xi32, #tpu.memory_space<hbm>> -> memref<1x1x2x104xi32, #tpu.memory_space<hbm>>
        %dma_start3A_243 = tpu.memref_squeeze %dma_start3A_242 : memref<1x1x2x104xi32, #tpu.memory_space<hbm>> -> memref<2x104xi32, #tpu.memory_space<hbm>>
        tpu.enqueue_dma source(%dma_start3A_243 : memref<2x104xi32, #tpu.memory_space<hbm>>) target(%arg7 : memref<2x104xi32, #tpu.memory_space<vmem>>) target_semaphore(%arg24 : memref<!tpu.dma_semaphore, #tpu.memory_space<semaphore_mem>>)
        %add3A_244 = arith.constant 1 : i32
        %add3A_245 = arith.addi %add3A_148, %add3A_244 : i32
        %mul3A_246 = arith.constant 3 : i32
        %mul3A_247 = arith.muli %add3A_245, %mul3A_246 : i32
        %add3A_248 = arith.constant 1 : i32
        %add3A_249 = arith.addi %mul3A_247, %add3A_248 : i32
        %dma_start3A_250 = arith.constant 0 : i32
        %dma_start3A_251 = arith.constant 0 : i32
        %dma_start3A_252 = tpu.memref_slice %arg3[%add3A, %add3A_249, %dma_start3A_250, %dma_start3A_251] : memref<32x96x2x104xi32, #tpu.memory_space<hbm>> -> memref<1x1x2x104xi32, #tpu.memory_space<hbm>>
        %dma_start3A_253 = tpu.memref_squeeze %dma_start3A_252 : memref<1x1x2x104xi32, #tpu.memory_space<hbm>> -> memref<2x104xi32, #tpu.memory_space<hbm>>
        %dma_start3A_254 = arith.constant 0 : i32
        %dma_start3A_255 = arith.constant 0 : i32
        %dma_start3A_256 = tpu.memref_slice %arg3[%add3A, %add3A_249, %dma_start3A_254, %dma_start3A_255] : memref<32x96x2x104xi32, #tpu.memory_space<hbm>> -> memref<1x1x2x104xi32, #tpu.memory_space<hbm>>
        %dma_start3A_257 = tpu.memref_squeeze %dma_start3A_256 : memref<1x1x2x104xi32, #tpu.memory_space<hbm>> -> memref<2x104xi32, #tpu.memory_space<hbm>>
        tpu.enqueue_dma source(%dma_start3A_257 : memref<2x104xi32, #tpu.memory_space<hbm>>) target(%arg8 : memref<2x104xi32, #tpu.memory_space<vmem>>) target_semaphore(%arg25 : memref<!tpu.dma_semaphore, #tpu.memory_space<semaphore_mem>>)
        %add3A_258 = arith.constant 1 : i32
        %add3A_259 = arith.addi %add3A_148, %add3A_258 : i32
        %mul3A_260 = arith.constant 3 : i32
        %mul3A_261 = arith.muli %add3A_259, %mul3A_260 : i32
        %add3A_262 = arith.constant 2 : i32
        %add3A_263 = arith.addi %mul3A_261, %add3A_262 : i32
        %dma_start3A_264 = arith.constant 0 : i32
        %dma_start3A_265 = arith.constant 0 : i32
        %dma_start3A_266 = tpu.memref_slice %arg3[%add3A, %add3A_263, %dma_start3A_264, %dma_start3A_265] : memref<32x96x2x104xi32, #tpu.memory_space<hbm>> -> memref<1x1x2x104xi32, #tpu.memory_space<hbm>>
        %dma_start3A_267 = tpu.memref_squeeze %dma_start3A_266 : memref<1x1x2x104xi32, #tpu.memory_space<hbm>> -> memref<2x104xi32, #tpu.memory_space<hbm>>
        %dma_start3A_268 = arith.constant 0 : i32
        %dma_start3A_269 = arith.constant 0 : i32
        %dma_start3A_270 = tpu.memref_slice %arg3[%add3A, %add3A_263, %dma_start3A_268, %dma_start3A_269] : memref<32x96x2x104xi32, #tpu.memory_space<hbm>> -> memref<1x1x2x104xi32, #tpu.memory_space<hbm>>
        %dma_start3A_271 = tpu.memref_squeeze %dma_start3A_270 : memref<1x1x2x104xi32, #tpu.memory_space<hbm>> -> memref<2x104xi32, #tpu.memory_space<hbm>>
        tpu.enqueue_dma source(%dma_start3A_271 : memref<2x104xi32, #tpu.memory_space<hbm>>) target(%arg9 : memref<2x104xi32, #tpu.memory_space<vmem>>) target_semaphore(%arg26 : memref<!tpu.dma_semaphore, #tpu.memory_space<semaphore_mem>>)
      } else {
      }
      %dma_wait3A_158 = arith.constant 0 : i32
      %dma_wait3A_159 = arith.constant 0 : i32
      %dma_wait3A_160 = tpu.memref_slice %arg2[%dma_wait3A_158, %dma_wait3A_159] : memref<10000x128xf32, #tpu.memory_space<hbm>> -> memref<104x128xf32, #tpu.memory_space<hbm>>
      %dma_wait3A_161 = arith.constant 0 : i32
      %dma_wait3A_162 = arith.constant 0 : i32
      %dma_wait3A_163 = tpu.memref_slice %arg2[%dma_wait3A_161, %dma_wait3A_162] : memref<10000x128xf32, #tpu.memory_space<hbm>> -> memref<104x128xf32, #tpu.memory_space<hbm>>
      tpu.wait_dma2 semaphore(%arg18 : memref<!tpu.dma_semaphore, #tpu.memory_space<semaphore_mem>>) src(%dma_wait3A_163 : memref<104x128xf32, #tpu.memory_space<hbm>>) dst(%arg13 : memref<104x128xf32, #tpu.memory_space<vmem>>)
      %dma_start3A_164 = arith.constant 1 : i32
      %dma_start3A_165 = arith.constant 0 : i32
      %dma_start3A_166 = tpu.memref_slice %arg10[%dma_start3A_164, %dma_start3A_165] : memref<2x104xi32, #tpu.memory_space<vmem>> -> memref<1x104xi32, #tpu.memory_space<vmem>>
      %dma_start3A_167 = tpu.memref_squeeze %dma_start3A_166 : memref<1x104xi32, #tpu.memory_space<vmem>> -> memref<104xi32, #tpu.memory_space<vmem>>
      %dma_start3A_168 = arith.constant 0 : i32
      %dma_start3A_169 = arith.constant 0 : i32
      %dma_start3A_170 = tpu.memref_slice %arg17[%dma_start3A_168, %dma_start3A_169] : memref<10000x128xf32, #tpu.memory_space<vmem_shared>> -> memref<10000x128xf32, #tpu.memory_space<vmem_shared>>
      tpu.enqueue_indirect_dma source(%arg13 : memref<104x128xf32, #tpu.memory_space<vmem>>) target(%dma_start3A_170 : memref<10000x128xf32, #tpu.memory_space<vmem_shared>>) offsets(%dma_start3A_167 : memref<104xi32, #tpu.memory_space<vmem>>) semaphore(%arg21 : memref<!tpu.dma_semaphore, #tpu.memory_space<semaphore_mem>>) {add = true}
      %dma_wait3A_171 = arith.constant 0 : i32
      %dma_wait3A_172 = arith.constant 0 : i32
      %dma_wait3A_173 = tpu.memref_slice %arg2[%dma_wait3A_171, %dma_wait3A_172] : memref<10000x128xf32, #tpu.memory_space<hbm>> -> memref<104x128xf32, #tpu.memory_space<hbm>>
      %dma_wait3A_174 = arith.constant 0 : i32
      %dma_wait3A_175 = arith.constant 0 : i32
      %dma_wait3A_176 = tpu.memref_slice %arg2[%dma_wait3A_174, %dma_wait3A_175] : memref<10000x128xf32, #tpu.memory_space<hbm>> -> memref<104x128xf32, #tpu.memory_space<hbm>>
      tpu.wait_dma2 semaphore(%arg19 : memref<!tpu.dma_semaphore, #tpu.memory_space<semaphore_mem>>) src(%dma_wait3A_176 : memref<104x128xf32, #tpu.memory_space<hbm>>) dst(%arg14 : memref<104x128xf32, #tpu.memory_space<vmem>>)
      %dma_start3A_177 = arith.constant 1 : i32
      %dma_start3A_178 = arith.constant 0 : i32
      %dma_start3A_179 = tpu.memref_slice %arg11[%dma_start3A_177, %dma_start3A_178] : memref<2x104xi32, #tpu.memory_space<vmem>> -> memref<1x104xi32, #tpu.memory_space<vmem>>
      %dma_start3A_180 = tpu.memref_squeeze %dma_start3A_179 : memref<1x104xi32, #tpu.memory_space<vmem>> -> memref<104xi32, #tpu.memory_space<vmem>>
      %dma_start3A_181 = arith.constant 0 : i32
      %dma_start3A_182 = arith.constant 0 : i32
      %dma_start3A_183 = tpu.memref_slice %arg17[%dma_start3A_181, %dma_start3A_182] : memref<10000x128xf32, #tpu.memory_space<vmem_shared>> -> memref<10000x128xf32, #tpu.memory_space<vmem_shared>>
      tpu.enqueue_indirect_dma source(%arg14 : memref<104x128xf32, #tpu.memory_space<vmem>>) target(%dma_start3A_183 : memref<10000x128xf32, #tpu.memory_space<vmem_shared>>) offsets(%dma_start3A_180 : memref<104xi32, #tpu.memory_space<vmem>>) semaphore(%arg22 : memref<!tpu.dma_semaphore, #tpu.memory_space<semaphore_mem>>) {add = true}
      %dma_wait3A_184 = arith.constant 0 : i32
      %dma_wait3A_185 = arith.constant 0 : i32
      %dma_wait3A_186 = tpu.memref_slice %arg2[%dma_wait3A_184, %dma_wait3A_185] : memref<10000x128xf32, #tpu.memory_space<hbm>> -> memref<104x128xf32, #tpu.memory_space<hbm>>
      %dma_wait3A_187 = arith.constant 0 : i32
      %dma_wait3A_188 = arith.constant 0 : i32
      %dma_wait3A_189 = tpu.memref_slice %arg2[%dma_wait3A_187, %dma_wait3A_188] : memref<10000x128xf32, #tpu.memory_space<hbm>> -> memref<104x128xf32, #tpu.memory_space<hbm>>
      tpu.wait_dma2 semaphore(%arg20 : memref<!tpu.dma_semaphore, #tpu.memory_space<semaphore_mem>>) src(%dma_wait3A_189 : memref<104x128xf32, #tpu.memory_space<hbm>>) dst(%arg15 : memref<104x128xf32, #tpu.memory_space<vmem>>)
      %dma_start3A_190 = arith.constant 1 : i32
      %dma_start3A_191 = arith.constant 0 : i32
      %dma_start3A_192 = tpu.memref_slice %arg12[%dma_start3A_190, %dma_start3A_191] : memref<2x104xi32, #tpu.memory_space<vmem>> -> memref<1x104xi32, #tpu.memory_space<vmem>>
      %dma_start3A_193 = tpu.memref_squeeze %dma_start3A_192 : memref<1x104xi32, #tpu.memory_space<vmem>> -> memref<104xi32, #tpu.memory_space<vmem>>
      %dma_start3A_194 = arith.constant 0 : i32
      %dma_start3A_195 = arith.constant 0 : i32
      %dma_start3A_196 = tpu.memref_slice %arg17[%dma_start3A_194, %dma_start3A_195] : memref<10000x128xf32, #tpu.memory_space<vmem_shared>> -> memref<10000x128xf32, #tpu.memory_space<vmem_shared>>
      tpu.enqueue_indirect_dma source(%arg15 : memref<104x128xf32, #tpu.memory_space<vmem>>) target(%dma_start3A_196 : memref<10000x128xf32, #tpu.memory_space<vmem_shared>>) offsets(%dma_start3A_193 : memref<104xi32, #tpu.memory_space<vmem>>) semaphore(%arg23 : memref<!tpu.dma_semaphore, #tpu.memory_space<semaphore_mem>>) {add = true}
      %dma_wait3A_197 = arith.constant 0 : i32
      %dma_wait3A_198 = arith.constant 0 : i32
      %dma_wait3A_199 = tpu.memref_slice %arg2[%dma_wait3A_197, %dma_wait3A_198] : memref<10000x128xf32, #tpu.memory_space<hbm>> -> memref<104x128xf32, #tpu.memory_space<hbm>>
      %dma_wait3A_200 = arith.constant 0 : i32
      %dma_wait3A_201 = arith.constant 0 : i32
      %dma_wait3A_202 = tpu.memref_slice %arg2[%dma_wait3A_200, %dma_wait3A_201] : memref<10000x128xf32, #tpu.memory_space<hbm>> -> memref<104x128xf32, #tpu.memory_space<hbm>>
      tpu.wait_dma2 semaphore(%arg21 : memref<!tpu.dma_semaphore, #tpu.memory_space<semaphore_mem>>) src(%dma_wait3A_202 : memref<104x128xf32, #tpu.memory_space<hbm>>) dst(%arg13 : memref<104x128xf32, #tpu.memory_space<vmem>>)
      %not3A_203 = arith.constant true
      %not3A_204 = arith.xori %ge3A_152, %not3A_203 : i1
      %convert_element_type3A_205 = arith.extui %not3A_204 : i1 to i32
      %cond3A_206 = arith.constant 0 : i32
      %cond3A_207 = arith.cmpi ne, %convert_element_type3A_205, %cond3A_206 : i32
      scf.if %cond3A_207 {
        %dma_wait3A_230 = arith.constant 0 : i32
        %dma_wait3A_231 = arith.constant 0 : i32
        %dma_wait3A_232 = arith.constant 0 : i32
        %dma_wait3A_233 = tpu.memref_slice %arg3[%add3A, %dma_wait3A_230, %dma_wait3A_231, %dma_wait3A_232] : memref<32x96x2x104xi32, #tpu.memory_space<hbm>> -> memref<1x1x2x104xi32, #tpu.memory_space<hbm>>
        %dma_wait3A_234 = tpu.memref_squeeze %dma_wait3A_233 : memref<1x1x2x104xi32, #tpu.memory_space<hbm>> -> memref<2x104xi32, #tpu.memory_space<hbm>>
        %dma_wait3A_235 = arith.constant 0 : i32
        %dma_wait3A_236 = arith.constant 0 : i32
        %dma_wait3A_237 = tpu.memref_slice %arg3[%add3A, %dma_wait3A_230, %dma_wait3A_235, %dma_wait3A_236] : memref<32x96x2x104xi32, #tpu.memory_space<hbm>> -> memref<1x1x2x104xi32, #tpu.memory_space<hbm>>
        %dma_wait3A_238 = tpu.memref_squeeze %dma_wait3A_237 : memref<1x1x2x104xi32, #tpu.memory_space<hbm>> -> memref<2x104xi32, #tpu.memory_space<hbm>>
        tpu.wait_dma2 semaphore(%arg24 : memref<!tpu.dma_semaphore, #tpu.memory_space<semaphore_mem>>) src(%dma_wait3A_238 : memref<2x104xi32, #tpu.memory_space<hbm>>) dst(%arg7 : memref<2x104xi32, #tpu.memory_space<vmem>>)
        %dma_start3A_239 = arith.constant 0 : i32
        %dma_start3A_240 = arith.constant 0 : i32
        %dma_start3A_241 = tpu.memref_slice %arg7[%dma_start3A_239, %dma_start3A_240] : memref<2x104xi32, #tpu.memory_space<vmem>> -> memref<1x104xi32, #tpu.memory_space<vmem>>
        %dma_start3A_242 = tpu.memref_squeeze %dma_start3A_241 : memref<1x104xi32, #tpu.memory_space<vmem>> -> memref<104xi32, #tpu.memory_space<vmem>>
        %dma_start3A_243 = arith.constant 0 : i32
        %dma_start3A_244 = arith.constant 0 : i32
        %dma_start3A_245 = tpu.memref_slice %arg2[%dma_start3A_243, %dma_start3A_244] : memref<10000x128xf32, #tpu.memory_space<hbm>> -> memref<10000x128xf32, #tpu.memory_space<hbm>>
        tpu.enqueue_indirect_dma source(%dma_start3A_245 : memref<10000x128xf32, #tpu.memory_space<hbm>>) target(%arg13 : memref<104x128xf32, #tpu.memory_space<vmem>>) offsets(%dma_start3A_242 : memref<104xi32, #tpu.memory_space<vmem>>) semaphore(%arg18 : memref<!tpu.dma_semaphore, #tpu.memory_space<semaphore_mem>>)
      } else {
      }
      %dma_wait3A_208 = arith.constant 0 : i32
      %dma_wait3A_209 = arith.constant 0 : i32
      %dma_wait3A_210 = tpu.memref_slice %arg2[%dma_wait3A_208, %dma_wait3A_209] : memref<10000x128xf32, #tpu.memory_space<hbm>> -> memref<104x128xf32, #tpu.memory_space<hbm>>
      %dma_wait3A_211 = arith.constant 0 : i32
      %dma_wait3A_212 = arith.constant 0 : i32
      %dma_wait3A_213 = tpu.memref_slice %arg2[%dma_wait3A_211, %dma_wait3A_212] : memref<10000x128xf32, #tpu.memory_space<hbm>> -> memref<104x128xf32, #tpu.memory_space<hbm>>
      tpu.wait_dma2 semaphore(%arg22 : memref<!tpu.dma_semaphore, #tpu.memory_space<semaphore_mem>>) src(%dma_wait3A_213 : memref<104x128xf32, #tpu.memory_space<hbm>>) dst(%arg14 : memref<104x128xf32, #tpu.memory_space<vmem>>)
      %not3A_214 = arith.constant true
      %not3A_215 = arith.xori %ge3A_152, %not3A_214 : i1
      %convert_element_type3A_216 = arith.extui %not3A_215 : i1 to i32
      %cond3A_217 = arith.constant 0 : i32
      %cond3A_218 = arith.cmpi ne, %convert_element_type3A_216, %cond3A_217 : i32
      scf.if %cond3A_218 {
        %dma_wait3A_230 = arith.constant 0 : i32
        %dma_wait3A_231 = arith.constant 0 : i32
        %dma_wait3A_232 = arith.constant 0 : i32
        %dma_wait3A_233 = tpu.memref_slice %arg3[%add3A, %dma_wait3A_230, %dma_wait3A_231, %dma_wait3A_232] : memref<32x96x2x104xi32, #tpu.memory_space<hbm>> -> memref<1x1x2x104xi32, #tpu.memory_space<hbm>>
        %dma_wait3A_234 = tpu.memref_squeeze %dma_wait3A_233 : memref<1x1x2x104xi32, #tpu.memory_space<hbm>> -> memref<2x104xi32, #tpu.memory_space<hbm>>
        %dma_wait3A_235 = arith.constant 0 : i32
        %dma_wait3A_236 = arith.constant 0 : i32
        %dma_wait3A_237 = tpu.memref_slice %arg3[%add3A, %dma_wait3A_230, %dma_wait3A_235, %dma_wait3A_236] : memref<32x96x2x104xi32, #tpu.memory_space<hbm>> -> memref<1x1x2x104xi32, #tpu.memory_space<hbm>>
        %dma_wait3A_238 = tpu.memref_squeeze %dma_wait3A_237 : memref<1x1x2x104xi32, #tpu.memory_space<hbm>> -> memref<2x104xi32, #tpu.memory_space<hbm>>
        tpu.wait_dma2 semaphore(%arg25 : memref<!tpu.dma_semaphore, #tpu.memory_space<semaphore_mem>>) src(%dma_wait3A_238 : memref<2x104xi32, #tpu.memory_space<hbm>>) dst(%arg8 : memref<2x104xi32, #tpu.memory_space<vmem>>)
        %dma_start3A_239 = arith.constant 0 : i32
        %dma_start3A_240 = arith.constant 0 : i32
        %dma_start3A_241 = tpu.memref_slice %arg8[%dma_start3A_239, %dma_start3A_240] : memref<2x104xi32, #tpu.memory_space<vmem>> -> memref<1x104xi32, #tpu.memory_space<vmem>>
        %dma_start3A_242 = tpu.memref_squeeze %dma_start3A_241 : memref<1x104xi32, #tpu.memory_space<vmem>> -> memref<104xi32, #tpu.memory_space<vmem>>
        %dma_start3A_243 = arith.constant 0 : i32
        %dma_start3A_244 = arith.constant 0 : i32
        %dma_start3A_245 = tpu.memref_slice %arg2[%dma_start3A_243, %dma_start3A_244] : memref<10000x128xf32, #tpu.memory_space<hbm>> -> memref<10000x128xf32, #tpu.memory_space<hbm>>
        tpu.enqueue_indirect_dma source(%dma_start3A_245 : memref<10000x128xf32, #tpu.memory_space<hbm>>) target(%arg14 : memref<104x128xf32, #tpu.memory_space<vmem>>) offsets(%dma_start3A_242 : memref<104xi32, #tpu.memory_space<vmem>>) semaphore(%arg19 : memref<!tpu.dma_semaphore, #tpu.memory_space<semaphore_mem>>)
      } else {
      }
      %dma_wait3A_219 = arith.constant 0 : i32
      %dma_wait3A_220 = arith.constant 0 : i32
      %dma_wait3A_221 = tpu.memref_slice %arg2[%dma_wait3A_219, %dma_wait3A_220] : memref<10000x128xf32, #tpu.memory_space<hbm>> -> memref<104x128xf32, #tpu.memory_space<hbm>>
      %dma_wait3A_222 = arith.constant 0 : i32
      %dma_wait3A_223 = arith.constant 0 : i32
      %dma_wait3A_224 = tpu.memref_slice %arg2[%dma_wait3A_222, %dma_wait3A_223] : memref<10000x128xf32, #tpu.memory_space<hbm>> -> memref<104x128xf32, #tpu.memory_space<hbm>>
      tpu.wait_dma2 semaphore(%arg23 : memref<!tpu.dma_semaphore, #tpu.memory_space<semaphore_mem>>) src(%dma_wait3A_224 : memref<104x128xf32, #tpu.memory_space<hbm>>) dst(%arg15 : memref<104x128xf32, #tpu.memory_space<vmem>>)
      %not3A_225 = arith.constant true
      %not3A_226 = arith.xori %ge3A_152, %not3A_225 : i1
      %convert_element_type3A_227 = arith.extui %not3A_226 : i1 to i32
      %cond3A_228 = arith.constant 0 : i32
      %cond3A_229 = arith.cmpi ne, %convert_element_type3A_227, %cond3A_228 : i32
      scf.if %cond3A_229 {
        %dma_wait3A_230 = arith.constant 0 : i32
        %dma_wait3A_231 = arith.constant 0 : i32
        %dma_wait3A_232 = arith.constant 0 : i32
        %dma_wait3A_233 = tpu.memref_slice %arg3[%add3A, %dma_wait3A_230, %dma_wait3A_231, %dma_wait3A_232] : memref<32x96x2x104xi32, #tpu.memory_space<hbm>> -> memref<1x1x2x104xi32, #tpu.memory_space<hbm>>
        %dma_wait3A_234 = tpu.memref_squeeze %dma_wait3A_233 : memref<1x1x2x104xi32, #tpu.memory_space<hbm>> -> memref<2x104xi32, #tpu.memory_space<hbm>>
        %dma_wait3A_235 = arith.constant 0 : i32
        %dma_wait3A_236 = arith.constant 0 : i32
        %dma_wait3A_237 = tpu.memref_slice %arg3[%add3A, %dma_wait3A_230, %dma_wait3A_235, %dma_wait3A_236] : memref<32x96x2x104xi32, #tpu.memory_space<hbm>> -> memref<1x1x2x104xi32, #tpu.memory_space<hbm>>
        %dma_wait3A_238 = tpu.memref_squeeze %dma_wait3A_237 : memref<1x1x2x104xi32, #tpu.memory_space<hbm>> -> memref<2x104xi32, #tpu.memory_space<hbm>>
        tpu.wait_dma2 semaphore(%arg26 : memref<!tpu.dma_semaphore, #tpu.memory_space<semaphore_mem>>) src(%dma_wait3A_238 : memref<2x104xi32, #tpu.memory_space<hbm>>) dst(%arg9 : memref<2x104xi32, #tpu.memory_space<vmem>>)
        %dma_start3A_239 = arith.constant 0 : i32
        %dma_start3A_240 = arith.constant 0 : i32
        %dma_start3A_241 = tpu.memref_slice %arg9[%dma_start3A_239, %dma_start3A_240] : memref<2x104xi32, #tpu.memory_space<vmem>> -> memref<1x104xi32, #tpu.memory_space<vmem>>
        %dma_start3A_242 = tpu.memref_squeeze %dma_start3A_241 : memref<1x104xi32, #tpu.memory_space<vmem>> -> memref<104xi32, #tpu.memory_space<vmem>>
        %dma_start3A_243 = arith.constant 0 : i32
        %dma_start3A_244 = arith.constant 0 : i32
        %dma_start3A_245 = tpu.memref_slice %arg2[%dma_start3A_243, %dma_start3A_244] : memref<10000x128xf32, #tpu.memory_space<hbm>> -> memref<10000x128xf32, #tpu.memory_space<hbm>>
        tpu.enqueue_indirect_dma source(%dma_start3A_245 : memref<10000x128xf32, #tpu.memory_space<hbm>>) target(%arg15 : memref<104x128xf32, #tpu.memory_space<vmem>>) offsets(%dma_start3A_242 : memref<104xi32, #tpu.memory_space<vmem>>) semaphore(%arg20 : memref<!tpu.dma_semaphore, #tpu.memory_space<semaphore_mem>>)
      } else {
      }
    }
    %scan3A_31 = arith.constant 16 : i32
    "tpu.region"() ({
      %run_scoped3A_61 = tpu.sem_alloc : memref<!tpu.dma_semaphore, #tpu.memory_space<semaphore_mem>>
      %dma_start3A_62 = arith.constant 0 : i32
      %dma_start3A_63 = arith.constant 0 : i32
      %dma_start3A_64 = tpu.memref_slice %arg4[%add3A, %dma_start3A_62, %dma_start3A_63] : memref<32x2x16xi32, #tpu.memory_space<hbm>> -> memref<1x2x16xi32, #tpu.memory_space<hbm>>
      %dma_start3A_65 = tpu.memref_squeeze %dma_start3A_64 : memref<1x2x16xi32, #tpu.memory_space<hbm>> -> memref<2x16xi32, #tpu.memory_space<hbm>>
      %dma_start3A_66 = arith.constant 0 : i32
      %dma_start3A_67 = arith.constant 0 : i32
      %dma_start3A_68 = tpu.memref_slice %arg4[%add3A, %dma_start3A_66, %dma_start3A_67] : memref<32x2x16xi32, #tpu.memory_space<hbm>> -> memref<1x2x16xi32, #tpu.memory_space<hbm>>
      %dma_start3A_69 = tpu.memref_squeeze %dma_start3A_68 : memref<1x2x16xi32, #tpu.memory_space<hbm>> -> memref<2x16xi32, #tpu.memory_space<hbm>>
      tpu.enqueue_dma source(%dma_start3A_69 : memref<2x16xi32, #tpu.memory_space<hbm>>) target(%arg16 : memref<2x16xi32, #tpu.memory_space<vmem>>) target_semaphore(%run_scoped3A_61 : memref<!tpu.dma_semaphore, #tpu.memory_space<semaphore_mem>>)
      %dma_wait3A_70 = arith.constant 0 : i32
      %dma_wait3A_71 = arith.constant 0 : i32
      %dma_wait3A_72 = tpu.memref_slice %arg4[%add3A, %dma_wait3A_70, %dma_wait3A_71] : memref<32x2x16xi32, #tpu.memory_space<hbm>> -> memref<1x2x16xi32, #tpu.memory_space<hbm>>
      %dma_wait3A_73 = tpu.memref_squeeze %dma_wait3A_72 : memref<1x2x16xi32, #tpu.memory_space<hbm>> -> memref<2x16xi32, #tpu.memory_space<hbm>>
      %dma_wait3A_74 = arith.constant 0 : i32
      %dma_wait3A_75 = arith.constant 0 : i32
      %dma_wait3A_76 = tpu.memref_slice %arg4[%add3A, %dma_wait3A_74, %dma_wait3A_75] : memref<32x2x16xi32, #tpu.memory_space<hbm>> -> memref<1x2x16xi32, #tpu.memory_space<hbm>>
      %dma_wait3A_77 = tpu.memref_squeeze %dma_wait3A_76 : memref<1x2x16xi32, #tpu.memory_space<hbm>> -> memref<2x16xi32, #tpu.memory_space<hbm>>
      tpu.wait_dma2 semaphore(%run_scoped3A_61 : memref<!tpu.dma_semaphore, #tpu.memory_space<semaphore_mem>>) src(%dma_wait3A_77 : memref<2x16xi32, #tpu.memory_space<hbm>>) dst(%arg16 : memref<2x16xi32, #tpu.memory_space<vmem>>)
      tpu.yield
    }) : () -> ()
    %dma_start3A_32 = arith.constant 0 : i32
    %dma_start3A_33 = arith.constant 0 : i32
    %dma_start3A_34 = arith.constant 0 : i32
    %dma_start3A_35 = tpu.memref_slice %arg13[%dma_start3A_33, %dma_start3A_34] : memref<104x128xf32, #tpu.memory_space<vmem>> -> memref<16x128xf32, #tpu.memory_space<vmem>>
    %dma_start3A_36 = arith.constant 0 : i32
    %dma_start3A_37 = tpu.memref_slice %arg16[%dma_start3A_32, %dma_start3A_36] : memref<2x16xi32, #tpu.memory_space<vmem>> -> memref<1x16xi32, #tpu.memory_space<vmem>>
    %dma_start3A_38 = tpu.memref_squeeze %dma_start3A_37 : memref<1x16xi32, #tpu.memory_space<vmem>> -> memref<16xi32, #tpu.memory_space<vmem>>
    %dma_start3A_39 = arith.constant 0 : i32
    %dma_start3A_40 = arith.constant 0 : i32
    %dma_start3A_41 = tpu.memref_slice %arg2[%dma_start3A_39, %dma_start3A_40] : memref<10000x128xf32, #tpu.memory_space<hbm>> -> memref<10000x128xf32, #tpu.memory_space<hbm>>
    tpu.enqueue_indirect_dma source(%dma_start3A_41 : memref<10000x128xf32, #tpu.memory_space<hbm>>) target(%dma_start3A_35 : memref<16x128xf32, #tpu.memory_space<vmem>>) offsets(%dma_start3A_38 : memref<16xi32, #tpu.memory_space<vmem>>) semaphore(%arg18 : memref<!tpu.dma_semaphore, #tpu.memory_space<semaphore_mem>>)
    %dma_wait3A = arith.constant 0 : i32
    %dma_wait3A_42 = arith.constant 0 : i32
    %dma_wait3A_43 = arith.constant 0 : i32
    %dma_wait3A_44 = tpu.memref_slice %arg13[%dma_wait3A_42, %dma_wait3A_43] : memref<104x128xf32, #tpu.memory_space<vmem>> -> memref<16x128xf32, #tpu.memory_space<vmem>>
    %dma_wait3A_45 = arith.constant 0 : i32
    %dma_wait3A_46 = tpu.memref_slice %arg16[%dma_wait3A, %dma_wait3A_45] : memref<2x16xi32, #tpu.memory_space<vmem>> -> memref<1x16xi32, #tpu.memory_space<vmem>>
    %dma_wait3A_47 = tpu.memref_squeeze %dma_wait3A_46 : memref<1x16xi32, #tpu.memory_space<vmem>> -> memref<16xi32, #tpu.memory_space<vmem>>
    %dma_wait3A_48 = arith.constant 0 : i32
    %dma_wait3A_49 = arith.constant 0 : i32
    %dma_wait3A_50 = tpu.memref_slice %arg2[%dma_wait3A_48, %dma_wait3A_49] : memref<10000x128xf32, #tpu.memory_space<hbm>> -> memref<10000x128xf32, #tpu.memory_space<hbm>>
    tpu.wait_indirect_dma semaphore(%arg18 : memref<!tpu.dma_semaphore, #tpu.memory_space<semaphore_mem>>) src(%dma_wait3A_50 : memref<10000x128xf32, #tpu.memory_space<hbm>>) dst(%dma_wait3A_44 : memref<16x128xf32, #tpu.memory_space<vmem>>)
    %run_scoped3A_51 = arith.constant 1 : i32
    "tpu.region"() ({
      %run_scoped3A_61 = tpu.sem_alloc : memref<!tpu.dma_semaphore, #tpu.memory_space<semaphore_mem>>
      %dma_start3A_62 = arith.constant 0 : i32
      %dma_start3A_63 = arith.constant 0 : i32
      %dma_start3A_64 = tpu.memref_slice %arg13[%dma_start3A_62, %dma_start3A_63] : memref<104x128xf32, #tpu.memory_space<vmem>> -> memref<16x128xf32, #tpu.memory_space<vmem>>
      %dma_start3A_65 = arith.constant 0 : i32
      %dma_start3A_66 = tpu.memref_slice %arg16[%run_scoped3A_51, %dma_start3A_65] : memref<2x16xi32, #tpu.memory_space<vmem>> -> memref<1x16xi32, #tpu.memory_space<vmem>>
      %dma_start3A_67 = tpu.memref_squeeze %dma_start3A_66 : memref<1x16xi32, #tpu.memory_space<vmem>> -> memref<16xi32, #tpu.memory_space<vmem>>
      %dma_start3A_68 = arith.constant 0 : i32
      %dma_start3A_69 = arith.constant 0 : i32
      %dma_start3A_70 = tpu.memref_slice %arg17[%dma_start3A_68, %dma_start3A_69] : memref<10000x128xf32, #tpu.memory_space<vmem_shared>> -> memref<10000x128xf32, #tpu.memory_space<vmem_shared>>
      tpu.enqueue_indirect_dma source(%dma_start3A_64 : memref<16x128xf32, #tpu.memory_space<vmem>>) target(%dma_start3A_70 : memref<10000x128xf32, #tpu.memory_space<vmem_shared>>) offsets(%dma_start3A_67 : memref<16xi32, #tpu.memory_space<vmem>>) semaphore(%run_scoped3A_61 : memref<!tpu.dma_semaphore, #tpu.memory_space<semaphore_mem>>) {add = true}
      %dma_wait3A_71 = arith.constant 0 : i32
      %dma_wait3A_72 = arith.constant 0 : i32
      %dma_wait3A_73 = tpu.memref_slice %arg13[%dma_wait3A_71, %dma_wait3A_72] : memref<104x128xf32, #tpu.memory_space<vmem>> -> memref<16x128xf32, #tpu.memory_space<vmem>>
      %dma_wait3A_74 = arith.constant 0 : i32
      %dma_wait3A_75 = tpu.memref_slice %arg16[%run_scoped3A_51, %dma_wait3A_74] : memref<2x16xi32, #tpu.memory_space<vmem>> -> memref<1x16xi32, #tpu.memory_space<vmem>>
      %dma_wait3A_76 = tpu.memref_squeeze %dma_wait3A_75 : memref<1x16xi32, #tpu.memory_space<vmem>> -> memref<16xi32, #tpu.memory_space<vmem>>
      %dma_wait3A_77 = arith.constant 0 : i32
      %dma_wait3A_78 = arith.constant 0 : i32
      %dma_wait3A_79 = tpu.memref_slice %arg17[%dma_wait3A_77, %dma_wait3A_78] : memref<10000x128xf32, #tpu.memory_space<vmem_shared>> -> memref<10000x128xf32, #tpu.memory_space<vmem_shared>>
      tpu.wait_indirect_dma semaphore(%run_scoped3A_61 : memref<!tpu.dma_semaphore, #tpu.memory_space<semaphore_mem>>) src(%dma_wait3A_73 : memref<16x128xf32, #tpu.memory_space<vmem>>) dst(%dma_wait3A_79 : memref<10000x128xf32, #tpu.memory_space<vmem_shared>>)
      tpu.yield
    }) : () -> ()
    %barrier3A_52 = arith.constant 0 : index
    tpu.barrier barrier_id(%barrier3A_52)
    %mul3A_53 = arith.constant 624 : i32
    %mul3A_54 = arith.muli %arg1, %mul3A_53 : i32
    %multiple_of3A_55 = tpu.assume_multiple %mul3A_54, 8 : i32
    "tpu.region"() ({
      %run_scoped3A_61 = tpu.sem_alloc : memref<!tpu.dma_semaphore, #tpu.memory_space<semaphore_mem>>
      %dma_start3A_62 = arith.constant 0 : i32
      %dma_start3A_63 = arith.constant 0 : i32
      %dma_start3A_64 = tpu.memref_slice %arg6[%arg0, %dma_start3A_62, %dma_start3A_63] : memref<2x10000x128xf32, #tpu.memory_space<hbm>> -> memref<1x10000x128xf32, #tpu.memory_space<hbm>>
      %dma_start3A_65 = tpu.memref_squeeze %dma_start3A_64 : memref<1x10000x128xf32, #tpu.memory_space<hbm>> -> memref<10000x128xf32, #tpu.memory_space<hbm>>
      %dma_start3A_66 = arith.constant 0 : i32
      %dma_start3A_67 = tpu.memref_slice %dma_start3A_65[%multiple_of3A_55, %dma_start3A_66] : memref<10000x128xf32, #tpu.memory_space<hbm>> -> memref<624x128xf32, #tpu.memory_space<hbm>>
      %dma_start3A_68 = arith.constant 0 : i32
      %dma_start3A_69 = tpu.memref_slice %arg17[%multiple_of3A_55, %dma_start3A_68] : memref<10000x128xf32, #tpu.memory_space<vmem_shared>> -> memref<624x128xf32, #tpu.memory_space<vmem_shared>>
      tpu.enqueue_dma source(%dma_start3A_69 : memref<624x128xf32, #tpu.memory_space<vmem_shared>>) target(%dma_start3A_67 : memref<624x128xf32, #tpu.memory_space<hbm>>) target_semaphore(%run_scoped3A_61 : memref<!tpu.dma_semaphore, #tpu.memory_space<semaphore_mem>>)
      %dma_wait3A_70 = arith.constant 0 : i32
      %dma_wait3A_71 = arith.constant 0 : i32
      %dma_wait3A_72 = tpu.memref_slice %arg6[%arg0, %dma_wait3A_70, %dma_wait3A_71] : memref<2x10000x128xf32, #tpu.memory_space<hbm>> -> memref<1x10000x128xf32, #tpu.memory_space<hbm>>
      %dma_wait3A_73 = tpu.memref_squeeze %dma_wait3A_72 : memref<1x10000x128xf32, #tpu.memory_space<hbm>> -> memref<10000x128xf32, #tpu.memory_space<hbm>>
      %dma_wait3A_74 = arith.constant 0 : i32
      %dma_wait3A_75 = tpu.memref_slice %dma_wait3A_73[%multiple_of3A_55, %dma_wait3A_74] : memref<10000x128xf32, #tpu.memory_space<hbm>> -> memref<624x128xf32, #tpu.memory_space<hbm>>
      %dma_wait3A_76 = arith.constant 0 : i32
      %dma_wait3A_77 = tpu.memref_slice %arg17[%multiple_of3A_55, %dma_wait3A_76] : memref<10000x128xf32, #tpu.memory_space<vmem_shared>> -> memref<624x128xf32, #tpu.memory_space<vmem_shared>>
      tpu.wait_dma2 semaphore(%run_scoped3A_61 : memref<!tpu.dma_semaphore, #tpu.memory_space<semaphore_mem>>) src(%dma_wait3A_77 : memref<624x128xf32, #tpu.memory_space<vmem_shared>>) dst(%dma_wait3A_75 : memref<624x128xf32, #tpu.memory_space<hbm>>)
      tpu.yield
    }) : () -> ()
    %eq3A_56 = arith.constant 0 : i32
    %eq3A_57 = arith.cmpi eq, %arg1, %eq3A_56 : i32
    %convert_element_type3A_58 = arith.extui %eq3A_57 : i1 to i32
    %cond3A_59 = arith.constant 0 : i32
    %cond3A_60 = arith.cmpi ne, %convert_element_type3A_58, %cond3A_59 : i32
    scf.if %cond3A_60 {
      "tpu.region"() ({
        %run_scoped3A_61 = tpu.sem_alloc : memref<!tpu.dma_semaphore, #tpu.memory_space<semaphore_mem>>
        %dma_start3A_62 = arith.constant 0 : i32
        %dma_start3A_63 = arith.constant 0 : i32
        %dma_start3A_64 = tpu.memref_slice %arg6[%arg0, %dma_start3A_62, %dma_start3A_63] : memref<2x10000x128xf32, #tpu.memory_space<hbm>> -> memref<1x10000x128xf32, #tpu.memory_space<hbm>>
        %dma_start3A_65 = tpu.memref_squeeze %dma_start3A_64 : memref<1x10000x128xf32, #tpu.memory_space<hbm>> -> memref<10000x128xf32, #tpu.memory_space<hbm>>
        %dma_start3A_66 = arith.constant 9984 : i32
        %dma_start3A_67 = arith.constant 0 : i32
        %dma_start3A_68 = tpu.memref_slice %dma_start3A_65[%dma_start3A_66, %dma_start3A_67] : memref<10000x128xf32, #tpu.memory_space<hbm>> -> memref<16x128xf32, #tpu.memory_space<hbm>>
        %dma_start3A_69 = arith.constant 9984 : i32
        %dma_start3A_70 = arith.constant 0 : i32
        %dma_start3A_71 = tpu.memref_slice %arg17[%dma_start3A_69, %dma_start3A_70] : memref<10000x128xf32, #tpu.memory_space<vmem_shared>> -> memref<16x128xf32, #tpu.memory_space<vmem_shared>>
        tpu.enqueue_dma source(%dma_start3A_71 : memref<16x128xf32, #tpu.memory_space<vmem_shared>>) target(%dma_start3A_68 : memref<16x128xf32, #tpu.memory_space<hbm>>) target_semaphore(%run_scoped3A_61 : memref<!tpu.dma_semaphore, #tpu.memory_space<semaphore_mem>>)
        %dma_wait3A_72 = arith.constant 0 : i32
        %dma_wait3A_73 = arith.constant 0 : i32
        %dma_wait3A_74 = tpu.memref_slice %arg6[%arg0, %dma_wait3A_72, %dma_wait3A_73] : memref<2x10000x128xf32, #tpu.memory_space<hbm>> -> memref<1x10000x128xf32, #tpu.memory_space<hbm>>
        %dma_wait3A_75 = tpu.memref_squeeze %dma_wait3A_74 : memref<1x10000x128xf32, #tpu.memory_space<hbm>> -> memref<10000x128xf32, #tpu.memory_space<hbm>>
        %dma_wait3A_76 = arith.constant 9984 : i32
        %dma_wait3A_77 = arith.constant 0 : i32
        %dma_wait3A_78 = tpu.memref_slice %dma_wait3A_75[%dma_wait3A_76, %dma_wait3A_77] : memref<10000x128xf32, #tpu.memory_space<hbm>> -> memref<16x128xf32, #tpu.memory_space<hbm>>
        %dma_wait3A_79 = arith.constant 9984 : i32
        %dma_wait3A_80 = arith.constant 0 : i32
        %dma_wait3A_81 = tpu.memref_slice %arg17[%dma_wait3A_79, %dma_wait3A_80] : memref<10000x128xf32, #tpu.memory_space<vmem_shared>> -> memref<16x128xf32, #tpu.memory_space<vmem_shared>>
        tpu.wait_dma2 semaphore(%run_scoped3A_61 : memref<!tpu.dma_semaphore, #tpu.memory_space<semaphore_mem>>) src(%dma_wait3A_81 : memref<16x128xf32, #tpu.memory_space<vmem_shared>>) dst(%dma_wait3A_78 : memref<16x128xf32, #tpu.memory_space<hbm>>)
        tpu.yield
      }) : () -> ()
    } else {
    }
    return
  }
}

module attributes {stable_mosaic.version = 14 : i64} {
  func.func @body(%arg0: i32, %arg1: memref<1000x128xf32, #tpu.memory_space<vmem>>, %arg2: memref<128x128xf32, #tpu.memory_space<vmem>>, %arg3: memref<1x128xf32, #tpu.memory_space<vmem>>, %arg4: memref<128x128xf32, #tpu.memory_space<vmem>>, %arg5: memref<1x128xf32, #tpu.memory_space<vmem>>, %arg6: memref<2x1000x128xf32, #tpu.memory_space<vmem>>, %arg7: memref<1x1xf32, #tpu.memory_space<vmem>>, %arg8: memref<1000x128xf32, #tpu.memory_space<vmem>>, %arg9: memref<1000x128xf32, #tpu.memory_space<vmem>>, %arg10: memref<1000x1xf32, #tpu.memory_space<vmem>>) attributes {dimension_semantics = [#tpu.dimension_semantics<arbitrary>], iteration_bounds = array<i64: 10>, scalar_prefetch = 0 : i64, scratch_operands = 0 : i64, tpu.core_type = #tpu.core_type<tc>, window_params = [{transform_indices = @transform_0, window_bounds = array<i64: 1000, 128>}, {pipeline_mode = #tpu.pipeline_mode<synchronous>, transform_indices = @transform_1, window_bounds = array<i64: 128, 128>}, {pipeline_mode = #tpu.pipeline_mode<synchronous>, transform_indices = @transform_2, window_bounds = array<i64: 1, 128>}, {pipeline_mode = #tpu.pipeline_mode<synchronous>, transform_indices = @transform_3, window_bounds = array<i64: 128, 128>}, {pipeline_mode = #tpu.pipeline_mode<synchronous>, transform_indices = @transform_4, window_bounds = array<i64: 1, 128>}, {transform_indices = @transform_5, window_bounds = array<i64: 2, 1000, 128>}, {pipeline_mode = #tpu.pipeline_mode<synchronous>, transform_indices = @transform_6, window_bounds = array<i64: 1, 1>}, {transform_indices = @transform_7, window_bounds = array<i64: 1000, 128>}, {transform_indices = @transform_8, window_bounds = array<i64: 1000, 128>}, {transform_indices = @transform_9, window_bounds = array<i64: 1000, 1>}]} {
    %get3A = arith.constant 0 : index
    %get3A_0 = arith.constant 0 : index
    %get3A_1 = vector.load %arg1[%get3A, %get3A_0] : memref<1000x128xf32, #tpu.memory_space<vmem>>, vector<1000x128xf32>
    %get3A_2 = arith.constant 0 : index
    %get3A_3 = arith.constant 0 : index
    %get3A_4 = vector.load %arg2[%get3A_2, %get3A_3] : memref<128x128xf32, #tpu.memory_space<vmem>>, vector<128x128xf32>
    %dot_general3A = arith.constant dense<0.000000e+00> : vector<1000x128xf32>
    %dot_general3A_5 = tpu.matmul %get3A_1, %get3A_4, %dot_general3A {dimension_numbers = #tpu.dot_dimension_numbers<[1], [0], [0], [1], [0, 0, 1, 1], [], []>, transpose_lhs_hint = false} : vector<1000x128xf32>, vector<128x128xf32>, vector<1000x128xf32> -> vector<1000x128xf32>
    %get3A_6 = arith.constant 0 : index
    %get3A_7 = arith.constant 0 : index
    %get3A_8 = vector.load %arg3[%get3A_6, %get3A_7] : memref<1x128xf32, #tpu.memory_space<vmem>>, vector<1x128xf32>
    %add3A = vector.broadcast %get3A_8 : vector<1x128xf32> to vector<1000x128xf32>
    %add3A_9 = arith.addf %dot_general3A_5, %add3A : vector<1000x128xf32>
    %max3A = arith.constant 0.000000e+00 : f32
    %max3A_10 = vector.broadcast %max3A : f32 to vector<1000x128xf32>
    %max3A_11 = arith.maximumf %add3A_9, %max3A_10 : vector<1000x128xf32>
    %get3A_12 = arith.constant 0 : index
    %get3A_13 = arith.constant 0 : index
    %get3A_14 = vector.load %arg4[%get3A_12, %get3A_13] : memref<128x128xf32, #tpu.memory_space<vmem>>, vector<128x128xf32>
    %dot_general3A_15 = arith.constant dense<0.000000e+00> : vector<1000x128xf32>
    %dot_general3A_16 = tpu.matmul %max3A_11, %get3A_14, %dot_general3A_15 {dimension_numbers = #tpu.dot_dimension_numbers<[1], [0], [0], [1], [0, 0, 1, 1], [], []>, transpose_lhs_hint = false} : vector<1000x128xf32>, vector<128x128xf32>, vector<1000x128xf32> -> vector<1000x128xf32>
    %get3A_17 = arith.constant 0 : index
    %get3A_18 = arith.constant 0 : index
    %get3A_19 = vector.load %arg5[%get3A_17, %get3A_18] : memref<1x128xf32, #tpu.memory_space<vmem>>, vector<1x128xf32>
    %add3A_20 = vector.broadcast %get3A_19 : vector<1x128xf32> to vector<1000x128xf32>
    %add3A_21 = arith.addf %dot_general3A_16, %add3A_20 : vector<1000x128xf32>
    %get3A_22 = arith.constant 0 : index
    %get3A_23 = arith.constant 0 : index
    %get3A_24 = arith.constant 0 : index
    %get3A_25 = vector.load %arg6[%get3A_22, %get3A_23, %get3A_24] : memref<2x1000x128xf32, #tpu.memory_space<vmem>>, vector<1x1000x1xf32>
    %get3A_26 = vector.shape_cast %get3A_25 : vector<1x1000x1xf32> to vector<1000x1xf32>
    %get3A_27 = arith.constant 1 : index
    %get3A_28 = arith.constant 0 : index
    %get3A_29 = arith.constant 0 : index
    %get3A_30 = vector.load %arg6[%get3A_27, %get3A_28, %get3A_29] : memref<2x1000x128xf32, #tpu.memory_space<vmem>>, vector<1x1000x1xf32>
    %get3A_31 = vector.shape_cast %get3A_30 : vector<1x1000x1xf32> to vector<1000x1xf32>
    %add3A_32 = arith.addf %get3A_26, %get3A_31 : vector<1000x1xf32>
    %gt3A = arith.constant 0.000000e+00 : f32
    %gt3A_33 = vector.broadcast %gt3A : f32 to vector<1000x1xf32>
    %gt3A_34 = arith.cmpf ogt, %add3A_32, %gt3A_33 : vector<1000x1xf32>
    %rsqrt3A = math.rsqrt %add3A_32 : vector<1000x1xf32>
    %jit3A = arith.constant 0.000000e+00 : f32
    %broadcast_in_dim3A = vector.broadcast %jit3A : f32 to vector<1000x1xf32>
    %select_n3A = arith.select %gt3A_34, %rsqrt3A, %broadcast_in_dim3A : vector<1000x1xi1>, vector<1000x1xf32>
    %get3A_35 = arith.constant 0 : index
    %get3A_36 = arith.constant 0 : index
    %get3A_37 = vector.load %arg7[%get3A_35, %get3A_36] : memref<1x1xf32, #tpu.memory_space<vmem>>, vector<1x1xf32>
    %get3A_38 = vector.extract %get3A_37[0, 0] : f32 from vector<1x1xf32>
    %mul3A = vector.broadcast %get3A_38 : f32 to vector<1000x128xf32>
    %mul3A_39 = arith.mulf %mul3A, %add3A_21 : vector<1000x128xf32>
    %swap3A = arith.constant 0 : index
    %swap3A_40 = arith.constant 0 : index
    %swap3A_41 = vector.load %arg8[%swap3A, %swap3A_40] : memref<1000x128xf32, #tpu.memory_space<vmem>>, vector<1000x128xf32>
    tpu.vector_store %arg8[%swap3A, %swap3A_40], %mul3A_39 {strides = array<i32>} : memref<1000x128xf32, #tpu.memory_space<vmem>>, vector<1000x128xf32>,
    %mul3A_42 = vector.broadcast %select_n3A : vector<1000x1xf32> to vector<1000x128xf32>
    %mul3A_43 = arith.mulf %mul3A_42, %add3A_21 : vector<1000x128xf32>
    %swap3A_44 = arith.constant 0 : index
    %swap3A_45 = arith.constant 0 : index
    %swap3A_46 = vector.load %arg9[%swap3A_44, %swap3A_45] : memref<1000x128xf32, #tpu.memory_space<vmem>>, vector<1000x128xf32>
    tpu.vector_store %arg9[%swap3A_44, %swap3A_45], %mul3A_43 {strides = array<i32>} : memref<1000x128xf32, #tpu.memory_space<vmem>>, vector<1000x128xf32>,
    %swap3A_47 = arith.constant 0 : index
    %swap3A_48 = arith.constant 0 : index
    %swap3A_49 = vector.load %arg10[%swap3A_47, %swap3A_48] : memref<1000x1xf32, #tpu.memory_space<vmem>>, vector<1000x1xf32>
    tpu.vector_store %arg10[%swap3A_47, %swap3A_48], %select_n3A {strides = array<i32>} : memref<1000x1xf32, #tpu.memory_space<vmem>>, vector<1000x1xf32>,
    return
  }
  func.func @transform_0(%arg0: i32) -> (i32, i32) {
    %c0_i32 = arith.constant 0 : i32
    %c0_i32_0 = arith.constant 0 : i32
    return %arg0, %c0_i32 : i32, i32
  }
  func.func @transform_1(%arg0: i32) -> (i32, i32) {
    %c0_i32 = arith.constant 0 : i32
    %c0_i32_0 = arith.constant 0 : i32
    %c0_i32_1 = arith.constant 0 : i32
    return %c0_i32, %c0_i32_0 : i32, i32
  }
  func.func @transform_2(%arg0: i32) -> (i32, i32) {
    %c0_i32 = arith.constant 0 : i32
    %c0_i32_0 = arith.constant 0 : i32
    %c0_i32_1 = arith.constant 0 : i32
    return %c0_i32, %c0_i32_0 : i32, i32
  }
  func.func @transform_3(%arg0: i32) -> (i32, i32) {
    %c0_i32 = arith.constant 0 : i32
    %c0_i32_0 = arith.constant 0 : i32
    %c0_i32_1 = arith.constant 0 : i32
    return %c0_i32, %c0_i32_0 : i32, i32
  }
  func.func @transform_4(%arg0: i32) -> (i32, i32) {
    %c0_i32 = arith.constant 0 : i32
    %c0_i32_0 = arith.constant 0 : i32
    %c0_i32_1 = arith.constant 0 : i32
    return %c0_i32, %c0_i32_0 : i32, i32
  }
  func.func @transform_5(%arg0: i32) -> (i32, i32, i32) {
    %c0_i32 = arith.constant 0 : i32
    %c0_i32_0 = arith.constant 0 : i32
    %c0_i32_1 = arith.constant 0 : i32
    return %c0_i32, %arg0, %c0_i32_0 : i32, i32, i32
  }
  func.func @transform_6(%arg0: i32) -> (i32, i32) {
    %c0_i32 = arith.constant 0 : i32
    %c0_i32_0 = arith.constant 0 : i32
    %c0_i32_1 = arith.constant 0 : i32
    return %c0_i32, %c0_i32_0 : i32, i32
  }
  func.func @transform_7(%arg0: i32) -> (i32, i32) {
    %c0_i32 = arith.constant 0 : i32
    %c0_i32_0 = arith.constant 0 : i32
    return %arg0, %c0_i32 : i32, i32
  }
  func.func @transform_8(%arg0: i32) -> (i32, i32) {
    %c0_i32 = arith.constant 0 : i32
    %c0_i32_0 = arith.constant 0 : i32
    return %arg0, %c0_i32 : i32, i32
  }
  func.func @transform_9(%arg0: i32) -> (i32, i32) {
    %c0_i32 = arith.constant 0 : i32
    %c0_i32_0 = arith.constant 0 : i32
    return %arg0, %c0_i32 : i32, i32
  }
}

module attributes {stable_mosaic.version = 14 : i64} {
  func.func @body(%arg0: i32, %arg1: memref<2x1000x128xf32, #tpu.memory_space<vmem>>, %arg2: memref<1000x1xf32, #tpu.memory_space<vmem>>, %arg3: memref<1000x128xf32, #tpu.memory_space<vmem>>, %arg4: memref<1x1xf32, #tpu.memory_space<vmem>>, %arg5: memref<1000x128xf32, #tpu.memory_space<vmem>>, %arg6: memref<1000x128xf32, #tpu.memory_space<vmem>>) attributes {dimension_semantics = [#tpu.dimension_semantics<arbitrary>], iteration_bounds = array<i64: 10>, scalar_prefetch = 0 : i64, scratch_operands = 0 : i64, tpu.core_type = #tpu.core_type<tc>, window_params = [{transform_indices = @transform_0, window_bounds = array<i64: 2, 1000, 128>}, {transform_indices = @transform_1, window_bounds = array<i64: 1000, 1>}, {transform_indices = @transform_2, window_bounds = array<i64: 1000, 128>}, {pipeline_mode = #tpu.pipeline_mode<synchronous>, transform_indices = @transform_3, window_bounds = array<i64: 1, 1>}, {transform_indices = @transform_4, window_bounds = array<i64: 1000, 128>}, {transform_indices = @transform_5, window_bounds = array<i64: 1000, 128>}]} {
    %get3A = arith.constant 0 : index
    %get3A_0 = arith.constant 0 : index
    %get3A_1 = arith.constant 0 : index
    %get3A_2 = vector.load %arg1[%get3A, %get3A_0, %get3A_1] : memref<2x1000x128xf32, #tpu.memory_space<vmem>>, vector<1x1000x128xf32>
    %get3A_3 = vector.shape_cast %get3A_2 : vector<1x1000x128xf32> to vector<1000x128xf32>
    %get3A_4 = arith.constant 1 : index
    %get3A_5 = arith.constant 0 : index
    %get3A_6 = arith.constant 0 : index
    %get3A_7 = vector.load %arg1[%get3A_4, %get3A_5, %get3A_6] : memref<2x1000x128xf32, #tpu.memory_space<vmem>>, vector<1x1000x128xf32>
    %get3A_8 = vector.shape_cast %get3A_7 : vector<1x1000x128xf32> to vector<1000x128xf32>
    %add3A = arith.addf %get3A_3, %get3A_8 : vector<1000x128xf32>
    %get3A_9 = arith.constant 0 : index
    %get3A_10 = arith.constant 0 : index
    %get3A_11 = vector.load %arg2[%get3A_9, %get3A_10] : memref<1000x1xf32, #tpu.memory_space<vmem>>, vector<1000x1xf32>
    %mul3A = vector.broadcast %get3A_11 : vector<1000x1xf32> to vector<1000x128xf32>
    %mul3A_12 = arith.mulf %mul3A, %add3A : vector<1000x128xf32>
    %get3A_13 = arith.constant 0 : index
    %get3A_14 = arith.constant 0 : index
    %get3A_15 = vector.load %arg3[%get3A_13, %get3A_14] : memref<1000x128xf32, #tpu.memory_space<vmem>>, vector<1000x128xf32>
    %get3A_16 = arith.constant 0 : index
    %get3A_17 = arith.constant 0 : index
    %get3A_18 = vector.load %arg4[%get3A_16, %get3A_17] : memref<1x1xf32, #tpu.memory_space<vmem>>, vector<1x1xf32>
    %get3A_19 = vector.extract %get3A_18[0, 0] : f32 from vector<1x1xf32>
    %mul3A_20 = vector.broadcast %get3A_19 : f32 to vector<1000x128xf32>
    %mul3A_21 = arith.mulf %mul3A_20, %mul3A_12 : vector<1000x128xf32>
    %add3A_22 = arith.addf %get3A_15, %mul3A_21 : vector<1000x128xf32>
    %swap3A = arith.constant 0 : index
    %swap3A_23 = arith.constant 0 : index
    %swap3A_24 = vector.load %arg5[%swap3A, %swap3A_23] : memref<1000x128xf32, #tpu.memory_space<vmem>>, vector<1000x128xf32>
    tpu.vector_store %arg5[%swap3A, %swap3A_23], %add3A_22 {strides = array<i32>} : memref<1000x128xf32, #tpu.memory_space<vmem>>, vector<1000x128xf32>,
    %mul3A_25 = vector.broadcast %get3A_11 : vector<1000x1xf32> to vector<1000x128xf32>
    %mul3A_26 = arith.mulf %mul3A_25, %mul3A_12 : vector<1000x128xf32>
    %swap3A_27 = arith.constant 0 : index
    %swap3A_28 = arith.constant 0 : index
    %swap3A_29 = vector.load %arg6[%swap3A_27, %swap3A_28] : memref<1000x128xf32, #tpu.memory_space<vmem>>, vector<1000x128xf32>
    tpu.vector_store %arg6[%swap3A_27, %swap3A_28], %mul3A_26 {strides = array<i32>} : memref<1000x128xf32, #tpu.memory_space<vmem>>, vector<1000x128xf32>,
    return
  }
  func.func @transform_0(%arg0: i32) -> (i32, i32, i32) {
    %c0_i32 = arith.constant 0 : i32
    %c0_i32_0 = arith.constant 0 : i32
    %c0_i32_1 = arith.constant 0 : i32
    return %c0_i32, %arg0, %c0_i32_0 : i32, i32, i32
  }
  func.func @transform_1(%arg0: i32) -> (i32, i32) {
    %c0_i32 = arith.constant 0 : i32
    %c0_i32_0 = arith.constant 0 : i32
    return %arg0, %c0_i32 : i32, i32
  }
  func.func @transform_2(%arg0: i32) -> (i32, i32) {
    %c0_i32 = arith.constant 0 : i32
    %c0_i32_0 = arith.constant 0 : i32
    return %arg0, %c0_i32 : i32, i32
  }
  func.func @transform_3(%arg0: i32) -> (i32, i32) {
    %c0_i32 = arith.constant 0 : i32
    %c0_i32_0 = arith.constant 0 : i32
    %c0_i32_1 = arith.constant 0 : i32
    return %c0_i32, %c0_i32_0 : i32, i32
  }
  func.func @transform_4(%arg0: i32) -> (i32, i32) {
    %c0_i32 = arith.constant 0 : i32
    %c0_i32_0 = arith.constant 0 : i32
    return %arg0, %c0_i32 : i32, i32
  }
  func.func @transform_5(%arg0: i32) -> (i32, i32) {
    %c0_i32 = arith.constant 0 : i32
    %c0_i32_0 = arith.constant 0 : i32
    return %arg0, %c0_i32 : i32, i32
  }
}

</mosaic_0001>

<sc_bundles>
// kernel: closed_call.30.cloned.1.call-start
scs
__scs_entry_jumppad:
0x0: {  	(pc) =	sbr.rel $0x88, $3  }
0x1: {  	(tag) =	ssettag $0x0;
	lr =	simm.s32 $0x1  }
0x2: {  	[smem:$0x3F9A] =	sst lr;
	_ =	strace $0xD0000000  }
0x3: {  	_ = 	snop  }
0x4: {  	_ = 	snop  }
0x5: {  	_ = 	snop  }
0x6: {  	_ = 	snop  }
0x7: {  	_ = 	snop  }
__scs_overlays_trampoline_lowered:
0x8: {  	[smem:$0x3FA9] =	sst s0  }
0x9: {  	[smem:$0x3FAA] =	sst s1  }
0xa: {  	[smem:$0x3FAB] =	sst s2  }
0xb: {  	[smem:$0x3FAC] =	sst s3  }
0xc: {  	[smem:$0x3FAD] =	sst s4  }
0xd: {  	[smem:$0x3FAE] =	sst s5  }
0xe: {  	[smem:$0x3FAF] =	sst s6  }
0xf: {  	[smem:$0x3FB0] =	sst s7  }
0x10: {  	[smem:$0x3FB1] =	sst s8  }
0x11: {  	[smem:$0x3FB2] =	sst s9;
	s0 =	simm.s32 @!p0 $0x0  }
0x12: {  	s1 =	sld [smem:$0x3F98];
	s0 =	simm.s32 @p0 $0x1  }
0x13: {  	[smem:$0x3FB3] =	sst s0;
	s0 =	simm.s32 @!p1 $0x0  }
0x14: {  	s2 =	sld [smem:$0x3F97];
	s0 =	simm.s32 @p1 $0x1  }
0x15: {  	[smem:$0x3FB4] =	sst s0;
	s0 =	simm.s32 @!p2 $0x0  }
0x16: {  	s3 =	sld [smem:$0x3FDB];
	s0 =	simm.s32 @p2 $0x1  }
0x17: {  	s4 =	simm.s32 $0x1BF5;
	[smem:$0x3FB6] =	sst s0  }
0x18: {  	s0 =	sld [smem:$0x3F99];
	_ =	swait.ge [sflag:s4], $0x0  }
0x19: {  	s7 =	sld [smem:$0x3F9A]  }
0x1a: {  	s8 =	sadd.s32 $0xFFFFE003, lr  }
0x1b: {  	s9 =	sadd.s32 $0xFFFFFEF7, lr;
	s5 =	simm.s32 $0xFFFFFFFF;
	p2 =	slt.u32 s8, $0xFFFFF086  }
0x1c: {  	p1 =	slt.u32 s9, $0xF7A;
	s5 =	simm.s32 @!p2 $0x0  }
0x1d: {  	s5 =	simm.s32 @p1 $0x1;
	p0 =	seq.s32 s7, s2  }
0x1e: {  	s7 =	smul.u32 @!p0 $0xF7A, s2;
	p2 =	seq.s32 @!p0 s5, $0x0  }
0x1f: {  	s9 =	smul.u32 $0xF7A, s1;
	s8 =	simm.s32 @!p0 $0x1BF5;
	p2 =	por !p2, p0  }
0x20: {  	[sflag:s8] =	ssyncset.s32 @!p0 $0xFFFFF086;
	s6 =	sadd.s32 @!p0 s3, s7;
	s7 =	simm.s32 @!p0 $0x108  }
0x21: {  	s3 =	sadd.s32 s3, s9;
	s6 =	sadd.s32 @!p0 $0x88, s6;
	s7 =	simm.s32 @p2 $0x1082  }
0x22: {  	[simem:s7], [sflag:s8] =	dma.local @!p0 [hbm:s6], $0xF7A  }
0x23: {  	s9 =	sor.u32 $0xD0000000, s2;
	s6 =	simm.s32 $0x108;
	_ =	swait.ge @!p0 [sflag:s8], $0x0  }
0x24: {  	s3 =	sadd.s32 $0x88, s3;
	s6 =	simm.s32 @!p1 $0x1082;
	[sflag:s4] =	ssyncset.s32 $0xFFFFF086  }
0x25: {  	[simem:s6], [sflag:s4] =	dma.local [hbm:s3], $0xF7A  }
0x26: {  	[smem:$0x3F9A] =	sst s1;
	(tag) =	ssettag s2;
	_ =	strace s9  }
0x27: {  	s1 =	sld [smem:$0x3FAA]  }
0x28: {  	s2 =	sld [smem:$0x3FAB]  }
0x29: {  	s4 =	sld [smem:$0x3FAD]  }
0x2a: {  	p0 =	seq.s32 s5, $0x0;
	s5 =	sld [smem:$0x3FAE]  }
0x2b: {  	s6 =	sld [smem:$0x3FAF]  }
0x2c: {  	s7 =	sld [smem:$0x3FB0]  }
0x2d: {  	s3 =	simm.s32 $0x108;
	s8 =	sld [smem:$0x3FB1]  }
0x2e: {  	s3 =	simm.s32 @!p0 $0x1082;
	s9 =	sld [smem:$0x3FB2]  }
0x2f: {  	lr =	sadd.s32 s0, s3;
	s0 =	sld [smem:$0x3FA9]  }
0x30: {  	s3 =	sld [smem:$0x3FAC]  }
0x31: {  	[smem:$0x3FB5] =	sst s10  }
0x32: {  	s10 =	sld [smem:$0x3FB3];
	_ =	sdelay $0x3  }
0x33: {  	p0 =	seq.s32 s10, $0x1;
	s10 =	sld [smem:$0x3FB5];
	_ =	sdelay $0x3  }
0x34: {  	[smem:$0x3FB5] =	sst s10  }
0x35: {  	s10 =	sld [smem:$0x3FB4];
	_ =	sdelay $0x3  }
0x36: {  	p1 =	seq.s32 s10, $0x1;
	s10 =	sld [smem:$0x3FB5];
	_ =	sdelay $0x3  }
0x37: {  	[smem:$0x3FB5] =	sst s10  }
0x38: {  	s10 =	sld [smem:$0x3FB6]  }
0x39: {  	_ = 	snop;
	(pc) =	sbr.ind lr, $3  }
0x3a: {  	_ = 	snop  }
0x3b: {  	_ = 	snop  }
0x3c: {  	p2 =	seq.s32 s10, $0x1;
	s10 =	sld [smem:$0x3FB5]  }
0x3d: {  	_ =	shalt  }
0x3e: {  	_ =	shalt  }
0x3f: {  	_ =	shalt  }
0x40: {  	_ =	shalt  }
0x41: {  	_ =	shalt  }
0x42: {  	_ =	shalt  }
0x43: {  	_ =	shalt  }
0x44: {  	_ =	shalt  }
0x45: {  	_ =	shalt  }
0x46: {  	_ =	shalt  }
0x47: {  	_ =	shalt  }
0x48: {  	_ =	shalt  }
0x49: {  	_ =	shalt  }
0x4a: {  	_ =	shalt  }
0x4b: {  	_ =	shalt  }
0x4c: {  	_ =	shalt  }
0x4d: {  	_ =	shalt  }
0x4e: {  	_ =	shalt  }
0x4f: {  	_ =	shalt  }
0x50: {  	_ =	shalt  }
0x51: {  	_ =	shalt  }
0x52: {  	_ =	shalt  }
0x53: {  	_ =	shalt  }
0x54: {  	_ =	shalt  }
0x55: {  	_ =	shalt  }
0x56: {  	_ =	shalt  }
0x57: {  	_ =	shalt  }
0x58: {  	_ =	shalt  }
0x59: {  	_ =	shalt  }
0x5a: {  	_ =	shalt  }
0x5b: {  	_ =	shalt  }
0x5c: {  	_ =	shalt  }
0x5d: {  	_ =	shalt  }
0x5e: {  	_ =	shalt  }
0x5f: {  	_ =	shalt  }
0x60: {  	_ =	shalt  }
0x61: {  	_ =	shalt  }
0x62: {  	_ =	shalt  }
0x63: {  	_ =	shalt  }
0x64: {  	_ =	shalt  }
0x65: {  	_ =	shalt  }
0x66: {  	_ =	shalt  }
0x67: {  	_ =	shalt  }
0x68: {  	_ =	shalt  }
0x69: {  	_ =	shalt  }
0x6a: {  	_ =	shalt  }
0x6b: {  	_ =	shalt  }
0x6c: {  	_ =	shalt  }
0x6d: {  	_ =	shalt  }
0x6e: {  	_ =	shalt  }
0x6f: {  	_ =	shalt  }
0x70: {  	_ =	shalt  }
0x71: {  	_ =	shalt  }
0x72: {  	_ =	shalt  }
0x73: {  	_ =	shalt  }
0x74: {  	_ =	shalt  }
0x75: {  	_ =	shalt  }
0x76: {  	_ =	shalt  }
0x77: {  	_ =	shalt  }
0x78: {  	_ =	shalt  }
0x79: {  	_ =	shalt  }
0x7a: {  	_ =	shalt  }
0x7b: {  	_ =	shalt  }
0x7c: {  	_ =	shalt  }
0x7d: {  	_ =	shalt  }
0x7e: {  	_ =	shalt  }
0x7f: {  	_ =	shalt  }
0x80: {  	_ =	shalt  }
0x81: {  	_ =	shalt  }
0x82: {  	_ =	shalt  }
0x83: {  	_ =	shalt  }
0x84: {  	_ =	shalt  }
0x85: {  	_ =	shalt  }
0x86: {  	_ =	shalt  }
0x87: {  	_ =	shalt  }
.Lfunc_end0:
.L_simem_size_0:
called_computation_lowered:
.L_overlay_start_0:
0x88: {  	s2 =	sld [smem:$0x3FD9]  }
0x89: {  	s3 =	sld [smem:$0x3FFE];
	_ =	sdelay $0x1  }
0x8a: {  	s1 =	srdreg.scid  }
0x8b: {  	s0 =	sand.u32 $0x1, s1  }
0x8c: {  	s17 =	sshll.u32 s0, $0xA;
	s2 =	sadd.s32 s3, s2  }
0x8d: {  	s2 =	sadd.s32 s2, s17  }
0x8e: {  	[smem:$0x3FC1] =	sst s2  }
0x8f: {  	_ = 	snop  }
0x90: {  	s2 =	sld [smem:$0x3FD0];
	(tm) =	ssettm $0x1  }
0x91: {  	s18 =	sld [smem:$0x3FFB];
	_ =	sdelay $0x3  }
0x92: {  	_ =	strace s18  }
0x93: {  	s3 =	sld [smem:$0x3FFC];
	_ =	sdelay $0x3  }
0x94: {  	_ =	strace s3  }
0x95: {  	s3 =	sld [smem:$0x3FFD];
	_ =	sdelay $0x3  }
0x96: {  	_ =	strace s3  }
0x97: {  	_ =	strace $0x8FFFFFFF  }
0x98: {  	s19 =	sld [smem:$0x3FDB];
	_ =	sdelay $0x1  }
0x99: {  	s4 =	simm.s32 $_scs_section_size  }
0x9a: {  	s5 =	simm.s32 $_size__tile_overlayer_lowered;
	s6 =	simm.s32 $_tile_overlayer_lowered  }
0x9b: {  	s22 =	simm.s32 $0x1BFF;
	s21 =	sshll.u32 s6, $0x1;
	s3 =	sadd.s32 s4, s19  }
0x9c: {  	s7 =	simm.s32 $0x0;
	s20 =	sshll.u32 s5, $0x1;
	s5 =	sadd.s32 s21, s3  }
0x9d: {  	[timem:s7], [sflag:s22] =	dma.local [hbm:s5], s20  }
0x9e: {  	_ =	swait.ge [sflag:s22], s20  }
0x9f: {  	s4 =	ssub.s32 $0x0, s20;
	[sflag:s22] =	ssyncset.done $0x0  }
0xa0: {  	[sflag:s22] =	ssyncadd.s32 s4;
	_ =	sdelay $0x1  }
0xa1: {  	s23 =	simm.s32 $0x1B8B  }
0xa2: {  	_ =	swait.ge [sflag:s23], $0x1  }
0xa3: {  	[sflag:s23] =	ssyncset.done $0x0  }
0xa4: {  	s25 =	simm.s32 $0x1B8E;
	s24 =	sld [smem:$0x3FFE];
	[sflag:s23] =	ssyncadd.s32 $0xFFFFFFFF  }
0xa5: {  	s26 =	simm.s32 $execute0_lowered;
	[smem:$0x3FD2] =	sst s25  }
0xa6: {  	s5 =	sshll.u32 s26, $0x1;
	_ =	strace $0x80000049;
	[dreg:$0x1] =	wrdreg $0xFFFFFFFF  }
0xa7: {  	s28 =	simm.s32 $_size_execute0_lowered;
	s3 =	sadd.s32 s3, s5;
	[dreg:$0x0] =	wrdreg $0x0  }
0xa8: {  	s5 =	sshll.u32 s28, $0x1;
	[dreg:$0x2] =	wrdreg s3  }
0xa9: {  	[dreg:$0x3] =	wrdreg s5  }
0xaa: {  	[dreg:$0x4] =	wrdreg $0xC0  }
0xab: {  	_ =	task [dreg:s7], $0x5FFFF  }
0xac: {  	[dreg:$0x1] =	wrdreg $0xFFFFFFFF  }
0xad: {  	[dreg:$0x0] =	wrdreg $0x60  }
0xae: {  	[dreg:$0x2] =	wrdreg s2  }
0xaf: {  	[dreg:$0x3] =	wrdreg s24  }
0xb0: {  	[dreg:$0x4] =	wrdreg $0xA3000  }
0xb1: {  	[dreg:$0x5] =	wrdreg $0x9  }
0xb2: {  	_ =	task.clear_ibuf [dreg:s7], $0x6FFFF;
	_ =	strace $0x90000049  }
0xb3: {  	s29 =	simm.s32 $0x9;
	_ =	strace $0x8000004B  }
0xb4: {  	_ =	swait.ge [sflag:s29], $0x1  }
0xb5: {  	[sflag:s29] =	ssyncadd.s32 $0xFFFFFFFF  }
0xb6: {  	_ =	strace $0x9000004B  }
0xb7: {  	_ =	sfence  }
0xb8: {  	s30 =	sld [smem:$0x0];
	_ =	sdelay $0x2  }
0xb9: {  	s31 =	sshll.u32 s1, $0xD;
	s1 =	sshrl.u32 s1, $0x2  }
0xba: {  	s3 =	sand.u32 $0x4000, s31;
	s1 =	sadd.s32 s1, s30  }
0xbb: {  	s0 =	sor.u32 s3, s0;
	s1 =	sshll.u32 s1, $0x11  }
0xbc: {  	s0 =	sor.u32 s1, s0  }
0xbd: {  	s0 =	sadd.s32 $0x8F2B, s0  }
0xbe: {  	[sflag:s0] =	ssyncadd.remote.s32 $0x1  }
0xbf: {  	_ =	sfence.sel $0xFFFF  }
0xc0: {  	[dreg:$0x0] =	wrdreg $0xFFFFFFFF;
	(pc) =	sbr.abs _section_cstart, $3  }
0xc1: {  	[dreg:$0x1] =	wrdreg $0xFFFFFFFF  }
0xc2: {  	_ =	task.clear_ibuf [dreg:s7], $0x2FFFF;
	_ =	strace $0x9FFFFFFF  }
0xc3: {  	(tm) =	ssettm $0x7FFFFFFF  }
tec
execute0_lowered:
.L_overlay_start_1:
0x0: {  	(tag) =	ssettag $0x1  }
0x1: {  	s1 =	rddreg [dreg:$0x0]  }
0x2: {  	s0 =	rddreg [dreg:$0x1]  }
0x3: {  	s2 =	rddreg [dreg:$0x2];
	s3 =	srdreg.scid  }
0x4: {  	s5 =	stileid.u32;
	s29 =	simm.s32 $0x6E00;
	s30 =	simm.s32 $0x300  }
0x5: {  	s31 =	simm.s32 $0x400;
	s4 =	sand.u32 $0x1, s3;
	s11 =	smul.u32 $0x2700, s5  }
0x6: {  	s3 =	simm.s32 $0x0;
	s9 =	sadd.s32 $0x2200, s0;
	s10 =	smul.u32 $0x4E000, s5  }
0x7: {  	s22 =	sshll.u32 s5, $0x6;
	s24 =	smul.u32 $0x6000, s5;
	s14 =	sadd.s32 $0x138000, s2  }
0x8: {  	p0 =	sne.s32 s5, $0x0;
	s6 =	sshll.u32 s4, $0x4;
	s8 =	smul.u32 $0x27100, s4  }
0x9: {  	[smem:$0x7FF] =	sst s3;
	s12 =	ssub.s32 $0x2, s4;
	s4 =	smul.u32 $0x60000, s4  }
0xa: {  	s25 =	sor.u32 $0x1C0A, s22;
	s6 =	sor.u32 s5, s6;
	_ =	strace $0x8000004A  }
0xb: {  	[dreg:$0x4] =	wrdreg s11;
	s11 =	sadd.s32 s11, s0;
	s13 =	sshrl.u32 s12, $0x1  }
0xc: {  	s10 =	sshrl.u32 s10, $0x2;
	[dreg:$0x8] =	wrdreg s14;
	s5 =	simm.s32 $0x0  }
0xd: {  	[dreg:$0x6] =	wrdreg s25;
	s7 =	sshll.u32 s6, $0x5;
	s8 =	sadd.s32 s8, s0  }
0xe: {  	s6 =	smul.u32 $0x6000, s6;
	s12 =	ssub.s32 s12, s13;
	s10 =	sadd.s32 s10, s2  }
0xf: {  	s11 =	sadd.s32 $0x1A200, s11;
	s14 =	sadd.s32 s24, s4;
	s7 =	sadd.s32 s7, s0  }
0x10: {  	[dreg:$0x5] =	wrdreg s11;
	s0 =	sadd.s32 $0x41200, s0;
	s17 =	sadd.s32 $0x41400, s8  }
0x11: {  	s18 =	smax.u32 s12, $0x1;
	s19 =	sor.u32 $0x700, s14;
	s20 =	sor.u32 $0x800, s14  }
0x12: {  	s24 =	sor.u32 $0x400, s14;
	s28 =	sshrl.u32 s10, $0x3;
	s8 =	simm.s32 $0x2  }
0x13: {  	s10 =	simm.s32 $0x3;
	s12 =	simm.s32 $0x4;
	[dreg:$0x9] =	wrdreg s0  }
0x14: {  	s6 =	sshrl.u32 s6, $0x3;
	s13 =	sadd.s32 $0x1E00, s7;
	[dreg:$0xd] =	wrdreg s17  }
0x15: {  	[dreg:$0xe] =	wrdreg s18;
	s4 =	sshrl.u32 s19, $0x3;
	s22 =	sshrl.u32 s20, $0x3  }
0x16: {  	s0 =	sor.u32 $0x300, s14;
	s7 =	simm.s32 $0x5;
	[dreg:$0xf] =	wrdreg s28  }
0x17: {  	s23 =	sadd.s32 s9, s6;
	[dreg:$0xc] =	wrdreg s13;
	s6 =	sor.u32 $0x600, s14  }
0x18: {  	s15 =	sadd.s32 s4, s9;
	s17 =	sadd.s32 s22, s9;
	s0 =	sshrl.u32 s0, $0x3  }
0x19: {  	s22 =	simm.s32 $0xA;
	s13 =	simm.s32 $0x8;
	s26 =	sadd.s32 $0x20, s23  }
0x1a: {  	[dreg:$0x7] =	wrdreg s23;
	s11 =	sadd.s32 $0x40, s23;
	s21 =	sshrl.u32 s6, $0x3  }
0x1b: {  	s23 =	sor.u32 $0x500, s14;
	s20 =	sadd.s32 s0, s9;
	s0 =	simm.s32 $0x500  }
.Ltmp0:
0x1c: {  	s14 =	simm.s32 $0x7;
	[dreg:$0xa] =	wrdreg s26;
	(pc) =	sbr.rel .LBB2_1-.Ltmp0, $4  }
0x1d: {  	s6 =	simm.s32 $0x9;
	[dreg:$0xb] =	wrdreg s11;
	s16 =	sadd.s32 s21, s9  }
0x1e: {  	s4 =	sshrl.u32 s23, $0x3;
	s26 =	sshrl.u32 s24, $0x3;
	s23 =	simm.s32 $0x68  }
0x1f: {  	s24 =	simm.s32 $0x600;
	s21 =	simm.s32 $0x6;
	s18 =	sadd.s32 s4, s9  }
0x20: {  	s19 =	sadd.s32 s26, s9;
	s26 =	simm.s32 $0x3A00;
	s4 =	simm.s32 $0x1  }
.LBB2_4:
0x21: {  	_ =	swait.ge [sflag:s7], $0x3400  }
0x22: {  	[sflag:s7] =	ssyncset.done $0x0  }
0x23: {  	[sflag:s7] =	ssyncadd.s32 $0xFFFFCC00  }
0x24: {  	_ =	swait.ge [sflag:s21], $0x3400  }
0x25: {  	s5 =	simm.s32 $0xA200;
	[sflag:s21] =	ssyncset.done $0x0  }
0x26: {  	s11 =	simm.s32 $0xA;
	s9 =	rddreg [dreg:$0xc];
	[sflag:s21] =	ssyncadd.s32 $0xFFFFCC00  }
0x27: {  	[tilespmem:s5], [sflag:$0xA] =	stream.linear.gather [hbm4b:s9+s3], $0x100, $0x38;
	[tilespmem:$0x1DB80] =	vst v63  }
0x28: {  	_ =	swait.ge [sflag:s11], $0x100  }
0x29: {  	[sflag:s11] =	ssyncset.done $0x0  }
0x2a: {  	s22 =	simm.s32 $0x10;
	[sflag:s11] =	ssyncadd.s32 $0xFFFFFF00  }
0x2b: {  	[tilespmem:s24], [sflag:$0x1] =	stream.indirect.gather [hbm4b:s1+s22], $0x80, s5, s22, $0xb8;
	[tilespmem:$0x1DB80] =	vst v63  }
0x2c: {  	_ =	swait.ge [sflag:s4], $0x800  }
0x2d: {  	[sflag:s4] =	ssyncset.done $0x0  }
0x2e: {  	s25 =	simm.s32 $0xA280;
	[sflag:s4] =	ssyncadd.s32 $0xFFFFF800  }
0x2f: {  	[spmem:s2] =	stream.indirect.scatter.add.f32 [tilespmem:s24], [sflag:$0xA], $0x80, s25, s22, $0xb8;
	[tilespmem:$0x1DB80] =	vst v63  }
0x30: {  	_ =	swait.ge [sflag:s11], $0x800  }
0x31: {  	[sflag:s11] =	ssyncset.done $0x0  }
0x32: {  	[sflag:s11] =	ssyncadd.s32 $0xFFFFF800  }
0x33: {  	[bflag:$0x0] =	sbarrier.arrive $0xFFFF  }
0x34: {  	s5 =	rddreg [dreg:$0x4]  }
0x35: {  	s22 =	rddreg [dreg:$0xd]  }
0x36: {  	s25 =	rddreg [dreg:$0x6]  }
0x37: {  	s28 =	rddreg [dreg:$0xf];
	s9 =	sadd.s32 s5, s22  }
0x38: {  	[hbm:s9], [sflag:s25] =	dma.local [spmem:s28], $0x2700  }
0x39: {  	_ =	swait.ge [sflag:s11], $0x2700  }
0x3a: {  	[sflag:s11] =	ssyncset.done $0x0  }
0x3b: {  	s9 =	sadd.s32 @!p0 $0x27000, s22;
	s5 =	rddreg [dreg:$0x11];
	[sflag:s11] =	ssyncadd.s32 $0xFFFFD900  }
0x3c: {  	[hbm:s9], [sflag:s25] =	dma.local @!p0 [spmem:s5], $0x100  }
0x3d: {  	s9 =	simm.s32 @!p0 $0xA  }
0x3e: {  	_ =	swait.ge @!p0 [sflag:s9], $0x100  }
0x3f: {  	s22 =	rddreg [dreg:$0x10]  }
0x40: {  	s11 =	rddreg [dreg:$0xe];
	s5 =	sadd.s32 $0x1, s22  }
0x41: {  	p1 =	sne.s32 s5, s11  }
.Ltmp1:
0x42: {  	_ = 	snop;
	(pc) =	sbr.rel @!p1 .LBB2_5-.Ltmp1, $3  }
0x43: {  	_ =	sdelay $0x1  }
0x44: {  	[sflag:s9] =	ssyncset.done @!p0 $0x0  }
0x45: {  	s22 =	simm.s32 $0xA;
	[sflag:s9] =	ssyncadd.s32 @!p0 $0xFFFFFF00  }
.LBB2_1:
0x46: {  	[dreg:$0x10] =	wrdreg s5  }
0x47: {  	s9 =	rddreg [dreg:$0x5]  }
0x48: {  	[spmem:s28], [sflag:s25] =	dma.local [hbm:s9], $0x2700  }
0x49: {  	_ =	swait.ge [sflag:s22], $0x2700  }
0x4a: {  	s9 =	rddreg [dreg:$0x8]  }
0x4b: {  	[sflag:s22] =	ssyncset.done $0x0;
	s5 =	sshrl.u32 @!p0 s9, $0x3;
	s9 =	rddreg [dreg:$0x9]  }
0x4c: {  	s28 =	simm.s32 @!p0 $0xA;
	[sflag:s22] =	ssyncadd.s32 $0xFFFFD900;
	[dreg:$0x11] =	wrdreg s5  }
0x4d: {  	[spmem:s5], [sflag:s25] =	dma.local @!p0 [hbm:s9], $0x100  }
0x4e: {  	_ =	swait.ge @!p0 [sflag:s28], $0x100  }
0x4f: {  	[sflag:s28] =	ssyncset.done @!p0 $0x0  }
0x50: {  	[sflag:s28] =	ssyncadd.s32 @!p0 $0xFFFFFF00  }
0x51: {  	[bflag:$0x0] =	sbarrier.arrive $0xFFFF  }
0x52: {  	s11 =	rddreg [dreg:$0x7]  }
0x53: {  	[tilespmem:s3], [sflag:$0xA] =	stream.linear.gather [hbm4b:s11+s3], $0x100, $0x38;
	[tilespmem:$0x1DB80] =	vst v63  }
0x54: {  	_ =	swait.ge [sflag:s22], $0x100  }
0x55: {  	[sflag:s22] =	ssyncset.done $0x0  }
0x56: {  	[sflag:s22] =	ssyncadd.s32 $0xFFFFFF00  }
0x57: {  	[tilespmem:s24], [sflag:$0x1] =	stream.indirect.gather [hbm4b:s1+s23], $0x80, s3, s23, $0xb8;
	[tilespmem:$0x1DB80] =	vst v63  }
0x58: {  	s11 =	simm.s32 $0x100;
	s25 =	rddreg [dreg:$0xa]  }
0x59: {  	[tilespmem:s11], [sflag:$0xA] =	stream.linear.gather [hbm4b:s25+s3], $0x100, $0x38;
	[tilespmem:$0x1DB80] =	vst v63  }
0x5a: {  	_ =	swait.ge [sflag:s22], $0x100  }
0x5b: {  	[sflag:s22] =	ssyncset.done $0x0  }
0x5c: {  	[sflag:s22] =	ssyncadd.s32 $0xFFFFFF00  }
0x5d: {  	[tilespmem:s26], [sflag:$0x2] =	stream.indirect.gather [hbm4b:s1+s23], $0x80, s11, s23, $0xb8;
	[tilespmem:$0x1DB80] =	vst v63  }
0x5e: {  	s5 =	rddreg [dreg:$0xb];
	s11 =	simm.s32 $0x200  }
0x5f: {  	[tilespmem:s11], [sflag:$0xA] =	stream.linear.gather [hbm4b:s5+s3], $0x100, $0x38;
	[tilespmem:$0x1DB80] =	vst v63  }
0x60: {  	_ =	swait.ge [sflag:s22], $0x100  }
0x61: {  	s28 =	simm.s32 $0x0;
	[sflag:s22] =	ssyncset.done $0x0  }
0x62: {  	s25 =	simm.s32 $0x100;
	s5 =	simm.s32 $0x200;
	[sflag:s22] =	ssyncadd.s32 $0xFFFFFF00  }
0x63: {  	[tilespmem:s29], [sflag:$0x3] =	stream.indirect.gather [hbm4b:s1+s23], $0x80, s11, s23, $0xb8;
	[tilespmem:$0x1DB80] =	vst v63  }
.LBB2_2:
0x64: {  	s9 =	sadd.s32 s28, s20  }
0x65: {  	[tilespmem:s30], [sflag:$0x7] =	stream.linear.gather [hbm4b:s9+s3], $0x100, $0x38;
	[tilespmem:$0x1DB80] =	vst v63  }
0x66: {  	s11 =	sadd.s32 s28, s19  }
0x67: {  	[tilespmem:s31], [sflag:$0x8] =	stream.linear.gather [hbm4b:s11+s3], $0x100, $0x38;
	[tilespmem:$0x1DB80] =	vst v63  }
0x68: {  	s22 =	sadd.s32 s28, s18  }
0x69: {  	[tilespmem:s0], [sflag:$0x9] =	stream.linear.gather [hbm4b:s22+s3], $0x100, $0x38;
	[tilespmem:$0x1DB80] =	vst v63  }
0x6a: {  	_ =	swait.ge [sflag:s4], $0x3400  }
0x6b: {  	[sflag:s4] =	ssyncset.done $0x0  }
0x6c: {  	s11 =	simm.s32 $0x80;
	[sflag:s4] =	ssyncadd.s32 $0xFFFFCC00  }
0x6d: {  	[spmem:s2] =	stream.indirect.scatter.add.f32 [tilespmem:s24], [sflag:$0x4], $0x80, s11, s23, $0xb8;
	[tilespmem:$0x1DB80] =	vst v63  }
0x6e: {  	_ =	swait.ge [sflag:s8], $0x3400  }
0x6f: {  	[sflag:s8] =	ssyncset.done $0x0  }
0x70: {  	s22 =	simm.s32 $0x180;
	[sflag:s8] =	ssyncadd.s32 $0xFFFFCC00  }
0x71: {  	[spmem:s2] =	stream.indirect.scatter.add.f32 [tilespmem:s26], [sflag:$0x5], $0x80, s22, s23, $0xb8;
	[tilespmem:$0x1DB80] =	vst v63  }
0x72: {  	_ =	swait.ge [sflag:s10], $0x3400  }
0x73: {  	[sflag:s10] =	ssyncset.done $0x0  }
0x74: {  	s11 =	simm.s32 $0x280;
	[sflag:s10] =	ssyncadd.s32 $0xFFFFCC00  }
0x75: {  	[spmem:s2] =	stream.indirect.scatter.add.f32 [tilespmem:s29], [sflag:$0x6], $0x80, s11, s23, $0xb8;
	[tilespmem:$0x1DB80] =	vst v63  }
0x76: {  	_ =	swait.ge [sflag:s12], $0x3400  }
0x77: {  	[sflag:s12] =	ssyncset.done $0x0  }
0x78: {  	[sflag:s12] =	ssyncadd.s32 $0xFFFFCC00  }
0x79: {  	_ =	swait.ge [sflag:s14], $0x100  }
0x7a: {  	[sflag:s14] =	ssyncset.done $0x0  }
0x7b: {  	[sflag:s14] =	ssyncadd.s32 $0xFFFFFF00  }
0x7c: {  	[tilespmem:s24], [sflag:$0x1] =	stream.indirect.gather [hbm4b:s1+s23], $0x80, s30, s23, $0xb8;
	[tilespmem:$0x1DB80] =	vst v63  }
0x7d: {  	_ =	swait.ge [sflag:s7], $0x3400  }
0x7e: {  	[sflag:s7] =	ssyncset.done $0x0  }
0x7f: {  	[sflag:s7] =	ssyncadd.s32 $0xFFFFCC00  }
0x80: {  	_ =	swait.ge [sflag:s13], $0x100  }
0x81: {  	[sflag:s13] =	ssyncset.done $0x0  }
0x82: {  	[sflag:s13] =	ssyncadd.s32 $0xFFFFFF00  }
0x83: {  	[tilespmem:s26], [sflag:$0x2] =	stream.indirect.gather [hbm4b:s1+s23], $0x80, s31, s23, $0xb8;
	[tilespmem:$0x1DB80] =	vst v63  }
0x84: {  	_ =	swait.ge [sflag:s21], $0x3400  }
0x85: {  	[sflag:s21] =	ssyncset.done $0x0  }
0x86: {  	[sflag:s21] =	ssyncadd.s32 $0xFFFFCC00  }
0x87: {  	_ =	swait.ge [sflag:s6], $0x100  }
0x88: {  	[sflag:s6] =	ssyncset.done $0x0  }
0x89: {  	p1 =	seq.s32 s28, $0xB40;
	[sflag:s6] =	ssyncadd.s32 $0xFFFFFF00  }
0x8a: {  	[tilespmem:s29], [sflag:$0x3] =	stream.indirect.gather [hbm4b:s1+s23], $0x80, s0, s23, $0xb8;
	[tilespmem:$0x1DB80] =	vst v63  }
0x8b: {  	s9 =	sadd.s32 @!p1 s28, s16;
	s11 =	simm.s32 @!p1 $0x0  }
0x8c: {  	[tilespmem:s11], [sflag:$0x7] =	stream.linear.gather @!p1 [hbm4b:s9+s11], $0x100, $0x38;
	[tilespmem:$0x1DB80] =	vst v63  }
0x8d: {  	s22 =	simm.s32 @!p1 $0x100;
	s9 =	sadd.s32 @!p1 s28, s15  }
0x8e: {  	[tilespmem:s22], [sflag:$0x8] =	stream.linear.gather @!p1 [hbm4b:s9+s11], $0x100, $0x38;
	[tilespmem:$0x1DB80] =	vst v63  }
0x8f: {  	s9 =	sadd.s32 @!p1 s28, s17;
	s22 =	simm.s32 @!p1 $0x200  }
0x90: {  	[tilespmem:s22], [sflag:$0x9] =	stream.linear.gather @!p1 [hbm4b:s9+s11], $0x100, $0x38;
	[tilespmem:$0x1DB80] =	vst v63  }
0x91: {  	_ =	swait.ge [sflag:s4], $0x3400  }
0x92: {  	[sflag:s4] =	ssyncset.done $0x0  }
0x93: {  	s22 =	simm.s32 $0x380;
	[sflag:s4] =	ssyncadd.s32 $0xFFFFCC00  }
0x94: {  	[spmem:s2] =	stream.indirect.scatter.add.f32 [tilespmem:s24], [sflag:$0x4], $0x80, s22, s23, $0xb8;
	[tilespmem:$0x1DB80] =	vst v63  }
0x95: {  	_ =	swait.ge [sflag:s8], $0x3400  }
0x96: {  	[sflag:s8] =	ssyncset.done $0x0  }
0x97: {  	s11 =	simm.s32 $0x480;
	[sflag:s8] =	ssyncadd.s32 $0xFFFFCC00  }
0x98: {  	[spmem:s2] =	stream.indirect.scatter.add.f32 [tilespmem:s26], [sflag:$0x5], $0x80, s11, s23, $0xb8;
	[tilespmem:$0x1DB80] =	vst v63  }
0x99: {  	_ =	swait.ge [sflag:s10], $0x3400  }
0x9a: {  	[sflag:s10] =	ssyncset.done $0x0  }
.Ltmp2:
0x9b: {  	s22 =	simm.s32 $0x580;
	[sflag:s10] =	ssyncadd.s32 $0xFFFFCC00;
	(pc) =	sbr.rel @p1 .LBB2_4-.Ltmp2, $4  }
0x9c: {  	[spmem:s2] =	stream.indirect.scatter.add.f32 [tilespmem:s29], [sflag:$0x6], $0x80, s22, s23, $0xb8;
	[tilespmem:$0x1DB80] =	vst v63  }
0x9d: {  	_ =	swait.ge [sflag:s12], $0x3400  }
0x9e: {  	[sflag:s12] =	ssyncset.done $0x0  }
0x9f: {  	[sflag:s12] =	ssyncadd.s32 $0xFFFFCC00  }
0xa0: {  	_ =	swait.ge [sflag:s14], $0x100  }
0xa1: {  	[sflag:s14] =	ssyncset.done $0x0  }
0xa2: {  	[sflag:s14] =	ssyncadd.s32 $0xFFFFFF00  }
0xa3: {  	[tilespmem:s24], [sflag:$0x1] =	stream.indirect.gather [hbm4b:s1+s23], $0x80, s3, s23, $0xb8;
	[tilespmem:$0x1DB80] =	vst v63  }
0xa4: {  	_ =	swait.ge [sflag:s7], $0x3400  }
0xa5: {  	[sflag:s7] =	ssyncset.done $0x0  }
0xa6: {  	[sflag:s7] =	ssyncadd.s32 $0xFFFFCC00  }
0xa7: {  	_ =	swait.ge [sflag:s13], $0x100  }
0xa8: {  	[sflag:s13] =	ssyncset.done $0x0  }
0xa9: {  	[sflag:s13] =	ssyncadd.s32 $0xFFFFFF00  }
0xaa: {  	[tilespmem:s26], [sflag:$0x2] =	stream.indirect.gather [hbm4b:s1+s23], $0x80, s25, s23, $0xb8;
	[tilespmem:$0x1DB80] =	vst v63  }
0xab: {  	_ =	swait.ge [sflag:s21], $0x3400  }
0xac: {  	[sflag:s21] =	ssyncset.done $0x0  }
.Ltmp3:
0xad: {  	[sflag:s21] =	ssyncadd.s32 $0xFFFFCC00;
	(pc) =	sbr.rel .LBB2_2-.Ltmp3, $4  }
0xae: {  	_ =	swait.ge [sflag:s6], $0x100  }
0xaf: {  	[sflag:s6] =	ssyncset.done $0x0  }
0xb0: {  	s28 =	sadd.s32 $0xC0, s28;
	[sflag:s6] =	ssyncadd.s32 $0xFFFFFF00  }
0xb1: {  	[tilespmem:s29], [sflag:$0x3] =	stream.indirect.gather [hbm4b:s1+s23], $0x80, s5, s23, $0xb8;
	[tilespmem:$0x1DB80] =	vst v63  }
.LBB2_5:
0xb2: {  	_ =	sfence.sel $0x180000  }
0xb3: {  	[bflag:$0x0] =	sbarrier.arrive $0xFFFF  }
0xb4: {  	_ =	strace $0x9000004A  }
0xb5: {  	[bflag:$0x2] =	sbarrier.arrive $0xFFFF  }
0xb6: {  	s0 =	rddreg [dreg:$0x3]  }
0xb7: {  	s0 =	sadd.s32 @!p0 $0x100000, s0  }
0xb8: {  	[sflag:s0] =	ssyncadd.tile.s32 @!p0 $0x1;
	_ =	shalt  }
.Lfunc_end2:
_tile_overlayer_lowered:
.L_overlay_start_2:
0xb9: {  	(tag) =	ssettag $0x2  }
0xba: {  	s0 =	rddreg [dreg:$0x0];
	s2 =	stileid.u32  }
0xbb: {  	s1 =	rddreg [dreg:$0x1];
	p0 =	sne.s32 s2, $0x0  }
0xbc: {  	s3 =	rddreg [dreg:$0x2];
	[bflag:$0x3] =	sbarrier.arrive $0xFFFF;
	s2 =	simm.s32 @!p0 $0x1C0A  }
0xbd: {  	[timem:s3], [sflag:s2] =	dma.local @!p0 [hbm:s0], s1  }
0xbe: {  	s0 =	simm.s32 @!p0 $0xA  }
0xbf: {  	_ =	swait.ge @!p0 [sflag:s0], s1  }
0xc0: {  	s1 =	ssub.s32 @!p0 $0x0, s1;
	[sflag:s0] =	ssyncset.done @!p0 $0x0  }
0xc1: {  	[sflag:s0] =	ssyncadd.s32 @!p0 s1  }
0xc2: {  	[bflag:$0x3] =	sbarrier.arrive $0xFFFF  }
0xc3: {  	_ =	shalt  }

// kernel: kernel.4.cloned.1.call-start
scs
__scs_entry_jumppad:
0x0: {  	(pc) =	sbr.rel $0x88, $3  }
0x1: {  	(tag) =	ssettag $0x0;
	lr =	simm.s32 $0x1  }
0x2: {  	[smem:$0x3F9A] =	sst lr;
	_ =	strace $0xD0000000  }
0x3: {  	_ = 	snop  }
0x4: {  	_ = 	snop  }
0x5: {  	_ = 	snop  }
0x6: {  	_ = 	snop  }
0x7: {  	_ = 	snop  }
__scs_overlays_trampoline_lowered:
0x8: {  	[smem:$0x3FA9] =	sst s0  }
0x9: {  	[smem:$0x3FAA] =	sst s1  }
0xa: {  	[smem:$0x3FAB] =	sst s2  }
0xb: {  	[smem:$0x3FAC] =	sst s3  }
0xc: {  	[smem:$0x3FAD] =	sst s4  }
0xd: {  	[smem:$0x3FAE] =	sst s5  }
0xe: {  	[smem:$0x3FAF] =	sst s6  }
0xf: {  	[smem:$0x3FB0] =	sst s7  }
0x10: {  	[smem:$0x3FB1] =	sst s8  }
0x11: {  	[smem:$0x3FB2] =	sst s9;
	s0 =	simm.s32 @!p0 $0x0  }
0x12: {  	s1 =	sld [smem:$0x3F98];
	s0 =	simm.s32 @p0 $0x1  }
0x13: {  	[smem:$0x3FB3] =	sst s0;
	s0 =	simm.s32 @!p1 $0x0  }
0x14: {  	s2 =	sld [smem:$0x3F97];
	s0 =	simm.s32 @p1 $0x1  }
0x15: {  	[smem:$0x3FB4] =	sst s0;
	s0 =	simm.s32 @!p2 $0x0  }
0x16: {  	s3 =	sld [smem:$0x3FDB];
	s0 =	simm.s32 @p2 $0x1  }
0x17: {  	s4 =	simm.s32 $0x1BF5;
	[smem:$0x3FB6] =	sst s0  }
0x18: {  	s0 =	sld [smem:$0x3F99];
	_ =	swait.ge [sflag:s4], $0x0  }
0x19: {  	s7 =	sld [smem:$0x3F9A]  }
0x1a: {  	s8 =	sadd.s32 $0xFFFFE003, lr  }
0x1b: {  	s9 =	sadd.s32 $0xFFFFFEF7, lr;
	s5 =	simm.s32 $0xFFFFFFFF;
	p2 =	slt.u32 s8, $0xFFFFF086  }
0x1c: {  	p1 =	slt.u32 s9, $0xF7A;
	s5 =	simm.s32 @!p2 $0x0  }
0x1d: {  	s5 =	simm.s32 @p1 $0x1;
	p0 =	seq.s32 s7, s2  }
0x1e: {  	s7 =	smul.u32 @!p0 $0xF7A, s2;
	p2 =	seq.s32 @!p0 s5, $0x0  }
0x1f: {  	s9 =	smul.u32 $0xF7A, s1;
	s8 =	simm.s32 @!p0 $0x1BF5;
	p2 =	por !p2, p0  }
0x20: {  	[sflag:s8] =	ssyncset.s32 @!p0 $0xFFFFF086;
	s6 =	sadd.s32 @!p0 s3, s7;
	s7 =	simm.s32 @!p0 $0x108  }
0x21: {  	s3 =	sadd.s32 s3, s9;
	s6 =	sadd.s32 @!p0 $0x88, s6;
	s7 =	simm.s32 @p2 $0x1082  }
0x22: {  	[simem:s7], [sflag:s8] =	dma.local @!p0 [hbm:s6], $0xF7A  }
0x23: {  	s9 =	sor.u32 $0xD0000000, s2;
	s6 =	simm.s32 $0x108;
	_ =	swait.ge @!p0 [sflag:s8], $0x0  }
0x24: {  	s3 =	sadd.s32 $0x88, s3;
	s6 =	simm.s32 @!p1 $0x1082;
	[sflag:s4] =	ssyncset.s32 $0xFFFFF086  }
0x25: {  	[simem:s6], [sflag:s4] =	dma.local [hbm:s3], $0xF7A  }
0x26: {  	[smem:$0x3F9A] =	sst s1;
	(tag) =	ssettag s2;
	_ =	strace s9  }
0x27: {  	s1 =	sld [smem:$0x3FAA]  }
0x28: {  	s2 =	sld [smem:$0x3FAB]  }
0x29: {  	s4 =	sld [smem:$0x3FAD]  }
0x2a: {  	p0 =	seq.s32 s5, $0x0;
	s5 =	sld [smem:$0x3FAE]  }
0x2b: {  	s6 =	sld [smem:$0x3FAF]  }
0x2c: {  	s7 =	sld [smem:$0x3FB0]  }
0x2d: {  	s3 =	simm.s32 $0x108;
	s8 =	sld [smem:$0x3FB1]  }
0x2e: {  	s3 =	simm.s32 @!p0 $0x1082;
	s9 =	sld [smem:$0x3FB2]  }
0x2f: {  	lr =	sadd.s32 s0, s3;
	s0 =	sld [smem:$0x3FA9]  }
0x30: {  	s3 =	sld [smem:$0x3FAC]  }
0x31: {  	[smem:$0x3FB5] =	sst s10  }
0x32: {  	s10 =	sld [smem:$0x3FB3];
	_ =	sdelay $0x3  }
0x33: {  	p0 =	seq.s32 s10, $0x1;
	s10 =	sld [smem:$0x3FB5];
	_ =	sdelay $0x3  }
0x34: {  	[smem:$0x3FB5] =	sst s10  }
0x35: {  	s10 =	sld [smem:$0x3FB4];
	_ =	sdelay $0x3  }
0x36: {  	p1 =	seq.s32 s10, $0x1;
	s10 =	sld [smem:$0x3FB5];
	_ =	sdelay $0x3  }
0x37: {  	[smem:$0x3FB5] =	sst s10  }
0x38: {  	s10 =	sld [smem:$0x3FB6]  }
0x39: {  	_ = 	snop;
	(pc) =	sbr.ind lr, $3  }
0x3a: {  	_ = 	snop  }
0x3b: {  	_ = 	snop  }
0x3c: {  	p2 =	seq.s32 s10, $0x1;
	s10 =	sld [smem:$0x3FB5]  }
0x3d: {  	_ =	shalt  }
0x3e: {  	_ =	shalt  }
0x3f: {  	_ =	shalt  }
0x40: {  	_ =	shalt  }
0x41: {  	_ =	shalt  }
0x42: {  	_ =	shalt  }
0x43: {  	_ =	shalt  }
0x44: {  	_ =	shalt  }
0x45: {  	_ =	shalt  }
0x46: {  	_ =	shalt  }
0x47: {  	_ =	shalt  }
0x48: {  	_ =	shalt  }
0x49: {  	_ =	shalt  }
0x4a: {  	_ =	shalt  }
0x4b: {  	_ =	shalt  }
0x4c: {  	_ =	shalt  }
0x4d: {  	_ =	shalt  }
0x4e: {  	_ =	shalt  }
0x4f: {  	_ =	shalt  }
0x50: {  	_ =	shalt  }
0x51: {  	_ =	shalt  }
0x52: {  	_ =	shalt  }
0x53: {  	_ =	shalt  }
0x54: {  	_ =	shalt  }
0x55: {  	_ =	shalt  }
0x56: {  	_ =	shalt  }
0x57: {  	_ =	shalt  }
0x58: {  	_ =	shalt  }
0x59: {  	_ =	shalt  }
0x5a: {  	_ =	shalt  }
0x5b: {  	_ =	shalt  }
0x5c: {  	_ =	shalt  }
0x5d: {  	_ =	shalt  }
0x5e: {  	_ =	shalt  }
0x5f: {  	_ =	shalt  }
0x60: {  	_ =	shalt  }
0x61: {  	_ =	shalt  }
0x62: {  	_ =	shalt  }
0x63: {  	_ =	shalt  }
0x64: {  	_ =	shalt  }
0x65: {  	_ =	shalt  }
0x66: {  	_ =	shalt  }
0x67: {  	_ =	shalt  }
0x68: {  	_ =	shalt  }
0x69: {  	_ =	shalt  }
0x6a: {  	_ =	shalt  }
0x6b: {  	_ =	shalt  }
0x6c: {  	_ =	shalt  }
0x6d: {  	_ =	shalt  }
0x6e: {  	_ =	shalt  }
0x6f: {  	_ =	shalt  }
0x70: {  	_ =	shalt  }
0x71: {  	_ =	shalt  }
0x72: {  	_ =	shalt  }
0x73: {  	_ =	shalt  }
0x74: {  	_ =	shalt  }
0x75: {  	_ =	shalt  }
0x76: {  	_ =	shalt  }
0x77: {  	_ =	shalt  }
0x78: {  	_ =	shalt  }
0x79: {  	_ =	shalt  }
0x7a: {  	_ =	shalt  }
0x7b: {  	_ =	shalt  }
0x7c: {  	_ =	shalt  }
0x7d: {  	_ =	shalt  }
0x7e: {  	_ =	shalt  }
0x7f: {  	_ =	shalt  }
0x80: {  	_ =	shalt  }
0x81: {  	_ =	shalt  }
0x82: {  	_ =	shalt  }
0x83: {  	_ =	shalt  }
0x84: {  	_ =	shalt  }
0x85: {  	_ =	shalt  }
0x86: {  	_ =	shalt  }
0x87: {  	_ =	shalt  }
.Lfunc_end0:
.L_simem_size_0:
called_computation.1_lowered:
.L_overlay_start_0:
0x88: {  	s2 =	sld [smem:$0x3FD9]  }
0x89: {  	s3 =	sld [smem:$0x3FFE];
	_ =	sdelay $0x1  }
0x8a: {  	s1 =	srdreg.scid  }
0x8b: {  	s0 =	sand.u32 $0x1, s1  }
0x8c: {  	s17 =	sshll.u32 s0, $0xA;
	s2 =	sadd.s32 s3, s2  }
0x8d: {  	s2 =	sadd.s32 s2, s17  }
0x8e: {  	[smem:$0x3FC1] =	sst s2  }
0x8f: {  	_ = 	snop  }
0x90: {  	s2 =	sld [smem:$0x3FD0];
	(tm) =	ssettm $0x1  }
0x91: {  	s18 =	sld [smem:$0x3FFB];
	_ =	sdelay $0x3  }
0x92: {  	_ =	strace s18  }
0x93: {  	s3 =	sld [smem:$0x3FFC];
	_ =	sdelay $0x3  }
0x94: {  	_ =	strace s3  }
0x95: {  	s3 =	sld [smem:$0x3FFD];
	_ =	sdelay $0x3  }
0x96: {  	_ =	strace s3  }
0x97: {  	_ =	strace $0x8FFFFFFF  }
0x98: {  	s19 =	sld [smem:$0x3FDB];
	_ =	sdelay $0x1  }
0x99: {  	s4 =	simm.s32 $_scs_section_size  }
0x9a: {  	s5 =	simm.s32 $_size__tile_overlayer_lowered;
	s6 =	simm.s32 $_tile_overlayer_lowered  }
0x9b: {  	s22 =	simm.s32 $0x1BFF;
	s21 =	sshll.u32 s6, $0x1;
	s3 =	sadd.s32 s4, s19  }
0x9c: {  	s7 =	simm.s32 $0x0;
	s20 =	sshll.u32 s5, $0x1;
	s5 =	sadd.s32 s21, s3  }
0x9d: {  	[timem:s7], [sflag:s22] =	dma.local [hbm:s5], s20  }
0x9e: {  	_ =	swait.ge [sflag:s22], s20  }
0x9f: {  	s4 =	ssub.s32 $0x0, s20;
	[sflag:s22] =	ssyncset.done $0x0  }
0xa0: {  	[sflag:s22] =	ssyncadd.s32 s4;
	_ =	sdelay $0x1  }
0xa1: {  	s23 =	simm.s32 $0x1B8B  }
0xa2: {  	_ =	swait.ge [sflag:s23], $0x1  }
0xa3: {  	[sflag:s23] =	ssyncset.done $0x0  }
0xa4: {  	s25 =	simm.s32 $0x1B8E;
	s24 =	sld [smem:$0x3FFE];
	[sflag:s23] =	ssyncadd.s32 $0xFFFFFFFF  }
0xa5: {  	s26 =	simm.s32 $execute0_lowered;
	[smem:$0x3FD2] =	sst s25  }
0xa6: {  	s5 =	sshll.u32 s26, $0x1;
	_ =	strace $0x80000046;
	[dreg:$0x1] =	wrdreg $0xFFFFFFFF  }
0xa7: {  	s28 =	simm.s32 $_size_execute0_lowered;
	s3 =	sadd.s32 s3, s5;
	[dreg:$0x0] =	wrdreg $0x0  }
0xa8: {  	s5 =	sshll.u32 s28, $0x1;
	[dreg:$0x2] =	wrdreg s3  }
0xa9: {  	[dreg:$0x3] =	wrdreg s5  }
0xaa: {  	[dreg:$0x4] =	wrdreg $0xC0  }
0xab: {  	_ =	task [dreg:s7], $0x5FFFF  }
0xac: {  	[dreg:$0x1] =	wrdreg $0xFFFFFFFF  }
0xad: {  	[dreg:$0x0] =	wrdreg $0x60  }
0xae: {  	[dreg:$0x2] =	wrdreg s2  }
0xaf: {  	[dreg:$0x3] =	wrdreg s24  }
0xb0: {  	[dreg:$0x4] =	wrdreg $0xA3000  }
0xb1: {  	[dreg:$0x5] =	wrdreg $0x9  }
0xb2: {  	_ =	task.clear_ibuf [dreg:s7], $0x6FFFF;
	_ =	strace $0x90000046  }
0xb3: {  	s29 =	simm.s32 $0x9;
	_ =	strace $0x80000048  }
0xb4: {  	_ =	swait.ge [sflag:s29], $0x1  }
0xb5: {  	[sflag:s29] =	ssyncadd.s32 $0xFFFFFFFF  }
0xb6: {  	_ =	strace $0x90000048  }
0xb7: {  	_ =	sfence  }
0xb8: {  	s30 =	sld [smem:$0x0];
	_ =	sdelay $0x2  }
0xb9: {  	s31 =	sshll.u32 s1, $0xD;
	s1 =	sshrl.u32 s1, $0x2  }
0xba: {  	s3 =	sand.u32 $0x4000, s31;
	s1 =	sadd.s32 s1, s30  }
0xbb: {  	s0 =	sor.u32 s3, s0;
	s1 =	sshll.u32 s1, $0x11  }
0xbc: {  	s0 =	sor.u32 s1, s0  }
0xbd: {  	s0 =	sadd.s32 $0x8F2B, s0  }
0xbe: {  	[sflag:s0] =	ssyncadd.remote.s32 $0x1  }
0xbf: {  	_ =	sfence.sel $0xFFFF  }
0xc0: {  	[dreg:$0x0] =	wrdreg $0xFFFFFFFF;
	(pc) =	sbr.abs _section_cstart, $3  }
0xc1: {  	[dreg:$0x1] =	wrdreg $0xFFFFFFFF  }
0xc2: {  	_ =	task.clear_ibuf [dreg:s7], $0x2FFFF;
	_ =	strace $0x9FFFFFFF  }
0xc3: {  	(tm) =	ssettm $0x7FFFFFFF  }
tec
execute0_lowered:
.L_overlay_start_1:
0x0: {  	(tag) =	ssettag $0x1  }
0x1: {  	s1 =	rddreg [dreg:$0x0]  }
0x2: {  	s0 =	rddreg [dreg:$0x1]  }
0x3: {  	s2 =	rddreg [dreg:$0x2];
	s3 =	srdreg.scid  }
0x4: {  	s5 =	stileid.u32;
	s29 =	simm.s32 $0x6E00;
	s30 =	simm.s32 $0x300  }
0x5: {  	s31 =	simm.s32 $0x400;
	s4 =	sand.u32 $0x1, s3;
	s11 =	smul.u32 $0x2700, s5  }
0x6: {  	s3 =	simm.s32 $0x0;
	s9 =	sadd.s32 $0x2200, s0;
	s10 =	smul.u32 $0x4E000, s5  }
0x7: {  	s22 =	sshll.u32 s5, $0x6;
	s24 =	smul.u32 $0x6000, s5;
	s14 =	sadd.s32 $0x138000, s2  }
0x8: {  	p0 =	sne.s32 s5, $0x0;
	s6 =	sshll.u32 s4, $0x4;
	s8 =	smul.u32 $0x27100, s4  }
0x9: {  	[smem:$0x7FF] =	sst s3;
	s12 =	ssub.s32 $0x2, s4;
	s4 =	smul.u32 $0x60000, s4  }
0xa: {  	s25 =	sor.u32 $0x1C0A, s22;
	s6 =	sor.u32 s5, s6;
	_ =	strace $0x80000047  }
0xb: {  	[dreg:$0x4] =	wrdreg s11;
	s11 =	sadd.s32 s11, s0;
	s13 =	sshrl.u32 s12, $0x1  }
0xc: {  	s10 =	sshrl.u32 s10, $0x2;
	[dreg:$0x8] =	wrdreg s14;
	s5 =	simm.s32 $0x0  }
0xd: {  	[dreg:$0x6] =	wrdreg s25;
	s7 =	sshll.u32 s6, $0x5;
	s8 =	sadd.s32 s8, s0  }
0xe: {  	s6 =	smul.u32 $0x6000, s6;
	s12 =	ssub.s32 s12, s13;
	s10 =	sadd.s32 s10, s2  }
0xf: {  	s11 =	sadd.s32 $0x1A200, s11;
	s14 =	sadd.s32 s24, s4;
	s7 =	sadd.s32 s7, s0  }
0x10: {  	[dreg:$0x5] =	wrdreg s11;
	s0 =	sadd.s32 $0x41200, s0;
	s17 =	sadd.s32 $0x41400, s8  }
0x11: {  	s18 =	smax.u32 s12, $0x1;
	s19 =	sor.u32 $0x700, s14;
	s20 =	sor.u32 $0x800, s14  }
0x12: {  	s24 =	sor.u32 $0x400, s14;
	s28 =	sshrl.u32 s10, $0x3;
	s8 =	simm.s32 $0x2  }
0x13: {  	s10 =	simm.s32 $0x3;
	s12 =	simm.s32 $0x4;
	[dreg:$0x9] =	wrdreg s0  }
0x14: {  	s6 =	sshrl.u32 s6, $0x3;
	s13 =	sadd.s32 $0x1E00, s7;
	[dreg:$0xd] =	wrdreg s17  }
0x15: {  	[dreg:$0xe] =	wrdreg s18;
	s4 =	sshrl.u32 s19, $0x3;
	s22 =	sshrl.u32 s20, $0x3  }
0x16: {  	s0 =	sor.u32 $0x300, s14;
	s7 =	simm.s32 $0x5;
	[dreg:$0xf] =	wrdreg s28  }
0x17: {  	s23 =	sadd.s32 s9, s6;
	[dreg:$0xc] =	wrdreg s13;
	s6 =	sor.u32 $0x600, s14  }
0x18: {  	s15 =	sadd.s32 s4, s9;
	s17 =	sadd.s32 s22, s9;
	s0 =	sshrl.u32 s0, $0x3  }
0x19: {  	s22 =	simm.s32 $0xA;
	s13 =	simm.s32 $0x8;
	s26 =	sadd.s32 $0x20, s23  }
0x1a: {  	[dreg:$0x7] =	wrdreg s23;
	s11 =	sadd.s32 $0x40, s23;
	s21 =	sshrl.u32 s6, $0x3  }
0x1b: {  	s23 =	sor.u32 $0x500, s14;
	s20 =	sadd.s32 s0, s9;
	s0 =	simm.s32 $0x500  }
.Ltmp0:
0x1c: {  	s14 =	simm.s32 $0x7;
	[dreg:$0xa] =	wrdreg s26;
	(pc) =	sbr.rel .LBB2_1-.Ltmp0, $4  }
0x1d: {  	s6 =	simm.s32 $0x9;
	[dreg:$0xb] =	wrdreg s11;
	s16 =	sadd.s32 s21, s9  }
0x1e: {  	s4 =	sshrl.u32 s23, $0x3;
	s26 =	sshrl.u32 s24, $0x3;
	s23 =	simm.s32 $0x68  }
0x1f: {  	s24 =	simm.s32 $0x600;
	s21 =	simm.s32 $0x6;
	s18 =	sadd.s32 s4, s9  }
0x20: {  	s19 =	sadd.s32 s26, s9;
	s26 =	simm.s32 $0x3A00;
	s4 =	simm.s32 $0x1  }
.LBB2_4:
0x21: {  	_ =	swait.ge [sflag:s7], $0x3400  }
0x22: {  	[sflag:s7] =	ssyncset.done $0x0  }
0x23: {  	[sflag:s7] =	ssyncadd.s32 $0xFFFFCC00  }
0x24: {  	_ =	swait.ge [sflag:s21], $0x3400  }
0x25: {  	s5 =	simm.s32 $0xA200;
	[sflag:s21] =	ssyncset.done $0x0  }
0x26: {  	s11 =	simm.s32 $0xA;
	s9 =	rddreg [dreg:$0xc];
	[sflag:s21] =	ssyncadd.s32 $0xFFFFCC00  }
0x27: {  	[tilespmem:s5], [sflag:$0xA] =	stream.linear.gather [hbm4b:s9+s3], $0x100, $0x38;
	[tilespmem:$0x1DB80] =	vst v63  }
0x28: {  	_ =	swait.ge [sflag:s11], $0x100  }
0x29: {  	[sflag:s11] =	ssyncset.done $0x0  }
0x2a: {  	s22 =	simm.s32 $0x10;
	[sflag:s11] =	ssyncadd.s32 $0xFFFFFF00  }
0x2b: {  	[tilespmem:s24], [sflag:$0x1] =	stream.indirect.gather [hbm4b:s1+s22], $0x80, s5, s22, $0xb8;
	[tilespmem:$0x1DB80] =	vst v63  }
0x2c: {  	_ =	swait.ge [sflag:s4], $0x800  }
0x2d: {  	[sflag:s4] =	ssyncset.done $0x0  }
0x2e: {  	s25 =	simm.s32 $0xA280;
	[sflag:s4] =	ssyncadd.s32 $0xFFFFF800  }
0x2f: {  	[spmem:s2] =	stream.indirect.scatter.add.f32 [tilespmem:s24], [sflag:$0xA], $0x80, s25, s22, $0xb8;
	[tilespmem:$0x1DB80] =	vst v63  }
0x30: {  	_ =	swait.ge [sflag:s11], $0x800  }
0x31: {  	[sflag:s11] =	ssyncset.done $0x0  }
0x32: {  	[sflag:s11] =	ssyncadd.s32 $0xFFFFF800  }
0x33: {  	[bflag:$0x0] =	sbarrier.arrive $0xFFFF  }
0x34: {  	s5 =	rddreg [dreg:$0x4]  }
0x35: {  	s22 =	rddreg [dreg:$0xd]  }
0x36: {  	s25 =	rddreg [dreg:$0x6]  }
0x37: {  	s28 =	rddreg [dreg:$0xf];
	s9 =	sadd.s32 s5, s22  }
0x38: {  	[hbm:s9], [sflag:s25] =	dma.local [spmem:s28], $0x2700  }
0x39: {  	_ =	swait.ge [sflag:s11], $0x2700  }
0x3a: {  	[sflag:s11] =	ssyncset.done $0x0  }
0x3b: {  	s9 =	sadd.s32 @!p0 $0x27000, s22;
	s5 =	rddreg [dreg:$0x11];
	[sflag:s11] =	ssyncadd.s32 $0xFFFFD900  }
0x3c: {  	[hbm:s9], [sflag:s25] =	dma.local @!p0 [spmem:s5], $0x100  }
0x3d: {  	s9 =	simm.s32 @!p0 $0xA  }
0x3e: {  	_ =	swait.ge @!p0 [sflag:s9], $0x100  }
0x3f: {  	s22 =	rddreg [dreg:$0x10]  }
0x40: {  	s11 =	rddreg [dreg:$0xe];
	s5 =	sadd.s32 $0x1, s22  }
0x41: {  	p1 =	sne.s32 s5, s11  }
.Ltmp1:
0x42: {  	_ = 	snop;
	(pc) =	sbr.rel @!p1 .LBB2_5-.Ltmp1, $3  }
0x43: {  	_ =	sdelay $0x1  }
0x44: {  	[sflag:s9] =	ssyncset.done @!p0 $0x0  }
0x45: {  	s22 =	simm.s32 $0xA;
	[sflag:s9] =	ssyncadd.s32 @!p0 $0xFFFFFF00  }
.LBB2_1:
0x46: {  	[dreg:$0x10] =	wrdreg s5  }
0x47: {  	s9 =	rddreg [dreg:$0x5]  }
0x48: {  	[spmem:s28], [sflag:s25] =	dma.local [hbm:s9], $0x2700  }
0x49: {  	_ =	swait.ge [sflag:s22], $0x2700  }
0x4a: {  	s9 =	rddreg [dreg:$0x8]  }
0x4b: {  	[sflag:s22] =	ssyncset.done $0x0;
	s5 =	sshrl.u32 @!p0 s9, $0x3;
	s9 =	rddreg [dreg:$0x9]  }
0x4c: {  	s28 =	simm.s32 @!p0 $0xA;
	[sflag:s22] =	ssyncadd.s32 $0xFFFFD900;
	[dreg:$0x11] =	wrdreg s5  }
0x4d: {  	[spmem:s5], [sflag:s25] =	dma.local @!p0 [hbm:s9], $0x100  }
0x4e: {  	_ =	swait.ge @!p0 [sflag:s28], $0x100  }
0x4f: {  	[sflag:s28] =	ssyncset.done @!p0 $0x0  }
0x50: {  	[sflag:s28] =	ssyncadd.s32 @!p0 $0xFFFFFF00  }
0x51: {  	[bflag:$0x0] =	sbarrier.arrive $0xFFFF  }
0x52: {  	s11 =	rddreg [dreg:$0x7]  }
0x53: {  	[tilespmem:s3], [sflag:$0xA] =	stream.linear.gather [hbm4b:s11+s3], $0x100, $0x38;
	[tilespmem:$0x1DB80] =	vst v63  }
0x54: {  	_ =	swait.ge [sflag:s22], $0x100  }
0x55: {  	[sflag:s22] =	ssyncset.done $0x0  }
0x56: {  	[sflag:s22] =	ssyncadd.s32 $0xFFFFFF00  }
0x57: {  	[tilespmem:s24], [sflag:$0x1] =	stream.indirect.gather [hbm4b:s1+s23], $0x80, s3, s23, $0xb8;
	[tilespmem:$0x1DB80] =	vst v63  }
0x58: {  	s11 =	simm.s32 $0x100;
	s25 =	rddreg [dreg:$0xa]  }
0x59: {  	[tilespmem:s11], [sflag:$0xA] =	stream.linear.gather [hbm4b:s25+s3], $0x100, $0x38;
	[tilespmem:$0x1DB80] =	vst v63  }
0x5a: {  	_ =	swait.ge [sflag:s22], $0x100  }
0x5b: {  	[sflag:s22] =	ssyncset.done $0x0  }
0x5c: {  	[sflag:s22] =	ssyncadd.s32 $0xFFFFFF00  }
0x5d: {  	[tilespmem:s26], [sflag:$0x2] =	stream.indirect.gather [hbm4b:s1+s23], $0x80, s11, s23, $0xb8;
	[tilespmem:$0x1DB80] =	vst v63  }
0x5e: {  	s5 =	rddreg [dreg:$0xb];
	s11 =	simm.s32 $0x200  }
0x5f: {  	[tilespmem:s11], [sflag:$0xA] =	stream.linear.gather [hbm4b:s5+s3], $0x100, $0x38;
	[tilespmem:$0x1DB80] =	vst v63  }
0x60: {  	_ =	swait.ge [sflag:s22], $0x100  }
0x61: {  	s28 =	simm.s32 $0x0;
	[sflag:s22] =	ssyncset.done $0x0  }
0x62: {  	s25 =	simm.s32 $0x100;
	s5 =	simm.s32 $0x200;
	[sflag:s22] =	ssyncadd.s32 $0xFFFFFF00  }
0x63: {  	[tilespmem:s29], [sflag:$0x3] =	stream.indirect.gather [hbm4b:s1+s23], $0x80, s11, s23, $0xb8;
	[tilespmem:$0x1DB80] =	vst v63  }
.LBB2_2:
0x64: {  	s9 =	sadd.s32 s28, s20  }
0x65: {  	[tilespmem:s30], [sflag:$0x7] =	stream.linear.gather [hbm4b:s9+s3], $0x100, $0x38;
	[tilespmem:$0x1DB80] =	vst v63  }
0x66: {  	s11 =	sadd.s32 s28, s19  }
0x67: {  	[tilespmem:s31], [sflag:$0x8] =	stream.linear.gather [hbm4b:s11+s3], $0x100, $0x38;
	[tilespmem:$0x1DB80] =	vst v63  }
0x68: {  	s22 =	sadd.s32 s28, s18  }
0x69: {  	[tilespmem:s0], [sflag:$0x9] =	stream.linear.gather [hbm4b:s22+s3], $0x100, $0x38;
	[tilespmem:$0x1DB80] =	vst v63  }
0x6a: {  	_ =	swait.ge [sflag:s4], $0x3400  }
0x6b: {  	[sflag:s4] =	ssyncset.done $0x0  }
0x6c: {  	s11 =	simm.s32 $0x80;
	[sflag:s4] =	ssyncadd.s32 $0xFFFFCC00  }
0x6d: {  	[spmem:s2] =	stream.indirect.scatter.add.f32 [tilespmem:s24], [sflag:$0x4], $0x80, s11, s23, $0xb8;
	[tilespmem:$0x1DB80] =	vst v63  }
0x6e: {  	_ =	swait.ge [sflag:s8], $0x3400  }
0x6f: {  	[sflag:s8] =	ssyncset.done $0x0  }
0x70: {  	s22 =	simm.s32 $0x180;
	[sflag:s8] =	ssyncadd.s32 $0xFFFFCC00  }
0x71: {  	[spmem:s2] =	stream.indirect.scatter.add.f32 [tilespmem:s26], [sflag:$0x5], $0x80, s22, s23, $0xb8;
	[tilespmem:$0x1DB80] =	vst v63  }
0x72: {  	_ =	swait.ge [sflag:s10], $0x3400  }
0x73: {  	[sflag:s10] =	ssyncset.done $0x0  }
0x74: {  	s11 =	simm.s32 $0x280;
	[sflag:s10] =	ssyncadd.s32 $0xFFFFCC00  }
0x75: {  	[spmem:s2] =	stream.indirect.scatter.add.f32 [tilespmem:s29], [sflag:$0x6], $0x80, s11, s23, $0xb8;
	[tilespmem:$0x1DB80] =	vst v63  }
0x76: {  	_ =	swait.ge [sflag:s12], $0x3400  }
0x77: {  	[sflag:s12] =	ssyncset.done $0x0  }
0x78: {  	[sflag:s12] =	ssyncadd.s32 $0xFFFFCC00  }
0x79: {  	_ =	swait.ge [sflag:s14], $0x100  }
0x7a: {  	[sflag:s14] =	ssyncset.done $0x0  }
0x7b: {  	[sflag:s14] =	ssyncadd.s32 $0xFFFFFF00  }
0x7c: {  	[tilespmem:s24], [sflag:$0x1] =	stream.indirect.gather [hbm4b:s1+s23], $0x80, s30, s23, $0xb8;
	[tilespmem:$0x1DB80] =	vst v63  }
0x7d: {  	_ =	swait.ge [sflag:s7], $0x3400  }
0x7e: {  	[sflag:s7] =	ssyncset.done $0x0  }
0x7f: {  	[sflag:s7] =	ssyncadd.s32 $0xFFFFCC00  }
0x80: {  	_ =	swait.ge [sflag:s13], $0x100  }
0x81: {  	[sflag:s13] =	ssyncset.done $0x0  }
0x82: {  	[sflag:s13] =	ssyncadd.s32 $0xFFFFFF00  }
0x83: {  	[tilespmem:s26], [sflag:$0x2] =	stream.indirect.gather [hbm4b:s1+s23], $0x80, s31, s23, $0xb8;
	[tilespmem:$0x1DB80] =	vst v63  }
0x84: {  	_ =	swait.ge [sflag:s21], $0x3400  }
0x85: {  	[sflag:s21] =	ssyncset.done $0x0  }
0x86: {  	[sflag:s21] =	ssyncadd.s32 $0xFFFFCC00  }
0x87: {  	_ =	swait.ge [sflag:s6], $0x100  }
0x88: {  	[sflag:s6] =	ssyncset.done $0x0  }
0x89: {  	p1 =	seq.s32 s28, $0xB40;
	[sflag:s6] =	ssyncadd.s32 $0xFFFFFF00  }
0x8a: {  	[tilespmem:s29], [sflag:$0x3] =	stream.indirect.gather [hbm4b:s1+s23], $0x80, s0, s23, $0xb8;
	[tilespmem:$0x1DB80] =	vst v63  }
0x8b: {  	s9 =	sadd.s32 @!p1 s28, s16;
	s11 =	simm.s32 @!p1 $0x0  }
0x8c: {  	[tilespmem:s11], [sflag:$0x7] =	stream.linear.gather @!p1 [hbm4b:s9+s11], $0x100, $0x38;
	[tilespmem:$0x1DB80] =	vst v63  }
0x8d: {  	s22 =	simm.s32 @!p1 $0x100;
	s9 =	sadd.s32 @!p1 s28, s15  }
0x8e: {  	[tilespmem:s22], [sflag:$0x8] =	stream.linear.gather @!p1 [hbm4b:s9+s11], $0x100, $0x38;
	[tilespmem:$0x1DB80] =	vst v63  }
0x8f: {  	s9 =	sadd.s32 @!p1 s28, s17;
	s22 =	simm.s32 @!p1 $0x200  }
0x90: {  	[tilespmem:s22], [sflag:$0x9] =	stream.linear.gather @!p1 [hbm4b:s9+s11], $0x100, $0x38;
	[tilespmem:$0x1DB80] =	vst v63  }
0x91: {  	_ =	swait.ge [sflag:s4], $0x3400  }
0x92: {  	[sflag:s4] =	ssyncset.done $0x0  }
0x93: {  	s22 =	simm.s32 $0x380;
	[sflag:s4] =	ssyncadd.s32 $0xFFFFCC00  }
0x94: {  	[spmem:s2] =	stream.indirect.scatter.add.f32 [tilespmem:s24], [sflag:$0x4], $0x80, s22, s23, $0xb8;
	[tilespmem:$0x1DB80] =	vst v63  }
0x95: {  	_ =	swait.ge [sflag:s8], $0x3400  }
0x96: {  	[sflag:s8] =	ssyncset.done $0x0  }
0x97: {  	s11 =	simm.s32 $0x480;
	[sflag:s8] =	ssyncadd.s32 $0xFFFFCC00  }
0x98: {  	[spmem:s2] =	stream.indirect.scatter.add.f32 [tilespmem:s26], [sflag:$0x5], $0x80, s11, s23, $0xb8;
	[tilespmem:$0x1DB80] =	vst v63  }
0x99: {  	_ =	swait.ge [sflag:s10], $0x3400  }
0x9a: {  	[sflag:s10] =	ssyncset.done $0x0  }
.Ltmp2:
0x9b: {  	s22 =	simm.s32 $0x580;
	[sflag:s10] =	ssyncadd.s32 $0xFFFFCC00;
	(pc) =	sbr.rel @p1 .LBB2_4-.Ltmp2, $4  }
0x9c: {  	[spmem:s2] =	stream.indirect.scatter.add.f32 [tilespmem:s29], [sflag:$0x6], $0x80, s22, s23, $0xb8;
	[tilespmem:$0x1DB80] =	vst v63  }
0x9d: {  	_ =	swait.ge [sflag:s12], $0x3400  }
0x9e: {  	[sflag:s12] =	ssyncset.done $0x0  }
0x9f: {  	[sflag:s12] =	ssyncadd.s32 $0xFFFFCC00  }
0xa0: {  	_ =	swait.ge [sflag:s14], $0x100  }
0xa1: {  	[sflag:s14] =	ssyncset.done $0x0  }
0xa2: {  	[sflag:s14] =	ssyncadd.s32 $0xFFFFFF00  }
0xa3: {  	[tilespmem:s24], [sflag:$0x1] =	stream.indirect.gather [hbm4b:s1+s23], $0x80, s3, s23, $0xb8;
	[tilespmem:$0x1DB80] =	vst v63  }
0xa4: {  	_ =	swait.ge [sflag:s7], $0x3400  }
0xa5: {  	[sflag:s7] =	ssyncset.done $0x0  }
0xa6: {  	[sflag:s7] =	ssyncadd.s32 $0xFFFFCC00  }
0xa7: {  	_ =	swait.ge [sflag:s13], $0x100  }
0xa8: {  	[sflag:s13] =	ssyncset.done $0x0  }
0xa9: {  	[sflag:s13] =	ssyncadd.s32 $0xFFFFFF00  }
0xaa: {  	[tilespmem:s26], [sflag:$0x2] =	stream.indirect.gather [hbm4b:s1+s23], $0x80, s25, s23, $0xb8;
	[tilespmem:$0x1DB80] =	vst v63  }
0xab: {  	_ =	swait.ge [sflag:s21], $0x3400  }
0xac: {  	[sflag:s21] =	ssyncset.done $0x0  }
.Ltmp3:
0xad: {  	[sflag:s21] =	ssyncadd.s32 $0xFFFFCC00;
	(pc) =	sbr.rel .LBB2_2-.Ltmp3, $4  }
0xae: {  	_ =	swait.ge [sflag:s6], $0x100  }
0xaf: {  	[sflag:s6] =	ssyncset.done $0x0  }
0xb0: {  	s28 =	sadd.s32 $0xC0, s28;
	[sflag:s6] =	ssyncadd.s32 $0xFFFFFF00  }
0xb1: {  	[tilespmem:s29], [sflag:$0x3] =	stream.indirect.gather [hbm4b:s1+s23], $0x80, s5, s23, $0xb8;
	[tilespmem:$0x1DB80] =	vst v63  }
.LBB2_5:
0xb2: {  	_ =	sfence.sel $0x180000  }
0xb3: {  	[bflag:$0x0] =	sbarrier.arrive $0xFFFF  }
0xb4: {  	_ =	strace $0x90000047  }
0xb5: {  	[bflag:$0x2] =	sbarrier.arrive $0xFFFF  }
0xb6: {  	s0 =	rddreg [dreg:$0x3]  }
0xb7: {  	s0 =	sadd.s32 @!p0 $0x100000, s0  }
0xb8: {  	[sflag:s0] =	ssyncadd.tile.s32 @!p0 $0x1;
	_ =	shalt  }
.Lfunc_end2:
_tile_overlayer_lowered:
.L_overlay_start_2:
0xb9: {  	(tag) =	ssettag $0x2  }
0xba: {  	s0 =	rddreg [dreg:$0x0];
	s2 =	stileid.u32  }
0xbb: {  	s1 =	rddreg [dreg:$0x1];
	p0 =	sne.s32 s2, $0x0  }
0xbc: {  	s3 =	rddreg [dreg:$0x2];
	[bflag:$0x3] =	sbarrier.arrive $0xFFFF;
	s2 =	simm.s32 @!p0 $0x1C0A  }
0xbd: {  	[timem:s3], [sflag:s2] =	dma.local @!p0 [hbm:s0], s1  }
0xbe: {  	s0 =	simm.s32 @!p0 $0xA  }
0xbf: {  	_ =	swait.ge @!p0 [sflag:s0], s1  }
0xc0: {  	s1 =	ssub.s32 @!p0 $0x0, s1;
	[sflag:s0] =	ssyncset.done @!p0 $0x0  }
0xc1: {  	[sflag:s0] =	ssyncadd.s32 @!p0 s1  }
0xc2: {  	[bflag:$0x3] =	sbarrier.arrive $0xFFFF  }
0xc3: {  	_ =	shalt  }

</sc_bundles>
